<compile_context>
chip_gen: v7x
topology: tpu7x:2x2x1
jax: 0.10.2.dev20260603
libtpu: 0.0.44.dev20260713+nightly
codegen_flags: <defaults>
</compile_context>

<pallas_src>
import functools
import math

import jax
import jax.numpy as jnp
from jax import lax
from jax.experimental import pallas as pl
from jax.experimental.pallas import tpu as pltpu
from jax.experimental.pallas import tpu_sc as plsc

VOCAB = 1000000
DIM = 64
MAX_LEN = 200
BATCH = 1024
SEQ = 200

NC = 2
NS = 16
NW = NC * NS

ROWS = BATCH * SEQ
ROWS_PER_W = ROWS // NW
CHUNK = 128
NCHUNK = ROWS_PER_W // CHUNK
PE_ROWS = MAX_LEN + CHUNK
NG = 5
NO = 5
LANES = 16
SCALE = math.sqrt(DIM)

TBLK = 16384
NBLK = (VOCAB + TBLK - 1) // TBLK
TROWS = NBLK * TBLK

def _fmt_body(tt_ref, t2_ref):
    blk = tt_ref[...]
    eye = jnp.eye(DIM, dtype=jnp.float32)
    t = lax.dot_general(blk, eye, (((0,), (0,)), ((), ())),
                        preferred_element_type=jnp.float32)
    lo = jnp.concatenate(
        [t[256 * k:256 * k + 128] for k in range(TBLK // 256)], axis=0)
    hi = jnp.concatenate(
        [t[256 * k + 128:256 * k + 256] for k in range(TBLK // 256)], axis=0)
    t2_ref[:, 0:DIM] = lo
    t2_ref[:, DIM:128] = hi


_fmt = pl.pallas_call(
    _fmt_body,
    grid=(NBLK,),
    in_specs=[pl.BlockSpec((DIM, TBLK), lambda i: (0, i))],
    out_specs=pl.BlockSpec((TBLK // 2, 128), lambda i: (i, 0)),
    out_shape=jax.ShapeDtypeStruct((TROWS // 2, 128), jnp.float32),
)


def _make_pe():
    w = jnp.exp(-jnp.arange(0, DIM, 2, dtype=jnp.float32) * math.log(10000.0) / DIM)
    p = jnp.arange(0, MAX_LEN, dtype=jnp.float32).reshape(MAX_LEN, 1)
    pe = jnp.zeros((MAX_LEN, DIM), dtype=jnp.float32)
    pe = pe.at[:, 0::2].set(jnp.sin(p * w))
    pe = pe.at[:, 1::2].set(jnp.cos(p * w))
    return pe


@functools.partial(
    pl.kernel,
    mesh=plsc.VectorSubcoreMesh(core_axis_name="c", subcore_axis_name="s"),
    out_type=jax.ShapeDtypeStruct((ROWS, DIM), jnp.float32),
    scratch_types=[
        pltpu.VMEM((NCHUNK, CHUNK), jnp.int32),
        pltpu.VMEM((NCHUNK, CHUNK), jnp.int32),
        pltpu.VMEM((PE_ROWS, DIM), jnp.float32),
        pltpu.VMEM((NG, CHUNK, DIM), jnp.float32),
        pltpu.VMEM((NO, CHUNK, DIM), jnp.float32),
        pltpu.SemaphoreType.DMA((NG,)),
        pltpu.SemaphoreType.DMA((NO,)),
    ],
    compiler_params=pltpu.CompilerParams(use_tc_tiling_on_sc=False),
)
def _sc_embed(idx_hbm, pe_hbm, t2_hbm, out_hbm, iv, pv, pe_v, gbuf, obuf,
              gsem, osem):
    wid = lax.axis_index("s") * NC + lax.axis_index("c")
    base = wid * ROWS_PER_W
    pltpu.sync_copy(idx_hbm.at[pl.ds(wid * NCHUNK, NCHUNK)], iv)
    pltpu.sync_copy(pe_hbm, pe_v)
    def pv_body(c, pcarry):
        for t in range(CHUNK // LANES):
            sl = pl.ds(t * LANES, LANES)
            v16 = iv[c, sl]
            pv[c, sl] = (
                jax.lax.shift_left(jax.lax.shift_right_logical(v16, 8), 8)
                + jax.lax.shift_left(v16 & 127, 1)
                + (jax.lax.shift_right_logical(v16, 7) & 1))
        return pcarry

    lax.fori_loop(0, NCHUNK, pv_body, 0)

    def issue_gather(c, b):
        pltpu.async_copy(t2_hbm.at[pv.at[c]], gbuf.at[b], gsem.at[b])

    for b in range(NG):
        issue_gather(b, b)

    def group_body(g, carry):
        for b in range(NG):
            c = g * NG + b
            o = b % NO
            pltpu.make_async_copy(
                t2_hbm.at[pv.at[c]], gbuf.at[b], gsem.at[b]).wait()

            @pl.when(c >= NO)
            def _():
                pltpu.make_async_copy(
                    obuf.at[o], out_hbm.at[pl.ds(0, CHUNK)], osem.at[o]).wait()

            poff = lax.rem(c * CHUNK, MAX_LEN)

            def row_body(i, rcarry):
                for v in range(DIM // LANES):
                    sl = pl.ds(v * LANES, LANES)
                    obuf[o, i, sl] = gbuf[b, i, sl] * SCALE + pe_v[poff + i, sl]
                return rcarry

            lax.fori_loop(0, CHUNK, row_body, 0)
            pltpu.async_copy(
                obuf.at[o], out_hbm.at[pl.ds(base + c * CHUNK, CHUNK)],
                osem.at[o])

            @pl.when(g < NCHUNK // NG - 1)
            def _():
                issue_gather(c + NG, b)
        return carry

    lax.fori_loop(0, NCHUNK // NG, group_body, 0)

    for o in range(NO):
        pltpu.make_async_copy(
            obuf.at[o], out_hbm.at[pl.ds(0, CHUNK)], osem.at[o]).wait()


def kernel(x, table):
    pe = _make_pe()
    pe = jnp.concatenate([pe, pe[:CHUNK]], axis=0)
    t2r = _fmt(jnp.swapaxes(table, 0, 1)).reshape(TROWS, DIM)
    idx = x.reshape(NW * NCHUNK, CHUNK).astype(jnp.int32)
    out = _sc_embed(idx, pe, t2r)
    return out.reshape(BATCH, SEQ, DIM)

# --- scband reference (transcript-rebuilt; emitter-appended) ---
"""Pipeline reference for scband-decoder-positional-encoding-9758165696843 (READ-ONLY COPY).

The authoritative reference and input builder live on the scoring server;
editing this copy changes nothing except your own understanding.
"""

import math
import jax, jax.numpy as jnp
import numpy as np

VOCAB = 1000000
DIM = 64
MAX_LEN = 200
B = 1024
L = 200


def make_positional_encoding(max_len, dim):
    w = jnp.exp(-jnp.arange(0, dim, 2, dtype=jnp.float32) * math.log(10000.0) / dim)
    p = jnp.arange(0, max_len, dtype=jnp.float32).reshape(max_len, 1)
    pe = jnp.zeros((max_len, dim), dtype=jnp.float32)
    pe = pe.at[:, 0::2].set(jnp.sin(p * w))
    pe = pe.at[:, 1::2].set(jnp.cos(p * w))
    return pe  # [max_len, dim]


def setup_inputs(seed: int = 0) -> dict:
    key = jax.random.key(seed)
    k1, k2 = jax.random.split(key, 2)
    x = jax.random.randint(k1, (B, L), 0, VOCAB, dtype=jnp.int64 if jax.config.read('jax_enable_x64') else jnp.int32)
    table = jax.random.normal(k2, (VOCAB, DIM), dtype=jnp.float32) * 0.02
    return {"x": x, "table": table}


def reference(x, table):
    # Faithful translation of DecoderPositionalEncoding.forward with dropout p=0.0
    pe = make_positional_encoding(MAX_LEN, DIM)  # constant buffer
    x_emb = jnp.take(table, x, axis=0) * math.sqrt(DIM)  # embedding lookup (gather)
    out = x_emb + pe[None, :x_emb.shape[1], :]
    # dropout with p=0.0 is identity
    return out

if __name__ == "__main__":
    import jax
    _d = setup_inputs()
    print(jax.jit(kernel)(*tuple(_d.values())))

</pallas_src>

<mosaic_0001>
#map = affine_map<(d0, d1) -> (0, 0)>
module attributes {stable_mosaic.version = 14 : i64} {
  func.func @_sc_embed(%arg0: i32, %arg1: i32, %arg2: memref<1600x128xi32, #tpu.memory_space<hbm>>, %arg3: memref<328x64xf32, #tpu.memory_space<hbm>>, %arg4: memref<1015808x64xf32, #tpu.memory_space<hbm>>, %arg5: memref<204800x64xf32, #tpu.memory_space<hbm>>, %arg6: memref<50x128xi32, #tpu.memory_space<vmem>>, %arg7: memref<50x128xi32, #tpu.memory_space<vmem>>, %arg8: memref<328x64xf32, #tpu.memory_space<vmem>>, %arg9: memref<5x128x64xf32, #tpu.memory_space<vmem>>, %arg10: memref<5x128x64xf32, #tpu.memory_space<vmem>>, %arg11: memref<5x!tpu.dma_semaphore, #tpu.memory_space<semaphore_mem>>, %arg12: memref<5x!tpu.dma_semaphore, #tpu.memory_space<semaphore_mem>>) attributes {dimension_semantics = [#tpu.dimension_semantics<core_parallel>, #tpu.dimension_semantics<subcore_parallel>], iteration_bounds = array<i64: 2, 16>, scalar_prefetch = 0 : i64, scratch_operands = 7 : i64, tpu.core_type = #tpu.core_type<sc_vector_subcore>, window_params = [{transform_indices = #map}, {transform_indices = #map}, {transform_indices = #map}, {transform_indices = #map}]} {
    %mul3A = arith.constant 2 : i32
    %mul3A_0 = arith.muli %arg1, %mul3A : i32
    %add3A = arith.addi %mul3A_0, %arg0 : i32
    %mul3A_1 = arith.constant 6400 : i32
    %mul3A_2 = arith.muli %add3A, %mul3A_1 : i32
    %mul3A_3 = arith.constant 50 : i32
    %mul3A_4 = arith.muli %add3A, %mul3A_3 : i32
    "tpu.region"() ({
      %run_scoped3A = tpu.sem_alloc : memref<!tpu.dma_semaphore, #tpu.memory_space<semaphore_mem>>
      %dma_start3A_179 = arith.constant 0 : i32
      %dma_start3A_180 = tpu.memref_slice %arg2[%mul3A_4, %dma_start3A_179] : memref<1600x128xi32, #tpu.memory_space<hbm>> -> memref<50x128xi32, #tpu.memory_space<hbm>>
      %dma_start3A_181 = arith.constant 0 : i32
      %dma_start3A_182 = tpu.memref_slice %arg2[%mul3A_4, %dma_start3A_181] : memref<1600x128xi32, #tpu.memory_space<hbm>> -> memref<50x128xi32, #tpu.memory_space<hbm>>
      tpu.enqueue_dma source(%dma_start3A_182 : memref<50x128xi32, #tpu.memory_space<hbm>>) target(%arg6 : memref<50x128xi32, #tpu.memory_space<vmem>>) target_semaphore(%run_scoped3A : memref<!tpu.dma_semaphore, #tpu.memory_space<semaphore_mem>>)
      %dma_wait3A_183 = arith.constant 0 : i32
      %dma_wait3A_184 = tpu.memref_slice %arg2[%mul3A_4, %dma_wait3A_183] : memref<1600x128xi32, #tpu.memory_space<hbm>> -> memref<50x128xi32, #tpu.memory_space<hbm>>
      %dma_wait3A_185 = arith.constant 0 : i32
      %dma_wait3A_186 = tpu.memref_slice %arg2[%mul3A_4, %dma_wait3A_185] : memref<1600x128xi32, #tpu.memory_space<hbm>> -> memref<50x128xi32, #tpu.memory_space<hbm>>
      tpu.wait_dma2 semaphore(%run_scoped3A : memref<!tpu.dma_semaphore, #tpu.memory_space<semaphore_mem>>) src(%dma_wait3A_186 : memref<50x128xi32, #tpu.memory_space<hbm>>) dst(%arg6 : memref<50x128xi32, #tpu.memory_space<vmem>>)
      tpu.yield
    }) : () -> ()
    "tpu.region"() ({
      %run_scoped3A = tpu.sem_alloc : memref<!tpu.dma_semaphore, #tpu.memory_space<semaphore_mem>>
      tpu.enqueue_dma source(%arg3 : memref<328x64xf32, #tpu.memory_space<hbm>>) target(%arg8 : memref<328x64xf32, #tpu.memory_space<vmem>>) target_semaphore(%run_scoped3A : memref<!tpu.dma_semaphore, #tpu.memory_space<semaphore_mem>>)
      tpu.wait_dma2 semaphore(%run_scoped3A : memref<!tpu.dma_semaphore, #tpu.memory_space<semaphore_mem>>) src(%arg3 : memref<328x64xf32, #tpu.memory_space<hbm>>) dst(%arg8 : memref<328x64xf32, #tpu.memory_space<vmem>>)
      tpu.yield
    }) : () -> ()
    %scan3A = arith.constant 0 : i32
    %scan3A_5 = arith.constant 0 : i32
    %scan3A_6 = arith.constant 50 : i32
    %scan3A_7 = arith.addi %scan3A_5, %scan3A_6 : i32
    %scan3A_8 = arith.constant 1 : i32
    scf.for %scan3A_179 = %scan3A_5 to %scan3A_7 step %scan3A_8  : i32 {
      %get3A = arith.index_cast %scan3A_179 : i32 to index
      %get3A_180 = arith.constant 0 : index
      %get3A_181 = tpu.vector_load %arg6[%get3A, %get3A_180] {strides = array<i32>} : memref<50x128xi32, #tpu.memory_space<vmem>>, vector<1x16xi32>,
      %get3A_182 = vector.shape_cast %get3A_181 : vector<1x16xi32> to vector<16xi32>
      %shift_right_logical3A = arith.constant 8 : i32
      %shift_right_logical3A_183 = vector.broadcast %shift_right_logical3A : i32 to vector<16xi32>
      %shift_right_logical3A_184 = arith.shrui %get3A_182, %shift_right_logical3A_183 : vector<16xi32>
      %shift_left3A = arith.constant 8 : i32
      %shift_left3A_185 = vector.broadcast %shift_left3A : i32 to vector<16xi32>
      %shift_left3A_186 = arith.shli %shift_right_logical3A_184, %shift_left3A_185 : vector<16xi32>
      %and3A = arith.constant 127 : i32
      %and3A_187 = vector.broadcast %and3A : i32 to vector<16xi32>
      %and3A_188 = arith.andi %get3A_182, %and3A_187 : vector<16xi32>
      %shift_left3A_189 = arith.constant 1 : i32
      %shift_left3A_190 = vector.broadcast %shift_left3A_189 : i32 to vector<16xi32>
      %shift_left3A_191 = arith.shli %and3A_188, %shift_left3A_190 : vector<16xi32>
      %add3A_192 = arith.addi %shift_left3A_186, %shift_left3A_191 : vector<16xi32>
      %shift_right_logical3A_193 = arith.constant 7 : i32
      %shift_right_logical3A_194 = vector.broadcast %shift_right_logical3A_193 : i32 to vector<16xi32>
      %shift_right_logical3A_195 = arith.shrui %get3A_182, %shift_right_logical3A_194 : vector<16xi32>
      %and3A_196 = arith.constant 1 : i32
      %and3A_197 = vector.broadcast %and3A_196 : i32 to vector<16xi32>
      %and3A_198 = arith.andi %shift_right_logical3A_195, %and3A_197 : vector<16xi32>
      %add3A_199 = arith.addi %add3A_192, %and3A_198 : vector<16xi32>
      %swap3A = arith.index_cast %scan3A_179 : i32 to index
      %swap3A_200 = arith.constant 0 : index
      %swap3A_201 = tpu.vector_load %arg7[%swap3A, %swap3A_200] {strides = array<i32>} : memref<50x128xi32, #tpu.memory_space<vmem>>, vector<1x16xi32>,
      %swap3A_202 = vector.shape_cast %swap3A_201 : vector<1x16xi32> to vector<16xi32>
      %swap3A_203 = vector.shape_cast %add3A_199 : vector<16xi32> to vector<1x16xi32>
      tpu.vector_store %arg7[%swap3A, %swap3A_200], %swap3A_203 {strides = array<i32>} : memref<50x128xi32, #tpu.memory_space<vmem>>, vector<1x16xi32>,
      %get3A_204 = arith.index_cast %scan3A_179 : i32 to index
      %get3A_205 = arith.constant 16 : index
      %get3A_206 = tpu.vector_load %arg6[%get3A_204, %get3A_205] {strides = array<i32>} : memref<50x128xi32, #tpu.memory_space<vmem>>, vector<1x16xi32>,
      %get3A_207 = vector.shape_cast %get3A_206 : vector<1x16xi32> to vector<16xi32>
      %shift_right_logical3A_208 = arith.constant 8 : i32
      %shift_right_logical3A_209 = vector.broadcast %shift_right_logical3A_208 : i32 to vector<16xi32>
      %shift_right_logical3A_210 = arith.shrui %get3A_207, %shift_right_logical3A_209 : vector<16xi32>
      %shift_left3A_211 = arith.constant 8 : i32
      %shift_left3A_212 = vector.broadcast %shift_left3A_211 : i32 to vector<16xi32>
      %shift_left3A_213 = arith.shli %shift_right_logical3A_210, %shift_left3A_212 : vector<16xi32>
      %and3A_214 = arith.constant 127 : i32
      %and3A_215 = vector.broadcast %and3A_214 : i32 to vector<16xi32>
      %and3A_216 = arith.andi %get3A_207, %and3A_215 : vector<16xi32>
      %shift_left3A_217 = arith.constant 1 : i32
      %shift_left3A_218 = vector.broadcast %shift_left3A_217 : i32 to vector<16xi32>
      %shift_left3A_219 = arith.shli %and3A_216, %shift_left3A_218 : vector<16xi32>
      %add3A_220 = arith.addi %shift_left3A_213, %shift_left3A_219 : vector<16xi32>
      %shift_right_logical3A_221 = arith.constant 7 : i32
      %shift_right_logical3A_222 = vector.broadcast %shift_right_logical3A_221 : i32 to vector<16xi32>
      %shift_right_logical3A_223 = arith.shrui %get3A_207, %shift_right_logical3A_222 : vector<16xi32>
      %and3A_224 = arith.constant 1 : i32
      %and3A_225 = vector.broadcast %and3A_224 : i32 to vector<16xi32>
      %and3A_226 = arith.andi %shift_right_logical3A_223, %and3A_225 : vector<16xi32>
      %add3A_227 = arith.addi %add3A_220, %and3A_226 : vector<16xi32>
      %swap3A_228 = arith.index_cast %scan3A_179 : i32 to index
      %swap3A_229 = arith.constant 16 : index
      %swap3A_230 = tpu.vector_load %arg7[%swap3A_228, %swap3A_229] {strides = array<i32>} : memref<50x128xi32, #tpu.memory_space<vmem>>, vector<1x16xi32>,
      %swap3A_231 = vector.shape_cast %swap3A_230 : vector<1x16xi32> to vector<16xi32>
      %swap3A_232 = vector.shape_cast %add3A_227 : vector<16xi32> to vector<1x16xi32>
      tpu.vector_store %arg7[%swap3A_228, %swap3A_229], %swap3A_232 {strides = array<i32>} : memref<50x128xi32, #tpu.memory_space<vmem>>, vector<1x16xi32>,
      %get3A_233 = arith.index_cast %scan3A_179 : i32 to index
      %get3A_234 = arith.constant 32 : index
      %get3A_235 = tpu.vector_load %arg6[%get3A_233, %get3A_234] {strides = array<i32>} : memref<50x128xi32, #tpu.memory_space<vmem>>, vector<1x16xi32>,
      %get3A_236 = vector.shape_cast %get3A_235 : vector<1x16xi32> to vector<16xi32>
      %shift_right_logical3A_237 = arith.constant 8 : i32
      %shift_right_logical3A_238 = vector.broadcast %shift_right_logical3A_237 : i32 to vector<16xi32>
      %shift_right_logical3A_239 = arith.shrui %get3A_236, %shift_right_logical3A_238 : vector<16xi32>
      %shift_left3A_240 = arith.constant 8 : i32
      %shift_left3A_241 = vector.broadcast %shift_left3A_240 : i32 to vector<16xi32>
      %shift_left3A_242 = arith.shli %shift_right_logical3A_239, %shift_left3A_241 : vector<16xi32>
      %and3A_243 = arith.constant 127 : i32
      %and3A_244 = vector.broadcast %and3A_243 : i32 to vector<16xi32>
      %and3A_245 = arith.andi %get3A_236, %and3A_244 : vector<16xi32>
      %shift_left3A_246 = arith.constant 1 : i32
      %shift_left3A_247 = vector.broadcast %shift_left3A_246 : i32 to vector<16xi32>
      %shift_left3A_248 = arith.shli %and3A_245, %shift_left3A_247 : vector<16xi32>
      %add3A_249 = arith.addi %shift_left3A_242, %shift_left3A_248 : vector<16xi32>
      %shift_right_logical3A_250 = arith.constant 7 : i32
      %shift_right_logical3A_251 = vector.broadcast %shift_right_logical3A_250 : i32 to vector<16xi32>
      %shift_right_logical3A_252 = arith.shrui %get3A_236, %shift_right_logical3A_251 : vector<16xi32>
      %and3A_253 = arith.constant 1 : i32
      %and3A_254 = vector.broadcast %and3A_253 : i32 to vector<16xi32>
      %and3A_255 = arith.andi %shift_right_logical3A_252, %and3A_254 : vector<16xi32>
      %add3A_256 = arith.addi %add3A_249, %and3A_255 : vector<16xi32>
      %swap3A_257 = arith.index_cast %scan3A_179 : i32 to index
      %swap3A_258 = arith.constant 32 : index
      %swap3A_259 = tpu.vector_load %arg7[%swap3A_257, %swap3A_258] {strides = array<i32>} : memref<50x128xi32, #tpu.memory_space<vmem>>, vector<1x16xi32>,
      %swap3A_260 = vector.shape_cast %swap3A_259 : vector<1x16xi32> to vector<16xi32>
      %swap3A_261 = vector.shape_cast %add3A_256 : vector<16xi32> to vector<1x16xi32>
      tpu.vector_store %arg7[%swap3A_257, %swap3A_258], %swap3A_261 {strides = array<i32>} : memref<50x128xi32, #tpu.memory_space<vmem>>, vector<1x16xi32>,
      %get3A_262 = arith.index_cast %scan3A_179 : i32 to index
      %get3A_263 = arith.constant 48 : index
      %get3A_264 = tpu.vector_load %arg6[%get3A_262, %get3A_263] {strides = array<i32>} : memref<50x128xi32, #tpu.memory_space<vmem>>, vector<1x16xi32>,
      %get3A_265 = vector.shape_cast %get3A_264 : vector<1x16xi32> to vector<16xi32>
      %shift_right_logical3A_266 = arith.constant 8 : i32
      %shift_right_logical3A_267 = vector.broadcast %shift_right_logical3A_266 : i32 to vector<16xi32>
      %shift_right_logical3A_268 = arith.shrui %get3A_265, %shift_right_logical3A_267 : vector<16xi32>
      %shift_left3A_269 = arith.constant 8 : i32
      %shift_left3A_270 = vector.broadcast %shift_left3A_269 : i32 to vector<16xi32>
      %shift_left3A_271 = arith.shli %shift_right_logical3A_268, %shift_left3A_270 : vector<16xi32>
      %and3A_272 = arith.constant 127 : i32
      %and3A_273 = vector.broadcast %and3A_272 : i32 to vector<16xi32>
      %and3A_274 = arith.andi %get3A_265, %and3A_273 : vector<16xi32>
      %shift_left3A_275 = arith.constant 1 : i32
      %shift_left3A_276 = vector.broadcast %shift_left3A_275 : i32 to vector<16xi32>
      %shift_left3A_277 = arith.shli %and3A_274, %shift_left3A_276 : vector<16xi32>
      %add3A_278 = arith.addi %shift_left3A_271, %shift_left3A_277 : vector<16xi32>
      %shift_right_logical3A_279 = arith.constant 7 : i32
      %shift_right_logical3A_280 = vector.broadcast %shift_right_logical3A_279 : i32 to vector<16xi32>
      %shift_right_logical3A_281 = arith.shrui %get3A_265, %shift_right_logical3A_280 : vector<16xi32>
      %and3A_282 = arith.constant 1 : i32
      %and3A_283 = vector.broadcast %and3A_282 : i32 to vector<16xi32>
      %and3A_284 = arith.andi %shift_right_logical3A_281, %and3A_283 : vector<16xi32>
      %add3A_285 = arith.addi %add3A_278, %and3A_284 : vector<16xi32>
      %swap3A_286 = arith.index_cast %scan3A_179 : i32 to index
      %swap3A_287 = arith.constant 48 : index
      %swap3A_288 = tpu.vector_load %arg7[%swap3A_286, %swap3A_287] {strides = array<i32>} : memref<50x128xi32, #tpu.memory_space<vmem>>, vector<1x16xi32>,
      %swap3A_289 = vector.shape_cast %swap3A_288 : vector<1x16xi32> to vector<16xi32>
      %swap3A_290 = vector.shape_cast %add3A_285 : vector<16xi32> to vector<1x16xi32>
      tpu.vector_store %arg7[%swap3A_286, %swap3A_287], %swap3A_290 {strides = array<i32>} : memref<50x128xi32, #tpu.memory_space<vmem>>, vector<1x16xi32>,
      %get3A_291 = arith.index_cast %scan3A_179 : i32 to index
      %get3A_292 = arith.constant 64 : index
      %get3A_293 = tpu.vector_load %arg6[%get3A_291, %get3A_292] {strides = array<i32>} : memref<50x128xi32, #tpu.memory_space<vmem>>, vector<1x16xi32>,
      %get3A_294 = vector.shape_cast %get3A_293 : vector<1x16xi32> to vector<16xi32>
      %shift_right_logical3A_295 = arith.constant 8 : i32
      %shift_right_logical3A_296 = vector.broadcast %shift_right_logical3A_295 : i32 to vector<16xi32>
      %shift_right_logical3A_297 = arith.shrui %get3A_294, %shift_right_logical3A_296 : vector<16xi32>
      %shift_left3A_298 = arith.constant 8 : i32
      %shift_left3A_299 = vector.broadcast %shift_left3A_298 : i32 to vector<16xi32>
      %shift_left3A_300 = arith.shli %shift_right_logical3A_297, %shift_left3A_299 : vector<16xi32>
      %and3A_301 = arith.constant 127 : i32
      %and3A_302 = vector.broadcast %and3A_301 : i32 to vector<16xi32>
      %and3A_303 = arith.andi %get3A_294, %and3A_302 : vector<16xi32>
      %shift_left3A_304 = arith.constant 1 : i32
      %shift_left3A_305 = vector.broadcast %shift_left3A_304 : i32 to vector<16xi32>
      %shift_left3A_306 = arith.shli %and3A_303, %shift_left3A_305 : vector<16xi32>
      %add3A_307 = arith.addi %shift_left3A_300, %shift_left3A_306 : vector<16xi32>
      %shift_right_logical3A_308 = arith.constant 7 : i32
      %shift_right_logical3A_309 = vector.broadcast %shift_right_logical3A_308 : i32 to vector<16xi32>
      %shift_right_logical3A_310 = arith.shrui %get3A_294, %shift_right_logical3A_309 : vector<16xi32>
      %and3A_311 = arith.constant 1 : i32
      %and3A_312 = vector.broadcast %and3A_311 : i32 to vector<16xi32>
      %and3A_313 = arith.andi %shift_right_logical3A_310, %and3A_312 : vector<16xi32>
      %add3A_314 = arith.addi %add3A_307, %and3A_313 : vector<16xi32>
      %swap3A_315 = arith.index_cast %scan3A_179 : i32 to index
      %swap3A_316 = arith.constant 64 : index
      %swap3A_317 = tpu.vector_load %arg7[%swap3A_315, %swap3A_316] {strides = array<i32>} : memref<50x128xi32, #tpu.memory_space<vmem>>, vector<1x16xi32>,
      %swap3A_318 = vector.shape_cast %swap3A_317 : vector<1x16xi32> to vector<16xi32>
      %swap3A_319 = vector.shape_cast %add3A_314 : vector<16xi32> to vector<1x16xi32>
      tpu.vector_store %arg7[%swap3A_315, %swap3A_316], %swap3A_319 {strides = array<i32>} : memref<50x128xi32, #tpu.memory_space<vmem>>, vector<1x16xi32>,
      %get3A_320 = arith.index_cast %scan3A_179 : i32 to index
      %get3A_321 = arith.constant 80 : index
      %get3A_322 = tpu.vector_load %arg6[%get3A_320, %get3A_321] {strides = array<i32>} : memref<50x128xi32, #tpu.memory_space<vmem>>, vector<1x16xi32>,
      %get3A_323 = vector.shape_cast %get3A_322 : vector<1x16xi32> to vector<16xi32>
      %shift_right_logical3A_324 = arith.constant 8 : i32
      %shift_right_logical3A_325 = vector.broadcast %shift_right_logical3A_324 : i32 to vector<16xi32>
      %shift_right_logical3A_326 = arith.shrui %get3A_323, %shift_right_logical3A_325 : vector<16xi32>
      %shift_left3A_327 = arith.constant 8 : i32
      %shift_left3A_328 = vector.broadcast %shift_left3A_327 : i32 to vector<16xi32>
      %shift_left3A_329 = arith.shli %shift_right_logical3A_326, %shift_left3A_328 : vector<16xi32>
      %and3A_330 = arith.constant 127 : i32
      %and3A_331 = vector.broadcast %and3A_330 : i32 to vector<16xi32>
      %and3A_332 = arith.andi %get3A_323, %and3A_331 : vector<16xi32>
      %shift_left3A_333 = arith.constant 1 : i32
      %shift_left3A_334 = vector.broadcast %shift_left3A_333 : i32 to vector<16xi32>
      %shift_left3A_335 = arith.shli %and3A_332, %shift_left3A_334 : vector<16xi32>
      %add3A_336 = arith.addi %shift_left3A_329, %shift_left3A_335 : vector<16xi32>
      %shift_right_logical3A_337 = arith.constant 7 : i32
      %shift_right_logical3A_338 = vector.broadcast %shift_right_logical3A_337 : i32 to vector<16xi32>
      %shift_right_logical3A_339 = arith.shrui %get3A_323, %shift_right_logical3A_338 : vector<16xi32>
      %and3A_340 = arith.constant 1 : i32
      %and3A_341 = vector.broadcast %and3A_340 : i32 to vector<16xi32>
      %and3A_342 = arith.andi %shift_right_logical3A_339, %and3A_341 : vector<16xi32>
      %add3A_343 = arith.addi %add3A_336, %and3A_342 : vector<16xi32>
      %swap3A_344 = arith.index_cast %scan3A_179 : i32 to index
      %swap3A_345 = arith.constant 80 : index
      %swap3A_346 = tpu.vector_load %arg7[%swap3A_344, %swap3A_345] {strides = array<i32>} : memref<50x128xi32, #tpu.memory_space<vmem>>, vector<1x16xi32>,
      %swap3A_347 = vector.shape_cast %swap3A_346 : vector<1x16xi32> to vector<16xi32>
      %swap3A_348 = vector.shape_cast %add3A_343 : vector<16xi32> to vector<1x16xi32>
      tpu.vector_store %arg7[%swap3A_344, %swap3A_345], %swap3A_348 {strides = array<i32>} : memref<50x128xi32, #tpu.memory_space<vmem>>, vector<1x16xi32>,
      %get3A_349 = arith.index_cast %scan3A_179 : i32 to index
      %get3A_350 = arith.constant 96 : index
      %get3A_351 = tpu.vector_load %arg6[%get3A_349, %get3A_350] {strides = array<i32>} : memref<50x128xi32, #tpu.memory_space<vmem>>, vector<1x16xi32>,
      %get3A_352 = vector.shape_cast %get3A_351 : vector<1x16xi32> to vector<16xi32>
      %shift_right_logical3A_353 = arith.constant 8 : i32
      %shift_right_logical3A_354 = vector.broadcast %shift_right_logical3A_353 : i32 to vector<16xi32>
      %shift_right_logical3A_355 = arith.shrui %get3A_352, %shift_right_logical3A_354 : vector<16xi32>
      %shift_left3A_356 = arith.constant 8 : i32
      %shift_left3A_357 = vector.broadcast %shift_left3A_356 : i32 to vector<16xi32>
      %shift_left3A_358 = arith.shli %shift_right_logical3A_355, %shift_left3A_357 : vector<16xi32>
      %and3A_359 = arith.constant 127 : i32
      %and3A_360 = vector.broadcast %and3A_359 : i32 to vector<16xi32>
      %and3A_361 = arith.andi %get3A_352, %and3A_360 : vector<16xi32>
      %shift_left3A_362 = arith.constant 1 : i32
      %shift_left3A_363 = vector.broadcast %shift_left3A_362 : i32 to vector<16xi32>
      %shift_left3A_364 = arith.shli %and3A_361, %shift_left3A_363 : vector<16xi32>
      %add3A_365 = arith.addi %shift_left3A_358, %shift_left3A_364 : vector<16xi32>
      %shift_right_logical3A_366 = arith.constant 7 : i32
      %shift_right_logical3A_367 = vector.broadcast %shift_right_logical3A_366 : i32 to vector<16xi32>
      %shift_right_logical3A_368 = arith.shrui %get3A_352, %shift_right_logical3A_367 : vector<16xi32>
      %and3A_369 = arith.constant 1 : i32
      %and3A_370 = vector.broadcast %and3A_369 : i32 to vector<16xi32>
      %and3A_371 = arith.andi %shift_right_logical3A_368, %and3A_370 : vector<16xi32>
      %add3A_372 = arith.addi %add3A_365, %and3A_371 : vector<16xi32>
      %swap3A_373 = arith.index_cast %scan3A_179 : i32 to index
      %swap3A_374 = arith.constant 96 : index
      %swap3A_375 = tpu.vector_load %arg7[%swap3A_373, %swap3A_374] {strides = array<i32>} : memref<50x128xi32, #tpu.memory_space<vmem>>, vector<1x16xi32>,
      %swap3A_376 = vector.shape_cast %swap3A_375 : vector<1x16xi32> to vector<16xi32>
      %swap3A_377 = vector.shape_cast %add3A_372 : vector<16xi32> to vector<1x16xi32>
      tpu.vector_store %arg7[%swap3A_373, %swap3A_374], %swap3A_377 {strides = array<i32>} : memref<50x128xi32, #tpu.memory_space<vmem>>, vector<1x16xi32>,
      %get3A_378 = arith.index_cast %scan3A_179 : i32 to index
      %get3A_379 = arith.constant 112 : index
      %get3A_380 = tpu.vector_load %arg6[%get3A_378, %get3A_379] {strides = array<i32>} : memref<50x128xi32, #tpu.memory_space<vmem>>, vector<1x16xi32>,
      %get3A_381 = vector.shape_cast %get3A_380 : vector<1x16xi32> to vector<16xi32>
      %shift_right_logical3A_382 = arith.constant 8 : i32
      %shift_right_logical3A_383 = vector.broadcast %shift_right_logical3A_382 : i32 to vector<16xi32>
      %shift_right_logical3A_384 = arith.shrui %get3A_381, %shift_right_logical3A_383 : vector<16xi32>
      %shift_left3A_385 = arith.constant 8 : i32
      %shift_left3A_386 = vector.broadcast %shift_left3A_385 : i32 to vector<16xi32>
      %shift_left3A_387 = arith.shli %shift_right_logical3A_384, %shift_left3A_386 : vector<16xi32>
      %and3A_388 = arith.constant 127 : i32
      %and3A_389 = vector.broadcast %and3A_388 : i32 to vector<16xi32>
      %and3A_390 = arith.andi %get3A_381, %and3A_389 : vector<16xi32>
      %shift_left3A_391 = arith.constant 1 : i32
      %shift_left3A_392 = vector.broadcast %shift_left3A_391 : i32 to vector<16xi32>
      %shift_left3A_393 = arith.shli %and3A_390, %shift_left3A_392 : vector<16xi32>
      %add3A_394 = arith.addi %shift_left3A_387, %shift_left3A_393 : vector<16xi32>
      %shift_right_logical3A_395 = arith.constant 7 : i32
      %shift_right_logical3A_396 = vector.broadcast %shift_right_logical3A_395 : i32 to vector<16xi32>
      %shift_right_logical3A_397 = arith.shrui %get3A_381, %shift_right_logical3A_396 : vector<16xi32>
      %and3A_398 = arith.constant 1 : i32
      %and3A_399 = vector.broadcast %and3A_398 : i32 to vector<16xi32>
      %and3A_400 = arith.andi %shift_right_logical3A_397, %and3A_399 : vector<16xi32>
      %add3A_401 = arith.addi %add3A_394, %and3A_400 : vector<16xi32>
      %swap3A_402 = arith.index_cast %scan3A_179 : i32 to index
      %swap3A_403 = arith.constant 112 : index
      %swap3A_404 = tpu.vector_load %arg7[%swap3A_402, %swap3A_403] {strides = array<i32>} : memref<50x128xi32, #tpu.memory_space<vmem>>, vector<1x16xi32>,
      %swap3A_405 = vector.shape_cast %swap3A_404 : vector<1x16xi32> to vector<16xi32>
      %swap3A_406 = vector.shape_cast %add3A_401 : vector<16xi32> to vector<1x16xi32>
      tpu.vector_store %arg7[%swap3A_402, %swap3A_403], %swap3A_406 {strides = array<i32>} : memref<50x128xi32, #tpu.memory_space<vmem>>, vector<1x16xi32>,
    }
    %scan3A_9 = arith.constant 50 : i32
    %dma_start3A = arith.constant 0 : i32
    %dma_start3A_10 = arith.constant 0 : i32
    %dma_start3A_11 = arith.constant 0 : i32
    %dma_start3A_12 = arith.constant 0 : i32
    %dma_start3A_13 = arith.constant 0 : i32
    %dma_start3A_14 = tpu.memref_slice %arg9[%dma_start3A_10, %dma_start3A_12, %dma_start3A_13] : memref<5x128x64xf32, #tpu.memory_space<vmem>> -> memref<1x128x64xf32, #tpu.memory_space<vmem>>
    %dma_start3A_15 = tpu.memref_squeeze %dma_start3A_14 : memref<1x128x64xf32, #tpu.memory_space<vmem>> -> memref<128x64xf32, #tpu.memory_space<vmem>>
    %dma_start3A_16 = arith.constant 0 : i32
    %dma_start3A_17 = tpu.memref_slice %arg7[%dma_start3A, %dma_start3A_16] : memref<50x128xi32, #tpu.memory_space<vmem>> -> memref<1x128xi32, #tpu.memory_space<vmem>>
    %dma_start3A_18 = tpu.memref_squeeze %dma_start3A_17 : memref<1x128xi32, #tpu.memory_space<vmem>> -> memref<128xi32, #tpu.memory_space<vmem>>
    %dma_start3A_19 = arith.constant 0 : i32
    %dma_start3A_20 = arith.constant 0 : i32
    %dma_start3A_21 = tpu.memref_slice %arg4[%dma_start3A_19, %dma_start3A_20] : memref<1015808x64xf32, #tpu.memory_space<hbm>> -> memref<1015808x64xf32, #tpu.memory_space<hbm>>
    %dma_start3A_22 = tpu.memref_slice %arg11[%dma_start3A_11] : memref<5x!tpu.dma_semaphore, #tpu.memory_space<semaphore_mem>> -> memref<1x!tpu.dma_semaphore, #tpu.memory_space<semaphore_mem>>
    %dma_start3A_23 = tpu.memref_squeeze %dma_start3A_22 : memref<1x!tpu.dma_semaphore, #tpu.memory_space<semaphore_mem>> -> memref<!tpu.dma_semaphore, #tpu.memory_space<semaphore_mem>>
    tpu.enqueue_indirect_dma source(%dma_start3A_21 : memref<1015808x64xf32, #tpu.memory_space<hbm>>) target(%dma_start3A_15 : memref<128x64xf32, #tpu.memory_space<vmem>>) offsets(%dma_start3A_18 : memref<128xi32, #tpu.memory_space<vmem>>) semaphore(%dma_start3A_23 : memref<!tpu.dma_semaphore, #tpu.memory_space<semaphore_mem>>)
    %dma_start3A_24 = arith.constant 1 : i32
    %dma_start3A_25 = arith.constant 1 : i32
    %dma_start3A_26 = arith.constant 1 : i32
    %dma_start3A_27 = arith.constant 0 : i32
    %dma_start3A_28 = arith.constant 0 : i32
    %dma_start3A_29 = tpu.memref_slice %arg9[%dma_start3A_25, %dma_start3A_27, %dma_start3A_28] : memref<5x128x64xf32, #tpu.memory_space<vmem>> -> memref<1x128x64xf32, #tpu.memory_space<vmem>>
    %dma_start3A_30 = tpu.memref_squeeze %dma_start3A_29 : memref<1x128x64xf32, #tpu.memory_space<vmem>> -> memref<128x64xf32, #tpu.memory_space<vmem>>
    %dma_start3A_31 = arith.constant 0 : i32
    %dma_start3A_32 = tpu.memref_slice %arg7[%dma_start3A_24, %dma_start3A_31] : memref<50x128xi32, #tpu.memory_space<vmem>> -> memref<1x128xi32, #tpu.memory_space<vmem>>
    %dma_start3A_33 = tpu.memref_squeeze %dma_start3A_32 : memref<1x128xi32, #tpu.memory_space<vmem>> -> memref<128xi32, #tpu.memory_space<vmem>>
    %dma_start3A_34 = arith.constant 0 : i32
    %dma_start3A_35 = arith.constant 0 : i32
    %dma_start3A_36 = tpu.memref_slice %arg4[%dma_start3A_34, %dma_start3A_35] : memref<1015808x64xf32, #tpu.memory_space<hbm>> -> memref<1015808x64xf32, #tpu.memory_space<hbm>>
    %dma_start3A_37 = tpu.memref_slice %arg11[%dma_start3A_26] : memref<5x!tpu.dma_semaphore, #tpu.memory_space<semaphore_mem>> -> memref<1x!tpu.dma_semaphore, #tpu.memory_space<semaphore_mem>>
    %dma_start3A_38 = tpu.memref_squeeze %dma_start3A_37 : memref<1x!tpu.dma_semaphore, #tpu.memory_space<semaphore_mem>> -> memref<!tpu.dma_semaphore, #tpu.memory_space<semaphore_mem>>
    tpu.enqueue_indirect_dma source(%dma_start3A_36 : memref<1015808x64xf32, #tpu.memory_space<hbm>>) target(%dma_start3A_30 : memref<128x64xf32, #tpu.memory_space<vmem>>) offsets(%dma_start3A_33 : memref<128xi32, #tpu.memory_space<vmem>>) semaphore(%dma_start3A_38 : memref<!tpu.dma_semaphore, #tpu.memory_space<semaphore_mem>>)
    %dma_start3A_39 = arith.constant 2 : i32
    %dma_start3A_40 = arith.constant 2 : i32
    %dma_start3A_41 = arith.constant 2 : i32
    %dma_start3A_42 = arith.constant 0 : i32
    %dma_start3A_43 = arith.constant 0 : i32
    %dma_start3A_44 = tpu.memref_slice %arg9[%dma_start3A_40, %dma_start3A_42, %dma_start3A_43] : memref<5x128x64xf32, #tpu.memory_space<vmem>> -> memref<1x128x64xf32, #tpu.memory_space<vmem>>
    %dma_start3A_45 = tpu.memref_squeeze %dma_start3A_44 : memref<1x128x64xf32, #tpu.memory_space<vmem>> -> memref<128x64xf32, #tpu.memory_space<vmem>>
    %dma_start3A_46 = arith.constant 0 : i32
    %dma_start3A_47 = tpu.memref_slice %arg7[%dma_start3A_39, %dma_start3A_46] : memref<50x128xi32, #tpu.memory_space<vmem>> -> memref<1x128xi32, #tpu.memory_space<vmem>>
    %dma_start3A_48 = tpu.memref_squeeze %dma_start3A_47 : memref<1x128xi32, #tpu.memory_space<vmem>> -> memref<128xi32, #tpu.memory_space<vmem>>
    %dma_start3A_49 = arith.constant 0 : i32
    %dma_start3A_50 = arith.constant 0 : i32
    %dma_start3A_51 = tpu.memref_slice %arg4[%dma_start3A_49, %dma_start3A_50] : memref<1015808x64xf32, #tpu.memory_space<hbm>> -> memref<1015808x64xf32, #tpu.memory_space<hbm>>
    %dma_start3A_52 = tpu.memref_slice %arg11[%dma_start3A_41] : memref<5x!tpu.dma_semaphore, #tpu.memory_space<semaphore_mem>> -> memref<1x!tpu.dma_semaphore, #tpu.memory_space<semaphore_mem>>
    %dma_start3A_53 = tpu.memref_squeeze %dma_start3A_52 : memref<1x!tpu.dma_semaphore, #tpu.memory_space<semaphore_mem>> -> memref<!tpu.dma_semaphore, #tpu.memory_space<semaphore_mem>>
    tpu.enqueue_indirect_dma source(%dma_start3A_51 : memref<1015808x64xf32, #tpu.memory_space<hbm>>) target(%dma_start3A_45 : memref<128x64xf32, #tpu.memory_space<vmem>>) offsets(%dma_start3A_48 : memref<128xi32, #tpu.memory_space<vmem>>) semaphore(%dma_start3A_53 : memref<!tpu.dma_semaphore, #tpu.memory_space<semaphore_mem>>)
    %dma_start3A_54 = arith.constant 3 : i32
    %dma_start3A_55 = arith.constant 3 : i32
    %dma_start3A_56 = arith.constant 3 : i32
    %dma_start3A_57 = arith.constant 0 : i32
    %dma_start3A_58 = arith.constant 0 : i32
    %dma_start3A_59 = tpu.memref_slice %arg9[%dma_start3A_55, %dma_start3A_57, %dma_start3A_58] : memref<5x128x64xf32, #tpu.memory_space<vmem>> -> memref<1x128x64xf32, #tpu.memory_space<vmem>>
    %dma_start3A_60 = tpu.memref_squeeze %dma_start3A_59 : memref<1x128x64xf32, #tpu.memory_space<vmem>> -> memref<128x64xf32, #tpu.memory_space<vmem>>
    %dma_start3A_61 = arith.constant 0 : i32
    %dma_start3A_62 = tpu.memref_slice %arg7[%dma_start3A_54, %dma_start3A_61] : memref<50x128xi32, #tpu.memory_space<vmem>> -> memref<1x128xi32, #tpu.memory_space<vmem>>
    %dma_start3A_63 = tpu.memref_squeeze %dma_start3A_62 : memref<1x128xi32, #tpu.memory_space<vmem>> -> memref<128xi32, #tpu.memory_space<vmem>>
    %dma_start3A_64 = arith.constant 0 : i32
    %dma_start3A_65 = arith.constant 0 : i32
    %dma_start3A_66 = tpu.memref_slice %arg4[%dma_start3A_64, %dma_start3A_65] : memref<1015808x64xf32, #tpu.memory_space<hbm>> -> memref<1015808x64xf32, #tpu.memory_space<hbm>>
    %dma_start3A_67 = tpu.memref_slice %arg11[%dma_start3A_56] : memref<5x!tpu.dma_semaphore, #tpu.memory_space<semaphore_mem>> -> memref<1x!tpu.dma_semaphore, #tpu.memory_space<semaphore_mem>>
    %dma_start3A_68 = tpu.memref_squeeze %dma_start3A_67 : memref<1x!tpu.dma_semaphore, #tpu.memory_space<semaphore_mem>> -> memref<!tpu.dma_semaphore, #tpu.memory_space<semaphore_mem>>
    tpu.enqueue_indirect_dma source(%dma_start3A_66 : memref<1015808x64xf32, #tpu.memory_space<hbm>>) target(%dma_start3A_60 : memref<128x64xf32, #tpu.memory_space<vmem>>) offsets(%dma_start3A_63 : memref<128xi32, #tpu.memory_space<vmem>>) semaphore(%dma_start3A_68 : memref<!tpu.dma_semaphore, #tpu.memory_space<semaphore_mem>>)
    %dma_start3A_69 = arith.constant 4 : i32
    %dma_start3A_70 = arith.constant 4 : i32
    %dma_start3A_71 = arith.constant 4 : i32
    %dma_start3A_72 = arith.constant 0 : i32
    %dma_start3A_73 = arith.constant 0 : i32
    %dma_start3A_74 = tpu.memref_slice %arg9[%dma_start3A_70, %dma_start3A_72, %dma_start3A_73] : memref<5x128x64xf32, #tpu.memory_space<vmem>> -> memref<1x128x64xf32, #tpu.memory_space<vmem>>
    %dma_start3A_75 = tpu.memref_squeeze %dma_start3A_74 : memref<1x128x64xf32, #tpu.memory_space<vmem>> -> memref<128x64xf32, #tpu.memory_space<vmem>>
    %dma_start3A_76 = arith.constant 0 : i32
    %dma_start3A_77 = tpu.memref_slice %arg7[%dma_start3A_69, %dma_start3A_76] : memref<50x128xi32, #tpu.memory_space<vmem>> -> memref<1x128xi32, #tpu.memory_space<vmem>>
    %dma_start3A_78 = tpu.memref_squeeze %dma_start3A_77 : memref<1x128xi32, #tpu.memory_space<vmem>> -> memref<128xi32, #tpu.memory_space<vmem>>
    %dma_start3A_79 = arith.constant 0 : i32
    %dma_start3A_80 = arith.constant 0 : i32
    %dma_start3A_81 = tpu.memref_slice %arg4[%dma_start3A_79, %dma_start3A_80] : memref<1015808x64xf32, #tpu.memory_space<hbm>> -> memref<1015808x64xf32, #tpu.memory_space<hbm>>
    %dma_start3A_82 = tpu.memref_slice %arg11[%dma_start3A_71] : memref<5x!tpu.dma_semaphore, #tpu.memory_space<semaphore_mem>> -> memref<1x!tpu.dma_semaphore, #tpu.memory_space<semaphore_mem>>
    %dma_start3A_83 = tpu.memref_squeeze %dma_start3A_82 : memref<1x!tpu.dma_semaphore, #tpu.memory_space<semaphore_mem>> -> memref<!tpu.dma_semaphore, #tpu.memory_space<semaphore_mem>>
    tpu.enqueue_indirect_dma source(%dma_start3A_81 : memref<1015808x64xf32, #tpu.memory_space<hbm>>) target(%dma_start3A_75 : memref<128x64xf32, #tpu.memory_space<vmem>>) offsets(%dma_start3A_78 : memref<128xi32, #tpu.memory_space<vmem>>) semaphore(%dma_start3A_83 : memref<!tpu.dma_semaphore, #tpu.memory_space<semaphore_mem>>)
    %scan3A_84 = arith.constant 0 : i32
    %scan3A_85 = arith.constant 0 : i32
    %scan3A_86 = arith.constant 10 : i32
    %scan3A_87 = arith.addi %scan3A_85, %scan3A_86 : i32
    %scan3A_88 = arith.constant 1 : i32
    scf.for %scan3A_179 = %scan3A_85 to %scan3A_87 step %scan3A_88  : i32 {
      %mul3A_180 = arith.constant 5 : i32
      %mul3A_181 = arith.muli %scan3A_179, %mul3A_180 : i32
      %add3A_182 = arith.constant 0 : i32
      %add3A_183 = arith.addi %mul3A_181, %add3A_182 : i32
      %dma_wait3A_184 = arith.constant 0 : i32
      %dma_wait3A_185 = arith.constant 0 : i32
      %dma_wait3A_186 = arith.constant 0 : i32
      %dma_wait3A_187 = arith.constant 0 : i32
      %dma_wait3A_188 = tpu.memref_slice %arg9[%dma_wait3A_184, %dma_wait3A_186, %dma_wait3A_187] : memref<5x128x64xf32, #tpu.memory_space<vmem>> -> memref<1x128x64xf32, #tpu.memory_space<vmem>>
      %dma_wait3A_189 = tpu.memref_squeeze %dma_wait3A_188 : memref<1x128x64xf32, #tpu.memory_space<vmem>> -> memref<128x64xf32, #tpu.memory_space<vmem>>
      %dma_wait3A_190 = arith.constant 0 : i32
      %dma_wait3A_191 = tpu.memref_slice %arg7[%add3A_183, %dma_wait3A_190] : memref<50x128xi32, #tpu.memory_space<vmem>> -> memref<1x128xi32, #tpu.memory_space<vmem>>
      %dma_wait3A_192 = tpu.memref_squeeze %dma_wait3A_191 : memref<1x128xi32, #tpu.memory_space<vmem>> -> memref<128xi32, #tpu.memory_space<vmem>>
      %dma_wait3A_193 = arith.constant 0 : i32
      %dma_wait3A_194 = arith.constant 0 : i32
      %dma_wait3A_195 = tpu.memref_slice %arg4[%dma_wait3A_193, %dma_wait3A_194] : memref<1015808x64xf32, #tpu.memory_space<hbm>> -> memref<1015808x64xf32, #tpu.memory_space<hbm>>
      %dma_wait3A_196 = tpu.memref_slice %arg11[%dma_wait3A_185] : memref<5x!tpu.dma_semaphore, #tpu.memory_space<semaphore_mem>> -> memref<1x!tpu.dma_semaphore, #tpu.memory_space<semaphore_mem>>
      %dma_wait3A_197 = tpu.memref_squeeze %dma_wait3A_196 : memref<1x!tpu.dma_semaphore, #tpu.memory_space<semaphore_mem>> -> memref<!tpu.dma_semaphore, #tpu.memory_space<semaphore_mem>>
      tpu.wait_indirect_dma semaphore(%dma_wait3A_197 : memref<!tpu.dma_semaphore, #tpu.memory_space<semaphore_mem>>) src(%dma_wait3A_195 : memref<1015808x64xf32, #tpu.memory_space<hbm>>) dst(%dma_wait3A_189 : memref<128x64xf32, #tpu.memory_space<vmem>>)
      %ge3A = arith.constant 5 : i32
      %ge3A_198 = arith.cmpi sge, %add3A_183, %ge3A : i32
      %convert_element_type3A = arith.extui %ge3A_198 : i1 to i32
      %cond3A = arith.constant 0 : i32
      %cond3A_199 = arith.cmpi ne, %convert_element_type3A, %cond3A : i32
      scf.if %cond3A_199 {
        %dma_wait3A_460 = arith.constant 0 : i32
        %dma_wait3A_461 = arith.constant 0 : i32
        %dma_wait3A_462 = arith.constant 0 : i32
        %dma_wait3A_463 = arith.constant 0 : i32
        %dma_wait3A_464 = tpu.memref_slice %arg10[%dma_wait3A_460, %dma_wait3A_462, %dma_wait3A_463] : memref<5x128x64xf32, #tpu.memory_space<vmem>> -> memref<1x128x64xf32, #tpu.memory_space<vmem>>
        %dma_wait3A_465 = tpu.memref_squeeze %dma_wait3A_464 : memref<1x128x64xf32, #tpu.memory_space<vmem>> -> memref<128x64xf32, #tpu.memory_space<vmem>>
        %dma_wait3A_466 = arith.constant 0 : i32
        %dma_wait3A_467 = arith.constant 0 : i32
        %dma_wait3A_468 = tpu.memref_slice %arg5[%dma_wait3A_466, %dma_wait3A_467] : memref<204800x64xf32, #tpu.memory_space<hbm>> -> memref<128x64xf32, #tpu.memory_space<hbm>>
        %dma_wait3A_469 = tpu.memref_slice %arg12[%dma_wait3A_461] : memref<5x!tpu.dma_semaphore, #tpu.memory_space<semaphore_mem>> -> memref<1x!tpu.dma_semaphore, #tpu.memory_space<semaphore_mem>>
        %dma_wait3A_470 = tpu.memref_squeeze %dma_wait3A_469 : memref<1x!tpu.dma_semaphore, #tpu.memory_space<semaphore_mem>> -> memref<!tpu.dma_semaphore, #tpu.memory_space<semaphore_mem>>
        %dma_wait3A_471 = arith.constant 0 : i32
        %dma_wait3A_472 = arith.constant 0 : i32
        %dma_wait3A_473 = tpu.memref_slice %arg5[%dma_wait3A_471, %dma_wait3A_472] : memref<204800x64xf32, #tpu.memory_space<hbm>> -> memref<128x64xf32, #tpu.memory_space<hbm>>
        %dma_wait3A_474 = arith.constant 0 : i32
        %dma_wait3A_475 = arith.constant 0 : i32
        %dma_wait3A_476 = tpu.memref_slice %arg10[%dma_wait3A_460, %dma_wait3A_474, %dma_wait3A_475] : memref<5x128x64xf32, #tpu.memory_space<vmem>> -> memref<1x128x64xf32, #tpu.memory_space<vmem>>
        %dma_wait3A_477 = tpu.memref_squeeze %dma_wait3A_476 : memref<1x128x64xf32, #tpu.memory_space<vmem>> -> memref<128x64xf32, #tpu.memory_space<vmem>>
        tpu.wait_dma2 semaphore(%dma_wait3A_470 : memref<!tpu.dma_semaphore, #tpu.memory_space<semaphore_mem>>) src(%dma_wait3A_477 : memref<128x64xf32, #tpu.memory_space<vmem>>) dst(%dma_wait3A_473 : memref<128x64xf32, #tpu.memory_space<hbm>>)
      } else {
      }
      %mul3A_200 = arith.constant 128 : i32
      %mul3A_201 = arith.muli %add3A_183, %mul3A_200 : i32
      %rem3A = arith.constant 200 : i32
      %rem3A_202 = arith.remsi %mul3A_201, %rem3A : i32
      %scan3A_203 = arith.constant 0 : i32
      %scan3A_204 = arith.constant 0 : i32
      %scan3A_205 = arith.constant 128 : i32
      %scan3A_206 = arith.addi %scan3A_204, %scan3A_205 : i32
      %scan3A_207 = arith.constant 1 : i32
      scf.for %scan3A_460 = %scan3A_204 to %scan3A_206 step %scan3A_207  : i32 {
        %get3A = arith.constant 0 : i32
        %get3A_461 = arith.index_cast %get3A : i32 to index
        %get3A_462 = arith.index_cast %scan3A_460 : i32 to index
        %get3A_463 = arith.constant 0 : index
        %get3A_464 = tpu.vector_load %arg9[%get3A_461, %get3A_462, %get3A_463] {strides = array<i32>} : memref<5x128x64xf32, #tpu.memory_space<vmem>>, vector<1x1x16xf32>,
        %get3A_465 = vector.shape_cast %get3A_464 : vector<1x1x16xf32> to vector<16xf32>
        %mul3A_466 = arith.constant 8.000000e+00 : f32
        %mul3A_467 = vector.broadcast %mul3A_466 : f32 to vector<16xf32>
        %mul3A_468 = arith.mulf %get3A_465, %mul3A_467 : vector<16xf32>
        %add3A_469 = arith.addi %rem3A_202, %scan3A_460 : i32
        %get3A_470 = arith.index_cast %add3A_469 : i32 to index
        %get3A_471 = arith.constant 0 : index
        %get3A_472 = tpu.vector_load %arg8[%get3A_470, %get3A_471] {strides = array<i32>} : memref<328x64xf32, #tpu.memory_space<vmem>>, vector<1x16xf32>,
        %get3A_473 = vector.shape_cast %get3A_472 : vector<1x16xf32> to vector<16xf32>
        %add3A_474 = arith.addf %mul3A_468, %get3A_473 : vector<16xf32>
        %swap3A = arith.constant 0 : i32
        %swap3A_475 = arith.index_cast %swap3A : i32 to index
        %swap3A_476 = arith.index_cast %scan3A_460 : i32 to index
        %swap3A_477 = arith.constant 0 : index
        %swap3A_478 = tpu.vector_load %arg10[%swap3A_475, %swap3A_476, %swap3A_477] {strides = array<i32>} : memref<5x128x64xf32, #tpu.memory_space<vmem>>, vector<1x1x16xf32>,
        %swap3A_479 = vector.shape_cast %swap3A_478 : vector<1x1x16xf32> to vector<16xf32>
        %swap3A_480 = vector.shape_cast %add3A_474 : vector<16xf32> to vector<1x1x16xf32>
        tpu.vector_store %arg10[%swap3A_475, %swap3A_476, %swap3A_477], %swap3A_480 {strides = array<i32>} : memref<5x128x64xf32, #tpu.memory_space<vmem>>, vector<1x1x16xf32>,
        %get3A_481 = arith.constant 0 : i32
        %get3A_482 = arith.index_cast %get3A_481 : i32 to index
        %get3A_483 = arith.index_cast %scan3A_460 : i32 to index
        %get3A_484 = arith.constant 16 : index
        %get3A_485 = tpu.vector_load %arg9[%get3A_482, %get3A_483, %get3A_484] {strides = array<i32>} : memref<5x128x64xf32, #tpu.memory_space<vmem>>, vector<1x1x16xf32>,
        %get3A_486 = vector.shape_cast %get3A_485 : vector<1x1x16xf32> to vector<16xf32>
        %mul3A_487 = arith.constant 8.000000e+00 : f32
        %mul3A_488 = vector.broadcast %mul3A_487 : f32 to vector<16xf32>
        %mul3A_489 = arith.mulf %get3A_486, %mul3A_488 : vector<16xf32>
        %add3A_490 = arith.addi %rem3A_202, %scan3A_460 : i32
        %get3A_491 = arith.index_cast %add3A_490 : i32 to index
        %get3A_492 = arith.constant 16 : index
        %get3A_493 = tpu.vector_load %arg8[%get3A_491, %get3A_492] {strides = array<i32>} : memref<328x64xf32, #tpu.memory_space<vmem>>, vector<1x16xf32>,
        %get3A_494 = vector.shape_cast %get3A_493 : vector<1x16xf32> to vector<16xf32>
        %add3A_495 = arith.addf %mul3A_489, %get3A_494 : vector<16xf32>
        %swap3A_496 = arith.constant 0 : i32
        %swap3A_497 = arith.index_cast %swap3A_496 : i32 to index
        %swap3A_498 = arith.index_cast %scan3A_460 : i32 to index
        %swap3A_499 = arith.constant 16 : index
        %swap3A_500 = tpu.vector_load %arg10[%swap3A_497, %swap3A_498, %swap3A_499] {strides = array<i32>} : memref<5x128x64xf32, #tpu.memory_space<vmem>>, vector<1x1x16xf32>,
        %swap3A_501 = vector.shape_cast %swap3A_500 : vector<1x1x16xf32> to vector<16xf32>
        %swap3A_502 = vector.shape_cast %add3A_495 : vector<16xf32> to vector<1x1x16xf32>
        tpu.vector_store %arg10[%swap3A_497, %swap3A_498, %swap3A_499], %swap3A_502 {strides = array<i32>} : memref<5x128x64xf32, #tpu.memory_space<vmem>>, vector<1x1x16xf32>,
        %get3A_503 = arith.constant 0 : i32
        %get3A_504 = arith.index_cast %get3A_503 : i32 to index
        %get3A_505 = arith.index_cast %scan3A_460 : i32 to index
        %get3A_506 = arith.constant 32 : index
        %get3A_507 = tpu.vector_load %arg9[%get3A_504, %get3A_505, %get3A_506] {strides = array<i32>} : memref<5x128x64xf32, #tpu.memory_space<vmem>>, vector<1x1x16xf32>,
        %get3A_508 = vector.shape_cast %get3A_507 : vector<1x1x16xf32> to vector<16xf32>
        %mul3A_509 = arith.constant 8.000000e+00 : f32
        %mul3A_510 = vector.broadcast %mul3A_509 : f32 to vector<16xf32>
        %mul3A_511 = arith.mulf %get3A_508, %mul3A_510 : vector<16xf32>
        %add3A_512 = arith.addi %rem3A_202, %scan3A_460 : i32
        %get3A_513 = arith.index_cast %add3A_512 : i32 to index
        %get3A_514 = arith.constant 32 : index
        %get3A_515 = tpu.vector_load %arg8[%get3A_513, %get3A_514] {strides = array<i32>} : memref<328x64xf32, #tpu.memory_space<vmem>>, vector<1x16xf32>,
        %get3A_516 = vector.shape_cast %get3A_515 : vector<1x16xf32> to vector<16xf32>
        %add3A_517 = arith.addf %mul3A_511, %get3A_516 : vector<16xf32>
        %swap3A_518 = arith.constant 0 : i32
        %swap3A_519 = arith.index_cast %swap3A_518 : i32 to index
        %swap3A_520 = arith.index_cast %scan3A_460 : i32 to index
        %swap3A_521 = arith.constant 32 : index
        %swap3A_522 = tpu.vector_load %arg10[%swap3A_519, %swap3A_520, %swap3A_521] {strides = array<i32>} : memref<5x128x64xf32, #tpu.memory_space<vmem>>, vector<1x1x16xf32>,
        %swap3A_523 = vector.shape_cast %swap3A_522 : vector<1x1x16xf32> to vector<16xf32>
        %swap3A_524 = vector.shape_cast %add3A_517 : vector<16xf32> to vector<1x1x16xf32>
        tpu.vector_store %arg10[%swap3A_519, %swap3A_520, %swap3A_521], %swap3A_524 {strides = array<i32>} : memref<5x128x64xf32, #tpu.memory_space<vmem>>, vector<1x1x16xf32>,
        %get3A_525 = arith.constant 0 : i32
        %get3A_526 = arith.index_cast %get3A_525 : i32 to index
        %get3A_527 = arith.index_cast %scan3A_460 : i32 to index
        %get3A_528 = arith.constant 48 : index
        %get3A_529 = tpu.vector_load %arg9[%get3A_526, %get3A_527, %get3A_528] {strides = array<i32>} : memref<5x128x64xf32, #tpu.memory_space<vmem>>, vector<1x1x16xf32>,
        %get3A_530 = vector.shape_cast %get3A_529 : vector<1x1x16xf32> to vector<16xf32>
        %mul3A_531 = arith.constant 8.000000e+00 : f32
        %mul3A_532 = vector.broadcast %mul3A_531 : f32 to vector<16xf32>
        %mul3A_533 = arith.mulf %get3A_530, %mul3A_532 : vector<16xf32>
        %add3A_534 = arith.addi %rem3A_202, %scan3A_460 : i32
        %get3A_535 = arith.index_cast %add3A_534 : i32 to index
        %get3A_536 = arith.constant 48 : index
        %get3A_537 = tpu.vector_load %arg8[%get3A_535, %get3A_536] {strides = array<i32>} : memref<328x64xf32, #tpu.memory_space<vmem>>, vector<1x16xf32>,
        %get3A_538 = vector.shape_cast %get3A_537 : vector<1x16xf32> to vector<16xf32>
        %add3A_539 = arith.addf %mul3A_533, %get3A_538 : vector<16xf32>
        %swap3A_540 = arith.constant 0 : i32
        %swap3A_541 = arith.index_cast %swap3A_540 : i32 to index
        %swap3A_542 = arith.index_cast %scan3A_460 : i32 to index
        %swap3A_543 = arith.constant 48 : index
        %swap3A_544 = tpu.vector_load %arg10[%swap3A_541, %swap3A_542, %swap3A_543] {strides = array<i32>} : memref<5x128x64xf32, #tpu.memory_space<vmem>>, vector<1x1x16xf32>,
        %swap3A_545 = vector.shape_cast %swap3A_544 : vector<1x1x16xf32> to vector<16xf32>
        %swap3A_546 = vector.shape_cast %add3A_539 : vector<16xf32> to vector<1x1x16xf32>
        tpu.vector_store %arg10[%swap3A_541, %swap3A_542, %swap3A_543], %swap3A_546 {strides = array<i32>} : memref<5x128x64xf32, #tpu.memory_space<vmem>>, vector<1x1x16xf32>,
      }
      %scan3A_208 = arith.constant 128 : i32
      %mul3A_209 = arith.constant 128 : i32
      %mul3A_210 = arith.muli %add3A_183, %mul3A_209 : i32
      %add3A_211 = arith.addi %mul3A_2, %mul3A_210 : i32
      %dma_start3A_212 = arith.constant 0 : i32
      %dma_start3A_213 = arith.constant 0 : i32
      %dma_start3A_214 = arith.constant 0 : i32
      %dma_start3A_215 = arith.constant 0 : i32
      %dma_start3A_216 = tpu.memref_slice %arg10[%dma_start3A_212, %dma_start3A_214, %dma_start3A_215] : memref<5x128x64xf32, #tpu.memory_space<vmem>> -> memref<1x128x64xf32, #tpu.memory_space<vmem>>
      %dma_start3A_217 = tpu.memref_squeeze %dma_start3A_216 : memref<1x128x64xf32, #tpu.memory_space<vmem>> -> memref<128x64xf32, #tpu.memory_space<vmem>>
      %dma_start3A_218 = arith.constant 0 : i32
      %dma_start3A_219 = tpu.memref_slice %arg5[%add3A_211, %dma_start3A_218] : memref<204800x64xf32, #tpu.memory_space<hbm>> -> memref<128x64xf32, #tpu.memory_space<hbm>>
      %dma_start3A_220 = tpu.memref_slice %arg12[%dma_start3A_213] : memref<5x!tpu.dma_semaphore, #tpu.memory_space<semaphore_mem>> -> memref<1x!tpu.dma_semaphore, #tpu.memory_space<semaphore_mem>>
      %dma_start3A_221 = tpu.memref_squeeze %dma_start3A_220 : memref<1x!tpu.dma_semaphore, #tpu.memory_space<semaphore_mem>> -> memref<!tpu.dma_semaphore, #tpu.memory_space<semaphore_mem>>
      %dma_start3A_222 = arith.constant 0 : i32
      %dma_start3A_223 = tpu.memref_slice %arg5[%add3A_211, %dma_start3A_222] : memref<204800x64xf32, #tpu.memory_space<hbm>> -> memref<128x64xf32, #tpu.memory_space<hbm>>
      %dma_start3A_224 = arith.constant 0 : i32
      %dma_start3A_225 = arith.constant 0 : i32
      %dma_start3A_226 = tpu.memref_slice %arg10[%dma_start3A_212, %dma_start3A_224, %dma_start3A_225] : memref<5x128x64xf32, #tpu.memory_space<vmem>> -> memref<1x128x64xf32, #tpu.memory_space<vmem>>
      %dma_start3A_227 = tpu.memref_squeeze %dma_start3A_226 : memref<1x128x64xf32, #tpu.memory_space<vmem>> -> memref<128x64xf32, #tpu.memory_space<vmem>>
      tpu.enqueue_dma source(%dma_start3A_227 : memref<128x64xf32, #tpu.memory_space<vmem>>) target(%dma_start3A_223 : memref<128x64xf32, #tpu.memory_space<hbm>>) target_semaphore(%dma_start3A_221 : memref<!tpu.dma_semaphore, #tpu.memory_space<semaphore_mem>>)
      %lt3A = arith.constant 9 : i32
      %lt3A_228 = arith.cmpi slt, %scan3A_179, %lt3A : i32
      %convert_element_type3A_229 = arith.extui %lt3A_228 : i1 to i32
      %cond3A_230 = arith.constant 0 : i32
      %cond3A_231 = arith.cmpi ne, %convert_element_type3A_229, %cond3A_230 : i32
      scf.if %cond3A_231 {
        %add3A_460 = arith.constant 5 : i32
        %add3A_461 = arith.addi %add3A_183, %add3A_460 : i32
        %dma_start3A_462 = arith.constant 0 : i32
        %dma_start3A_463 = arith.constant 0 : i32
        %dma_start3A_464 = arith.constant 0 : i32
        %dma_start3A_465 = arith.constant 0 : i32
        %dma_start3A_466 = tpu.memref_slice %arg9[%dma_start3A_462, %dma_start3A_464, %dma_start3A_465] : memref<5x128x64xf32, #tpu.memory_space<vmem>> -> memref<1x128x64xf32, #tpu.memory_space<vmem>>
        %dma_start3A_467 = tpu.memref_squeeze %dma_start3A_466 : memref<1x128x64xf32, #tpu.memory_space<vmem>> -> memref<128x64xf32, #tpu.memory_space<vmem>>
        %dma_start3A_468 = arith.constant 0 : i32
        %dma_start3A_469 = tpu.memref_slice %arg7[%add3A_461, %dma_start3A_468] : memref<50x128xi32, #tpu.memory_space<vmem>> -> memref<1x128xi32, #tpu.memory_space<vmem>>
        %dma_start3A_470 = tpu.memref_squeeze %dma_start3A_469 : memref<1x128xi32, #tpu.memory_space<vmem>> -> memref<128xi32, #tpu.memory_space<vmem>>
        %dma_start3A_471 = arith.constant 0 : i32
        %dma_start3A_472 = arith.constant 0 : i32
        %dma_start3A_473 = tpu.memref_slice %arg4[%dma_start3A_471, %dma_start3A_472] : memref<1015808x64xf32, #tpu.memory_space<hbm>> -> memref<1015808x64xf32, #tpu.memory_space<hbm>>
        %dma_start3A_474 = tpu.memref_slice %arg11[%dma_start3A_463] : memref<5x!tpu.dma_semaphore, #tpu.memory_space<semaphore_mem>> -> memref<1x!tpu.dma_semaphore, #tpu.memory_space<semaphore_mem>>
        %dma_start3A_475 = tpu.memref_squeeze %dma_start3A_474 : memref<1x!tpu.dma_semaphore, #tpu.memory_space<semaphore_mem>> -> memref<!tpu.dma_semaphore, #tpu.memory_space<semaphore_mem>>
        tpu.enqueue_indirect_dma source(%dma_start3A_473 : memref<1015808x64xf32, #tpu.memory_space<hbm>>) target(%dma_start3A_467 : memref<128x64xf32, #tpu.memory_space<vmem>>) offsets(%dma_start3A_470 : memref<128xi32, #tpu.memory_space<vmem>>) semaphore(%dma_start3A_475 : memref<!tpu.dma_semaphore, #tpu.memory_space<semaphore_mem>>)
      } else {
      }
      %mul3A_232 = arith.constant 5 : i32
      %mul3A_233 = arith.muli %scan3A_179, %mul3A_232 : i32
      %add3A_234 = arith.constant 1 : i32
      %add3A_235 = arith.addi %mul3A_233, %add3A_234 : i32
      %dma_wait3A_236 = arith.constant 1 : i32
      %dma_wait3A_237 = arith.constant 1 : i32
      %dma_wait3A_238 = arith.constant 0 : i32
      %dma_wait3A_239 = arith.constant 0 : i32
      %dma_wait3A_240 = tpu.memref_slice %arg9[%dma_wait3A_236, %dma_wait3A_238, %dma_wait3A_239] : memref<5x128x64xf32, #tpu.memory_space<vmem>> -> memref<1x128x64xf32, #tpu.memory_space<vmem>>
      %dma_wait3A_241 = tpu.memref_squeeze %dma_wait3A_240 : memref<1x128x64xf32, #tpu.memory_space<vmem>> -> memref<128x64xf32, #tpu.memory_space<vmem>>
      %dma_wait3A_242 = arith.constant 0 : i32
      %dma_wait3A_243 = tpu.memref_slice %arg7[%add3A_235, %dma_wait3A_242] : memref<50x128xi32, #tpu.memory_space<vmem>> -> memref<1x128xi32, #tpu.memory_space<vmem>>
      %dma_wait3A_244 = tpu.memref_squeeze %dma_wait3A_243 : memref<1x128xi32, #tpu.memory_space<vmem>> -> memref<128xi32, #tpu.memory_space<vmem>>
      %dma_wait3A_245 = arith.constant 0 : i32
      %dma_wait3A_246 = arith.constant 0 : i32
      %dma_wait3A_247 = tpu.memref_slice %arg4[%dma_wait3A_245, %dma_wait3A_246] : memref<1015808x64xf32, #tpu.memory_space<hbm>> -> memref<1015808x64xf32, #tpu.memory_space<hbm>>
      %dma_wait3A_248 = tpu.memref_slice %arg11[%dma_wait3A_237] : memref<5x!tpu.dma_semaphore, #tpu.memory_space<semaphore_mem>> -> memref<1x!tpu.dma_semaphore, #tpu.memory_space<semaphore_mem>>
      %dma_wait3A_249 = tpu.memref_squeeze %dma_wait3A_248 : memref<1x!tpu.dma_semaphore, #tpu.memory_space<semaphore_mem>> -> memref<!tpu.dma_semaphore, #tpu.memory_space<semaphore_mem>>
      tpu.wait_indirect_dma semaphore(%dma_wait3A_249 : memref<!tpu.dma_semaphore, #tpu.memory_space<semaphore_mem>>) src(%dma_wait3A_247 : memref<1015808x64xf32, #tpu.memory_space<hbm>>) dst(%dma_wait3A_241 : memref<128x64xf32, #tpu.memory_space<vmem>>)
      %ge3A_250 = arith.constant 5 : i32
      %ge3A_251 = arith.cmpi sge, %add3A_235, %ge3A_250 : i32
      %convert_element_type3A_252 = arith.extui %ge3A_251 : i1 to i32
      %cond3A_253 = arith.constant 0 : i32
      %cond3A_254 = arith.cmpi ne, %convert_element_type3A_252, %cond3A_253 : i32
      scf.if %cond3A_254 {
        %dma_wait3A_460 = arith.constant 1 : i32
        %dma_wait3A_461 = arith.constant 1 : i32
        %dma_wait3A_462 = arith.constant 0 : i32
        %dma_wait3A_463 = arith.constant 0 : i32
        %dma_wait3A_464 = tpu.memref_slice %arg10[%dma_wait3A_460, %dma_wait3A_462, %dma_wait3A_463] : memref<5x128x64xf32, #tpu.memory_space<vmem>> -> memref<1x128x64xf32, #tpu.memory_space<vmem>>
        %dma_wait3A_465 = tpu.memref_squeeze %dma_wait3A_464 : memref<1x128x64xf32, #tpu.memory_space<vmem>> -> memref<128x64xf32, #tpu.memory_space<vmem>>
        %dma_wait3A_466 = arith.constant 0 : i32
        %dma_wait3A_467 = arith.constant 0 : i32
        %dma_wait3A_468 = tpu.memref_slice %arg5[%dma_wait3A_466, %dma_wait3A_467] : memref<204800x64xf32, #tpu.memory_space<hbm>> -> memref<128x64xf32, #tpu.memory_space<hbm>>
        %dma_wait3A_469 = tpu.memref_slice %arg12[%dma_wait3A_461] : memref<5x!tpu.dma_semaphore, #tpu.memory_space<semaphore_mem>> -> memref<1x!tpu.dma_semaphore, #tpu.memory_space<semaphore_mem>>
        %dma_wait3A_470 = tpu.memref_squeeze %dma_wait3A_469 : memref<1x!tpu.dma_semaphore, #tpu.memory_space<semaphore_mem>> -> memref<!tpu.dma_semaphore, #tpu.memory_space<semaphore_mem>>
        %dma_wait3A_471 = arith.constant 0 : i32
        %dma_wait3A_472 = arith.constant 0 : i32
        %dma_wait3A_473 = tpu.memref_slice %arg5[%dma_wait3A_471, %dma_wait3A_472] : memref<204800x64xf32, #tpu.memory_space<hbm>> -> memref<128x64xf32, #tpu.memory_space<hbm>>
        %dma_wait3A_474 = arith.constant 0 : i32
        %dma_wait3A_475 = arith.constant 0 : i32
        %dma_wait3A_476 = tpu.memref_slice %arg10[%dma_wait3A_460, %dma_wait3A_474, %dma_wait3A_475] : memref<5x128x64xf32, #tpu.memory_space<vmem>> -> memref<1x128x64xf32, #tpu.memory_space<vmem>>
        %dma_wait3A_477 = tpu.memref_squeeze %dma_wait3A_476 : memref<1x128x64xf32, #tpu.memory_space<vmem>> -> memref<128x64xf32, #tpu.memory_space<vmem>>
        tpu.wait_dma2 semaphore(%dma_wait3A_470 : memref<!tpu.dma_semaphore, #tpu.memory_space<semaphore_mem>>) src(%dma_wait3A_477 : memref<128x64xf32, #tpu.memory_space<vmem>>) dst(%dma_wait3A_473 : memref<128x64xf32, #tpu.memory_space<hbm>>)
      } else {
      }
      %mul3A_255 = arith.constant 128 : i32
      %mul3A_256 = arith.muli %add3A_235, %mul3A_255 : i32
      %rem3A_257 = arith.constant 200 : i32
      %rem3A_258 = arith.remsi %mul3A_256, %rem3A_257 : i32
      %scan3A_259 = arith.constant 0 : i32
      %scan3A_260 = arith.constant 0 : i32
      %scan3A_261 = arith.constant 128 : i32
      %scan3A_262 = arith.addi %scan3A_260, %scan3A_261 : i32
      %scan3A_263 = arith.constant 1 : i32
      scf.for %scan3A_460 = %scan3A_260 to %scan3A_262 step %scan3A_263  : i32 {
        %get3A = arith.constant 1 : i32
        %get3A_461 = arith.index_cast %get3A : i32 to index
        %get3A_462 = arith.index_cast %scan3A_460 : i32 to index
        %get3A_463 = arith.constant 0 : index
        %get3A_464 = tpu.vector_load %arg9[%get3A_461, %get3A_462, %get3A_463] {strides = array<i32>} : memref<5x128x64xf32, #tpu.memory_space<vmem>>, vector<1x1x16xf32>,
        %get3A_465 = vector.shape_cast %get3A_464 : vector<1x1x16xf32> to vector<16xf32>
        %mul3A_466 = arith.constant 8.000000e+00 : f32
        %mul3A_467 = vector.broadcast %mul3A_466 : f32 to vector<16xf32>
        %mul3A_468 = arith.mulf %get3A_465, %mul3A_467 : vector<16xf32>
        %add3A_469 = arith.addi %rem3A_258, %scan3A_460 : i32
        %get3A_470 = arith.index_cast %add3A_469 : i32 to index
        %get3A_471 = arith.constant 0 : index
        %get3A_472 = tpu.vector_load %arg8[%get3A_470, %get3A_471] {strides = array<i32>} : memref<328x64xf32, #tpu.memory_space<vmem>>, vector<1x16xf32>,
        %get3A_473 = vector.shape_cast %get3A_472 : vector<1x16xf32> to vector<16xf32>
        %add3A_474 = arith.addf %mul3A_468, %get3A_473 : vector<16xf32>
        %swap3A = arith.constant 1 : i32
        %swap3A_475 = arith.index_cast %swap3A : i32 to index
        %swap3A_476 = arith.index_cast %scan3A_460 : i32 to index
        %swap3A_477 = arith.constant 0 : index
        %swap3A_478 = tpu.vector_load %arg10[%swap3A_475, %swap3A_476, %swap3A_477] {strides = array<i32>} : memref<5x128x64xf32, #tpu.memory_space<vmem>>, vector<1x1x16xf32>,
        %swap3A_479 = vector.shape_cast %swap3A_478 : vector<1x1x16xf32> to vector<16xf32>
        %swap3A_480 = vector.shape_cast %add3A_474 : vector<16xf32> to vector<1x1x16xf32>
        tpu.vector_store %arg10[%swap3A_475, %swap3A_476, %swap3A_477], %swap3A_480 {strides = array<i32>} : memref<5x128x64xf32, #tpu.memory_space<vmem>>, vector<1x1x16xf32>,
        %get3A_481 = arith.constant 1 : i32
        %get3A_482 = arith.index_cast %get3A_481 : i32 to index
        %get3A_483 = arith.index_cast %scan3A_460 : i32 to index
        %get3A_484 = arith.constant 16 : index
        %get3A_485 = tpu.vector_load %arg9[%get3A_482, %get3A_483, %get3A_484] {strides = array<i32>} : memref<5x128x64xf32, #tpu.memory_space<vmem>>, vector<1x1x16xf32>,
        %get3A_486 = vector.shape_cast %get3A_485 : vector<1x1x16xf32> to vector<16xf32>
        %mul3A_487 = arith.constant 8.000000e+00 : f32
        %mul3A_488 = vector.broadcast %mul3A_487 : f32 to vector<16xf32>
        %mul3A_489 = arith.mulf %get3A_486, %mul3A_488 : vector<16xf32>
        %add3A_490 = arith.addi %rem3A_258, %scan3A_460 : i32
        %get3A_491 = arith.index_cast %add3A_490 : i32 to index
        %get3A_492 = arith.constant 16 : index
        %get3A_493 = tpu.vector_load %arg8[%get3A_491, %get3A_492] {strides = array<i32>} : memref<328x64xf32, #tpu.memory_space<vmem>>, vector<1x16xf32>,
        %get3A_494 = vector.shape_cast %get3A_493 : vector<1x16xf32> to vector<16xf32>
        %add3A_495 = arith.addf %mul3A_489, %get3A_494 : vector<16xf32>
        %swap3A_496 = arith.constant 1 : i32
        %swap3A_497 = arith.index_cast %swap3A_496 : i32 to index
        %swap3A_498 = arith.index_cast %scan3A_460 : i32 to index
        %swap3A_499 = arith.constant 16 : index
        %swap3A_500 = tpu.vector_load %arg10[%swap3A_497, %swap3A_498, %swap3A_499] {strides = array<i32>} : memref<5x128x64xf32, #tpu.memory_space<vmem>>, vector<1x1x16xf32>,
        %swap3A_501 = vector.shape_cast %swap3A_500 : vector<1x1x16xf32> to vector<16xf32>
        %swap3A_502 = vector.shape_cast %add3A_495 : vector<16xf32> to vector<1x1x16xf32>
        tpu.vector_store %arg10[%swap3A_497, %swap3A_498, %swap3A_499], %swap3A_502 {strides = array<i32>} : memref<5x128x64xf32, #tpu.memory_space<vmem>>, vector<1x1x16xf32>,
        %get3A_503 = arith.constant 1 : i32
        %get3A_504 = arith.index_cast %get3A_503 : i32 to index
        %get3A_505 = arith.index_cast %scan3A_460 : i32 to index
        %get3A_506 = arith.constant 32 : index
        %get3A_507 = tpu.vector_load %arg9[%get3A_504, %get3A_505, %get3A_506] {strides = array<i32>} : memref<5x128x64xf32, #tpu.memory_space<vmem>>, vector<1x1x16xf32>,
        %get3A_508 = vector.shape_cast %get3A_507 : vector<1x1x16xf32> to vector<16xf32>
        %mul3A_509 = arith.constant 8.000000e+00 : f32
        %mul3A_510 = vector.broadcast %mul3A_509 : f32 to vector<16xf32>
        %mul3A_511 = arith.mulf %get3A_508, %mul3A_510 : vector<16xf32>
        %add3A_512 = arith.addi %rem3A_258, %scan3A_460 : i32
        %get3A_513 = arith.index_cast %add3A_512 : i32 to index
        %get3A_514 = arith.constant 32 : index
        %get3A_515 = tpu.vector_load %arg8[%get3A_513, %get3A_514] {strides = array<i32>} : memref<328x64xf32, #tpu.memory_space<vmem>>, vector<1x16xf32>,
        %get3A_516 = vector.shape_cast %get3A_515 : vector<1x16xf32> to vector<16xf32>
        %add3A_517 = arith.addf %mul3A_511, %get3A_516 : vector<16xf32>
        %swap3A_518 = arith.constant 1 : i32
        %swap3A_519 = arith.index_cast %swap3A_518 : i32 to index
        %swap3A_520 = arith.index_cast %scan3A_460 : i32 to index
        %swap3A_521 = arith.constant 32 : index
        %swap3A_522 = tpu.vector_load %arg10[%swap3A_519, %swap3A_520, %swap3A_521] {strides = array<i32>} : memref<5x128x64xf32, #tpu.memory_space<vmem>>, vector<1x1x16xf32>,
        %swap3A_523 = vector.shape_cast %swap3A_522 : vector<1x1x16xf32> to vector<16xf32>
        %swap3A_524 = vector.shape_cast %add3A_517 : vector<16xf32> to vector<1x1x16xf32>
        tpu.vector_store %arg10[%swap3A_519, %swap3A_520, %swap3A_521], %swap3A_524 {strides = array<i32>} : memref<5x128x64xf32, #tpu.memory_space<vmem>>, vector<1x1x16xf32>,
        %get3A_525 = arith.constant 1 : i32
        %get3A_526 = arith.index_cast %get3A_525 : i32 to index
        %get3A_527 = arith.index_cast %scan3A_460 : i32 to index
        %get3A_528 = arith.constant 48 : index
        %get3A_529 = tpu.vector_load %arg9[%get3A_526, %get3A_527, %get3A_528] {strides = array<i32>} : memref<5x128x64xf32, #tpu.memory_space<vmem>>, vector<1x1x16xf32>,
        %get3A_530 = vector.shape_cast %get3A_529 : vector<1x1x16xf32> to vector<16xf32>
        %mul3A_531 = arith.constant 8.000000e+00 : f32
        %mul3A_532 = vector.broadcast %mul3A_531 : f32 to vector<16xf32>
        %mul3A_533 = arith.mulf %get3A_530, %mul3A_532 : vector<16xf32>
        %add3A_534 = arith.addi %rem3A_258, %scan3A_460 : i32
        %get3A_535 = arith.index_cast %add3A_534 : i32 to index
        %get3A_536 = arith.constant 48 : index
        %get3A_537 = tpu.vector_load %arg8[%get3A_535, %get3A_536] {strides = array<i32>} : memref<328x64xf32, #tpu.memory_space<vmem>>, vector<1x16xf32>,
        %get3A_538 = vector.shape_cast %get3A_537 : vector<1x16xf32> to vector<16xf32>
        %add3A_539 = arith.addf %mul3A_533, %get3A_538 : vector<16xf32>
        %swap3A_540 = arith.constant 1 : i32
        %swap3A_541 = arith.index_cast %swap3A_540 : i32 to index
        %swap3A_542 = arith.index_cast %scan3A_460 : i32 to index
        %swap3A_543 = arith.constant 48 : index
        %swap3A_544 = tpu.vector_load %arg10[%swap3A_541, %swap3A_542, %swap3A_543] {strides = array<i32>} : memref<5x128x64xf32, #tpu.memory_space<vmem>>, vector<1x1x16xf32>,
        %swap3A_545 = vector.shape_cast %swap3A_544 : vector<1x1x16xf32> to vector<16xf32>
        %swap3A_546 = vector.shape_cast %add3A_539 : vector<16xf32> to vector<1x1x16xf32>
        tpu.vector_store %arg10[%swap3A_541, %swap3A_542, %swap3A_543], %swap3A_546 {strides = array<i32>} : memref<5x128x64xf32, #tpu.memory_space<vmem>>, vector<1x1x16xf32>,
      }
      %scan3A_264 = arith.constant 128 : i32
      %mul3A_265 = arith.constant 128 : i32
      %mul3A_266 = arith.muli %add3A_235, %mul3A_265 : i32
      %add3A_267 = arith.addi %mul3A_2, %mul3A_266 : i32
      %dma_start3A_268 = arith.constant 1 : i32
      %dma_start3A_269 = arith.constant 1 : i32
      %dma_start3A_270 = arith.constant 0 : i32
      %dma_start3A_271 = arith.constant 0 : i32
      %dma_start3A_272 = tpu.memref_slice %arg10[%dma_start3A_268, %dma_start3A_270, %dma_start3A_271] : memref<5x128x64xf32, #tpu.memory_space<vmem>> -> memref<1x128x64xf32, #tpu.memory_space<vmem>>
      %dma_start3A_273 = tpu.memref_squeeze %dma_start3A_272 : memref<1x128x64xf32, #tpu.memory_space<vmem>> -> memref<128x64xf32, #tpu.memory_space<vmem>>
      %dma_start3A_274 = arith.constant 0 : i32
      %dma_start3A_275 = tpu.memref_slice %arg5[%add3A_267, %dma_start3A_274] : memref<204800x64xf32, #tpu.memory_space<hbm>> -> memref<128x64xf32, #tpu.memory_space<hbm>>
      %dma_start3A_276 = tpu.memref_slice %arg12[%dma_start3A_269] : memref<5x!tpu.dma_semaphore, #tpu.memory_space<semaphore_mem>> -> memref<1x!tpu.dma_semaphore, #tpu.memory_space<semaphore_mem>>
      %dma_start3A_277 = tpu.memref_squeeze %dma_start3A_276 : memref<1x!tpu.dma_semaphore, #tpu.memory_space<semaphore_mem>> -> memref<!tpu.dma_semaphore, #tpu.memory_space<semaphore_mem>>
      %dma_start3A_278 = arith.constant 0 : i32
      %dma_start3A_279 = tpu.memref_slice %arg5[%add3A_267, %dma_start3A_278] : memref<204800x64xf32, #tpu.memory_space<hbm>> -> memref<128x64xf32, #tpu.memory_space<hbm>>
      %dma_start3A_280 = arith.constant 0 : i32
      %dma_start3A_281 = arith.constant 0 : i32
      %dma_start3A_282 = tpu.memref_slice %arg10[%dma_start3A_268, %dma_start3A_280, %dma_start3A_281] : memref<5x128x64xf32, #tpu.memory_space<vmem>> -> memref<1x128x64xf32, #tpu.memory_space<vmem>>
      %dma_start3A_283 = tpu.memref_squeeze %dma_start3A_282 : memref<1x128x64xf32, #tpu.memory_space<vmem>> -> memref<128x64xf32, #tpu.memory_space<vmem>>
      tpu.enqueue_dma source(%dma_start3A_283 : memref<128x64xf32, #tpu.memory_space<vmem>>) target(%dma_start3A_279 : memref<128x64xf32, #tpu.memory_space<hbm>>) target_semaphore(%dma_start3A_277 : memref<!tpu.dma_semaphore, #tpu.memory_space<semaphore_mem>>)
      %lt3A_284 = arith.constant 9 : i32
      %lt3A_285 = arith.cmpi slt, %scan3A_179, %lt3A_284 : i32
      %convert_element_type3A_286 = arith.extui %lt3A_285 : i1 to i32
      %cond3A_287 = arith.constant 0 : i32
      %cond3A_288 = arith.cmpi ne, %convert_element_type3A_286, %cond3A_287 : i32
      scf.if %cond3A_288 {
        %add3A_460 = arith.constant 5 : i32
        %add3A_461 = arith.addi %add3A_235, %add3A_460 : i32
        %dma_start3A_462 = arith.constant 1 : i32
        %dma_start3A_463 = arith.constant 1 : i32
        %dma_start3A_464 = arith.constant 0 : i32
        %dma_start3A_465 = arith.constant 0 : i32
        %dma_start3A_466 = tpu.memref_slice %arg9[%dma_start3A_462, %dma_start3A_464, %dma_start3A_465] : memref<5x128x64xf32, #tpu.memory_space<vmem>> -> memref<1x128x64xf32, #tpu.memory_space<vmem>>
        %dma_start3A_467 = tpu.memref_squeeze %dma_start3A_466 : memref<1x128x64xf32, #tpu.memory_space<vmem>> -> memref<128x64xf32, #tpu.memory_space<vmem>>
        %dma_start3A_468 = arith.constant 0 : i32
        %dma_start3A_469 = tpu.memref_slice %arg7[%add3A_461, %dma_start3A_468] : memref<50x128xi32, #tpu.memory_space<vmem>> -> memref<1x128xi32, #tpu.memory_space<vmem>>
        %dma_start3A_470 = tpu.memref_squeeze %dma_start3A_469 : memref<1x128xi32, #tpu.memory_space<vmem>> -> memref<128xi32, #tpu.memory_space<vmem>>
        %dma_start3A_471 = arith.constant 0 : i32
        %dma_start3A_472 = arith.constant 0 : i32
        %dma_start3A_473 = tpu.memref_slice %arg4[%dma_start3A_471, %dma_start3A_472] : memref<1015808x64xf32, #tpu.memory_space<hbm>> -> memref<1015808x64xf32, #tpu.memory_space<hbm>>
        %dma_start3A_474 = tpu.memref_slice %arg11[%dma_start3A_463] : memref<5x!tpu.dma_semaphore, #tpu.memory_space<semaphore_mem>> -> memref<1x!tpu.dma_semaphore, #tpu.memory_space<semaphore_mem>>
        %dma_start3A_475 = tpu.memref_squeeze %dma_start3A_474 : memref<1x!tpu.dma_semaphore, #tpu.memory_space<semaphore_mem>> -> memref<!tpu.dma_semaphore, #tpu.memory_space<semaphore_mem>>
        tpu.enqueue_indirect_dma source(%dma_start3A_473 : memref<1015808x64xf32, #tpu.memory_space<hbm>>) target(%dma_start3A_467 : memref<128x64xf32, #tpu.memory_space<vmem>>) offsets(%dma_start3A_470 : memref<128xi32, #tpu.memory_space<vmem>>) semaphore(%dma_start3A_475 : memref<!tpu.dma_semaphore, #tpu.memory_space<semaphore_mem>>)
      } else {
      }
      %mul3A_289 = arith.constant 5 : i32
      %mul3A_290 = arith.muli %scan3A_179, %mul3A_289 : i32
      %add3A_291 = arith.constant 2 : i32
      %add3A_292 = arith.addi %mul3A_290, %add3A_291 : i32
      %dma_wait3A_293 = arith.constant 2 : i32
      %dma_wait3A_294 = arith.constant 2 : i32
      %dma_wait3A_295 = arith.constant 0 : i32
      %dma_wait3A_296 = arith.constant 0 : i32
      %dma_wait3A_297 = tpu.memref_slice %arg9[%dma_wait3A_293, %dma_wait3A_295, %dma_wait3A_296] : memref<5x128x64xf32, #tpu.memory_space<vmem>> -> memref<1x128x64xf32, #tpu.memory_space<vmem>>
      %dma_wait3A_298 = tpu.memref_squeeze %dma_wait3A_297 : memref<1x128x64xf32, #tpu.memory_space<vmem>> -> memref<128x64xf32, #tpu.memory_space<vmem>>
      %dma_wait3A_299 = arith.constant 0 : i32
      %dma_wait3A_300 = tpu.memref_slice %arg7[%add3A_292, %dma_wait3A_299] : memref<50x128xi32, #tpu.memory_space<vmem>> -> memref<1x128xi32, #tpu.memory_space<vmem>>
      %dma_wait3A_301 = tpu.memref_squeeze %dma_wait3A_300 : memref<1x128xi32, #tpu.memory_space<vmem>> -> memref<128xi32, #tpu.memory_space<vmem>>
      %dma_wait3A_302 = arith.constant 0 : i32
      %dma_wait3A_303 = arith.constant 0 : i32
      %dma_wait3A_304 = tpu.memref_slice %arg4[%dma_wait3A_302, %dma_wait3A_303] : memref<1015808x64xf32, #tpu.memory_space<hbm>> -> memref<1015808x64xf32, #tpu.memory_space<hbm>>
      %dma_wait3A_305 = tpu.memref_slice %arg11[%dma_wait3A_294] : memref<5x!tpu.dma_semaphore, #tpu.memory_space<semaphore_mem>> -> memref<1x!tpu.dma_semaphore, #tpu.memory_space<semaphore_mem>>
      %dma_wait3A_306 = tpu.memref_squeeze %dma_wait3A_305 : memref<1x!tpu.dma_semaphore, #tpu.memory_space<semaphore_mem>> -> memref<!tpu.dma_semaphore, #tpu.memory_space<semaphore_mem>>
      tpu.wait_indirect_dma semaphore(%dma_wait3A_306 : memref<!tpu.dma_semaphore, #tpu.memory_space<semaphore_mem>>) src(%dma_wait3A_304 : memref<1015808x64xf32, #tpu.memory_space<hbm>>) dst(%dma_wait3A_298 : memref<128x64xf32, #tpu.memory_space<vmem>>)
      %ge3A_307 = arith.constant 5 : i32
      %ge3A_308 = arith.cmpi sge, %add3A_292, %ge3A_307 : i32
      %convert_element_type3A_309 = arith.extui %ge3A_308 : i1 to i32
      %cond3A_310 = arith.constant 0 : i32
      %cond3A_311 = arith.cmpi ne, %convert_element_type3A_309, %cond3A_310 : i32
      scf.if %cond3A_311 {
        %dma_wait3A_460 = arith.constant 2 : i32
        %dma_wait3A_461 = arith.constant 2 : i32
        %dma_wait3A_462 = arith.constant 0 : i32
        %dma_wait3A_463 = arith.constant 0 : i32
        %dma_wait3A_464 = tpu.memref_slice %arg10[%dma_wait3A_460, %dma_wait3A_462, %dma_wait3A_463] : memref<5x128x64xf32, #tpu.memory_space<vmem>> -> memref<1x128x64xf32, #tpu.memory_space<vmem>>
        %dma_wait3A_465 = tpu.memref_squeeze %dma_wait3A_464 : memref<1x128x64xf32, #tpu.memory_space<vmem>> -> memref<128x64xf32, #tpu.memory_space<vmem>>
        %dma_wait3A_466 = arith.constant 0 : i32
        %dma_wait3A_467 = arith.constant 0 : i32
        %dma_wait3A_468 = tpu.memref_slice %arg5[%dma_wait3A_466, %dma_wait3A_467] : memref<204800x64xf32, #tpu.memory_space<hbm>> -> memref<128x64xf32, #tpu.memory_space<hbm>>
        %dma_wait3A_469 = tpu.memref_slice %arg12[%dma_wait3A_461] : memref<5x!tpu.dma_semaphore, #tpu.memory_space<semaphore_mem>> -> memref<1x!tpu.dma_semaphore, #tpu.memory_space<semaphore_mem>>
        %dma_wait3A_470 = tpu.memref_squeeze %dma_wait3A_469 : memref<1x!tpu.dma_semaphore, #tpu.memory_space<semaphore_mem>> -> memref<!tpu.dma_semaphore, #tpu.memory_space<semaphore_mem>>
        %dma_wait3A_471 = arith.constant 0 : i32
        %dma_wait3A_472 = arith.constant 0 : i32
        %dma_wait3A_473 = tpu.memref_slice %arg5[%dma_wait3A_471, %dma_wait3A_472] : memref<204800x64xf32, #tpu.memory_space<hbm>> -> memref<128x64xf32, #tpu.memory_space<hbm>>
        %dma_wait3A_474 = arith.constant 0 : i32
        %dma_wait3A_475 = arith.constant 0 : i32
        %dma_wait3A_476 = tpu.memref_slice %arg10[%dma_wait3A_460, %dma_wait3A_474, %dma_wait3A_475] : memref<5x128x64xf32, #tpu.memory_space<vmem>> -> memref<1x128x64xf32, #tpu.memory_space<vmem>>
        %dma_wait3A_477 = tpu.memref_squeeze %dma_wait3A_476 : memref<1x128x64xf32, #tpu.memory_space<vmem>> -> memref<128x64xf32, #tpu.memory_space<vmem>>
        tpu.wait_dma2 semaphore(%dma_wait3A_470 : memref<!tpu.dma_semaphore, #tpu.memory_space<semaphore_mem>>) src(%dma_wait3A_477 : memref<128x64xf32, #tpu.memory_space<vmem>>) dst(%dma_wait3A_473 : memref<128x64xf32, #tpu.memory_space<hbm>>)
      } else {
      }
      %mul3A_312 = arith.constant 128 : i32
      %mul3A_313 = arith.muli %add3A_292, %mul3A_312 : i32
      %rem3A_314 = arith.constant 200 : i32
      %rem3A_315 = arith.remsi %mul3A_313, %rem3A_314 : i32
      %scan3A_316 = arith.constant 0 : i32
      %scan3A_317 = arith.constant 0 : i32
      %scan3A_318 = arith.constant 128 : i32
      %scan3A_319 = arith.addi %scan3A_317, %scan3A_318 : i32
      %scan3A_320 = arith.constant 1 : i32
      scf.for %scan3A_460 = %scan3A_317 to %scan3A_319 step %scan3A_320  : i32 {
        %get3A = arith.constant 2 : i32
        %get3A_461 = arith.index_cast %get3A : i32 to index
        %get3A_462 = arith.index_cast %scan3A_460 : i32 to index
        %get3A_463 = arith.constant 0 : index
        %get3A_464 = tpu.vector_load %arg9[%get3A_461, %get3A_462, %get3A_463] {strides = array<i32>} : memref<5x128x64xf32, #tpu.memory_space<vmem>>, vector<1x1x16xf32>,
        %get3A_465 = vector.shape_cast %get3A_464 : vector<1x1x16xf32> to vector<16xf32>
        %mul3A_466 = arith.constant 8.000000e+00 : f32
        %mul3A_467 = vector.broadcast %mul3A_466 : f32 to vector<16xf32>
        %mul3A_468 = arith.mulf %get3A_465, %mul3A_467 : vector<16xf32>
        %add3A_469 = arith.addi %rem3A_315, %scan3A_460 : i32
        %get3A_470 = arith.index_cast %add3A_469 : i32 to index
        %get3A_471 = arith.constant 0 : index
        %get3A_472 = tpu.vector_load %arg8[%get3A_470, %get3A_471] {strides = array<i32>} : memref<328x64xf32, #tpu.memory_space<vmem>>, vector<1x16xf32>,
        %get3A_473 = vector.shape_cast %get3A_472 : vector<1x16xf32> to vector<16xf32>
        %add3A_474 = arith.addf %mul3A_468, %get3A_473 : vector<16xf32>
        %swap3A = arith.constant 2 : i32
        %swap3A_475 = arith.index_cast %swap3A : i32 to index
        %swap3A_476 = arith.index_cast %scan3A_460 : i32 to index
        %swap3A_477 = arith.constant 0 : index
        %swap3A_478 = tpu.vector_load %arg10[%swap3A_475, %swap3A_476, %swap3A_477] {strides = array<i32>} : memref<5x128x64xf32, #tpu.memory_space<vmem>>, vector<1x1x16xf32>,
        %swap3A_479 = vector.shape_cast %swap3A_478 : vector<1x1x16xf32> to vector<16xf32>
        %swap3A_480 = vector.shape_cast %add3A_474 : vector<16xf32> to vector<1x1x16xf32>
        tpu.vector_store %arg10[%swap3A_475, %swap3A_476, %swap3A_477], %swap3A_480 {strides = array<i32>} : memref<5x128x64xf32, #tpu.memory_space<vmem>>, vector<1x1x16xf32>,
        %get3A_481 = arith.constant 2 : i32
        %get3A_482 = arith.index_cast %get3A_481 : i32 to index
        %get3A_483 = arith.index_cast %scan3A_460 : i32 to index
        %get3A_484 = arith.constant 16 : index
        %get3A_485 = tpu.vector_load %arg9[%get3A_482, %get3A_483, %get3A_484] {strides = array<i32>} : memref<5x128x64xf32, #tpu.memory_space<vmem>>, vector<1x1x16xf32>,
        %get3A_486 = vector.shape_cast %get3A_485 : vector<1x1x16xf32> to vector<16xf32>
        %mul3A_487 = arith.constant 8.000000e+00 : f32
        %mul3A_488 = vector.broadcast %mul3A_487 : f32 to vector<16xf32>
        %mul3A_489 = arith.mulf %get3A_486, %mul3A_488 : vector<16xf32>
        %add3A_490 = arith.addi %rem3A_315, %scan3A_460 : i32
        %get3A_491 = arith.index_cast %add3A_490 : i32 to index
        %get3A_492 = arith.constant 16 : index
        %get3A_493 = tpu.vector_load %arg8[%get3A_491, %get3A_492] {strides = array<i32>} : memref<328x64xf32, #tpu.memory_space<vmem>>, vector<1x16xf32>,
        %get3A_494 = vector.shape_cast %get3A_493 : vector<1x16xf32> to vector<16xf32>
        %add3A_495 = arith.addf %mul3A_489, %get3A_494 : vector<16xf32>
        %swap3A_496 = arith.constant 2 : i32
        %swap3A_497 = arith.index_cast %swap3A_496 : i32 to index
        %swap3A_498 = arith.index_cast %scan3A_460 : i32 to index
        %swap3A_499 = arith.constant 16 : index
        %swap3A_500 = tpu.vector_load %arg10[%swap3A_497, %swap3A_498, %swap3A_499] {strides = array<i32>} : memref<5x128x64xf32, #tpu.memory_space<vmem>>, vector<1x1x16xf32>,
        %swap3A_501 = vector.shape_cast %swap3A_500 : vector<1x1x16xf32> to vector<16xf32>
        %swap3A_502 = vector.shape_cast %add3A_495 : vector<16xf32> to vector<1x1x16xf32>
        tpu.vector_store %arg10[%swap3A_497, %swap3A_498, %swap3A_499], %swap3A_502 {strides = array<i32>} : memref<5x128x64xf32, #tpu.memory_space<vmem>>, vector<1x1x16xf32>,
        %get3A_503 = arith.constant 2 : i32
        %get3A_504 = arith.index_cast %get3A_503 : i32 to index
        %get3A_505 = arith.index_cast %scan3A_460 : i32 to index
        %get3A_506 = arith.constant 32 : index
        %get3A_507 = tpu.vector_load %arg9[%get3A_504, %get3A_505, %get3A_506] {strides = array<i32>} : memref<5x128x64xf32, #tpu.memory_space<vmem>>, vector<1x1x16xf32>,
        %get3A_508 = vector.shape_cast %get3A_507 : vector<1x1x16xf32> to vector<16xf32>
        %mul3A_509 = arith.constant 8.000000e+00 : f32
        %mul3A_510 = vector.broadcast %mul3A_509 : f32 to vector<16xf32>
        %mul3A_511 = arith.mulf %get3A_508, %mul3A_510 : vector<16xf32>
        %add3A_512 = arith.addi %rem3A_315, %scan3A_460 : i32
        %get3A_513 = arith.index_cast %add3A_512 : i32 to index
        %get3A_514 = arith.constant 32 : index
        %get3A_515 = tpu.vector_load %arg8[%get3A_513, %get3A_514] {strides = array<i32>} : memref<328x64xf32, #tpu.memory_space<vmem>>, vector<1x16xf32>,
        %get3A_516 = vector.shape_cast %get3A_515 : vector<1x16xf32> to vector<16xf32>
        %add3A_517 = arith.addf %mul3A_511, %get3A_516 : vector<16xf32>
        %swap3A_518 = arith.constant 2 : i32
        %swap3A_519 = arith.index_cast %swap3A_518 : i32 to index
        %swap3A_520 = arith.index_cast %scan3A_460 : i32 to index
        %swap3A_521 = arith.constant 32 : index
        %swap3A_522 = tpu.vector_load %arg10[%swap3A_519, %swap3A_520, %swap3A_521] {strides = array<i32>} : memref<5x128x64xf32, #tpu.memory_space<vmem>>, vector<1x1x16xf32>,
        %swap3A_523 = vector.shape_cast %swap3A_522 : vector<1x1x16xf32> to vector<16xf32>
        %swap3A_524 = vector.shape_cast %add3A_517 : vector<16xf32> to vector<1x1x16xf32>
        tpu.vector_store %arg10[%swap3A_519, %swap3A_520, %swap3A_521], %swap3A_524 {strides = array<i32>} : memref<5x128x64xf32, #tpu.memory_space<vmem>>, vector<1x1x16xf32>,
        %get3A_525 = arith.constant 2 : i32
        %get3A_526 = arith.index_cast %get3A_525 : i32 to index
        %get3A_527 = arith.index_cast %scan3A_460 : i32 to index
        %get3A_528 = arith.constant 48 : index
        %get3A_529 = tpu.vector_load %arg9[%get3A_526, %get3A_527, %get3A_528] {strides = array<i32>} : memref<5x128x64xf32, #tpu.memory_space<vmem>>, vector<1x1x16xf32>,
        %get3A_530 = vector.shape_cast %get3A_529 : vector<1x1x16xf32> to vector<16xf32>
        %mul3A_531 = arith.constant 8.000000e+00 : f32
        %mul3A_532 = vector.broadcast %mul3A_531 : f32 to vector<16xf32>
        %mul3A_533 = arith.mulf %get3A_530, %mul3A_532 : vector<16xf32>
        %add3A_534 = arith.addi %rem3A_315, %scan3A_460 : i32
        %get3A_535 = arith.index_cast %add3A_534 : i32 to index
        %get3A_536 = arith.constant 48 : index
        %get3A_537 = tpu.vector_load %arg8[%get3A_535, %get3A_536] {strides = array<i32>} : memref<328x64xf32, #tpu.memory_space<vmem>>, vector<1x16xf32>,
        %get3A_538 = vector.shape_cast %get3A_537 : vector<1x16xf32> to vector<16xf32>
        %add3A_539 = arith.addf %mul3A_533, %get3A_538 : vector<16xf32>
        %swap3A_540 = arith.constant 2 : i32
        %swap3A_541 = arith.index_cast %swap3A_540 : i32 to index
        %swap3A_542 = arith.index_cast %scan3A_460 : i32 to index
        %swap3A_543 = arith.constant 48 : index
        %swap3A_544 = tpu.vector_load %arg10[%swap3A_541, %swap3A_542, %swap3A_543] {strides = array<i32>} : memref<5x128x64xf32, #tpu.memory_space<vmem>>, vector<1x1x16xf32>,
        %swap3A_545 = vector.shape_cast %swap3A_544 : vector<1x1x16xf32> to vector<16xf32>
        %swap3A_546 = vector.shape_cast %add3A_539 : vector<16xf32> to vector<1x1x16xf32>
        tpu.vector_store %arg10[%swap3A_541, %swap3A_542, %swap3A_543], %swap3A_546 {strides = array<i32>} : memref<5x128x64xf32, #tpu.memory_space<vmem>>, vector<1x1x16xf32>,
      }
      %scan3A_321 = arith.constant 128 : i32
      %mul3A_322 = arith.constant 128 : i32
      %mul3A_323 = arith.muli %add3A_292, %mul3A_322 : i32
      %add3A_324 = arith.addi %mul3A_2, %mul3A_323 : i32
      %dma_start3A_325 = arith.constant 2 : i32
      %dma_start3A_326 = arith.constant 2 : i32
      %dma_start3A_327 = arith.constant 0 : i32
      %dma_start3A_328 = arith.constant 0 : i32
      %dma_start3A_329 = tpu.memref_slice %arg10[%dma_start3A_325, %dma_start3A_327, %dma_start3A_328] : memref<5x128x64xf32, #tpu.memory_space<vmem>> -> memref<1x128x64xf32, #tpu.memory_space<vmem>>
      %dma_start3A_330 = tpu.memref_squeeze %dma_start3A_329 : memref<1x128x64xf32, #tpu.memory_space<vmem>> -> memref<128x64xf32, #tpu.memory_space<vmem>>
      %dma_start3A_331 = arith.constant 0 : i32
      %dma_start3A_332 = tpu.memref_slice %arg5[%add3A_324, %dma_start3A_331] : memref<204800x64xf32, #tpu.memory_space<hbm>> -> memref<128x64xf32, #tpu.memory_space<hbm>>
      %dma_start3A_333 = tpu.memref_slice %arg12[%dma_start3A_326] : memref<5x!tpu.dma_semaphore, #tpu.memory_space<semaphore_mem>> -> memref<1x!tpu.dma_semaphore, #tpu.memory_space<semaphore_mem>>
      %dma_start3A_334 = tpu.memref_squeeze %dma_start3A_333 : memref<1x!tpu.dma_semaphore, #tpu.memory_space<semaphore_mem>> -> memref<!tpu.dma_semaphore, #tpu.memory_space<semaphore_mem>>
      %dma_start3A_335 = arith.constant 0 : i32
      %dma_start3A_336 = tpu.memref_slice %arg5[%add3A_324, %dma_start3A_335] : memref<204800x64xf32, #tpu.memory_space<hbm>> -> memref<128x64xf32, #tpu.memory_space<hbm>>
      %dma_start3A_337 = arith.constant 0 : i32
      %dma_start3A_338 = arith.constant 0 : i32
      %dma_start3A_339 = tpu.memref_slice %arg10[%dma_start3A_325, %dma_start3A_337, %dma_start3A_338] : memref<5x128x64xf32, #tpu.memory_space<vmem>> -> memref<1x128x64xf32, #tpu.memory_space<vmem>>
      %dma_start3A_340 = tpu.memref_squeeze %dma_start3A_339 : memref<1x128x64xf32, #tpu.memory_space<vmem>> -> memref<128x64xf32, #tpu.memory_space<vmem>>
      tpu.enqueue_dma source(%dma_start3A_340 : memref<128x64xf32, #tpu.memory_space<vmem>>) target(%dma_start3A_336 : memref<128x64xf32, #tpu.memory_space<hbm>>) target_semaphore(%dma_start3A_334 : memref<!tpu.dma_semaphore, #tpu.memory_space<semaphore_mem>>)
      %lt3A_341 = arith.constant 9 : i32
      %lt3A_342 = arith.cmpi slt, %scan3A_179, %lt3A_341 : i32
      %convert_element_type3A_343 = arith.extui %lt3A_342 : i1 to i32
      %cond3A_344 = arith.constant 0 : i32
      %cond3A_345 = arith.cmpi ne, %convert_element_type3A_343, %cond3A_344 : i32
      scf.if %cond3A_345 {
        %add3A_460 = arith.constant 5 : i32
        %add3A_461 = arith.addi %add3A_292, %add3A_460 : i32
        %dma_start3A_462 = arith.constant 2 : i32
        %dma_start3A_463 = arith.constant 2 : i32
        %dma_start3A_464 = arith.constant 0 : i32
        %dma_start3A_465 = arith.constant 0 : i32
        %dma_start3A_466 = tpu.memref_slice %arg9[%dma_start3A_462, %dma_start3A_464, %dma_start3A_465] : memref<5x128x64xf32, #tpu.memory_space<vmem>> -> memref<1x128x64xf32, #tpu.memory_space<vmem>>
        %dma_start3A_467 = tpu.memref_squeeze %dma_start3A_466 : memref<1x128x64xf32, #tpu.memory_space<vmem>> -> memref<128x64xf32, #tpu.memory_space<vmem>>
        %dma_start3A_468 = arith.constant 0 : i32
        %dma_start3A_469 = tpu.memref_slice %arg7[%add3A_461, %dma_start3A_468] : memref<50x128xi32, #tpu.memory_space<vmem>> -> memref<1x128xi32, #tpu.memory_space<vmem>>
        %dma_start3A_470 = tpu.memref_squeeze %dma_start3A_469 : memref<1x128xi32, #tpu.memory_space<vmem>> -> memref<128xi32, #tpu.memory_space<vmem>>
        %dma_start3A_471 = arith.constant 0 : i32
        %dma_start3A_472 = arith.constant 0 : i32
        %dma_start3A_473 = tpu.memref_slice %arg4[%dma_start3A_471, %dma_start3A_472] : memref<1015808x64xf32, #tpu.memory_space<hbm>> -> memref<1015808x64xf32, #tpu.memory_space<hbm>>
        %dma_start3A_474 = tpu.memref_slice %arg11[%dma_start3A_463] : memref<5x!tpu.dma_semaphore, #tpu.memory_space<semaphore_mem>> -> memref<1x!tpu.dma_semaphore, #tpu.memory_space<semaphore_mem>>
        %dma_start3A_475 = tpu.memref_squeeze %dma_start3A_474 : memref<1x!tpu.dma_semaphore, #tpu.memory_space<semaphore_mem>> -> memref<!tpu.dma_semaphore, #tpu.memory_space<semaphore_mem>>
        tpu.enqueue_indirect_dma source(%dma_start3A_473 : memref<1015808x64xf32, #tpu.memory_space<hbm>>) target(%dma_start3A_467 : memref<128x64xf32, #tpu.memory_space<vmem>>) offsets(%dma_start3A_470 : memref<128xi32, #tpu.memory_space<vmem>>) semaphore(%dma_start3A_475 : memref<!tpu.dma_semaphore, #tpu.memory_space<semaphore_mem>>)
      } else {
      }
      %mul3A_346 = arith.constant 5 : i32
      %mul3A_347 = arith.muli %scan3A_179, %mul3A_346 : i32
      %add3A_348 = arith.constant 3 : i32
      %add3A_349 = arith.addi %mul3A_347, %add3A_348 : i32
      %dma_wait3A_350 = arith.constant 3 : i32
      %dma_wait3A_351 = arith.constant 3 : i32
      %dma_wait3A_352 = arith.constant 0 : i32
      %dma_wait3A_353 = arith.constant 0 : i32
      %dma_wait3A_354 = tpu.memref_slice %arg9[%dma_wait3A_350, %dma_wait3A_352, %dma_wait3A_353] : memref<5x128x64xf32, #tpu.memory_space<vmem>> -> memref<1x128x64xf32, #tpu.memory_space<vmem>>
      %dma_wait3A_355 = tpu.memref_squeeze %dma_wait3A_354 : memref<1x128x64xf32, #tpu.memory_space<vmem>> -> memref<128x64xf32, #tpu.memory_space<vmem>>
      %dma_wait3A_356 = arith.constant 0 : i32
      %dma_wait3A_357 = tpu.memref_slice %arg7[%add3A_349, %dma_wait3A_356] : memref<50x128xi32, #tpu.memory_space<vmem>> -> memref<1x128xi32, #tpu.memory_space<vmem>>
      %dma_wait3A_358 = tpu.memref_squeeze %dma_wait3A_357 : memref<1x128xi32, #tpu.memory_space<vmem>> -> memref<128xi32, #tpu.memory_space<vmem>>
      %dma_wait3A_359 = arith.constant 0 : i32
      %dma_wait3A_360 = arith.constant 0 : i32
      %dma_wait3A_361 = tpu.memref_slice %arg4[%dma_wait3A_359, %dma_wait3A_360] : memref<1015808x64xf32, #tpu.memory_space<hbm>> -> memref<1015808x64xf32, #tpu.memory_space<hbm>>
      %dma_wait3A_362 = tpu.memref_slice %arg11[%dma_wait3A_351] : memref<5x!tpu.dma_semaphore, #tpu.memory_space<semaphore_mem>> -> memref<1x!tpu.dma_semaphore, #tpu.memory_space<semaphore_mem>>
      %dma_wait3A_363 = tpu.memref_squeeze %dma_wait3A_362 : memref<1x!tpu.dma_semaphore, #tpu.memory_space<semaphore_mem>> -> memref<!tpu.dma_semaphore, #tpu.memory_space<semaphore_mem>>
      tpu.wait_indirect_dma semaphore(%dma_wait3A_363 : memref<!tpu.dma_semaphore, #tpu.memory_space<semaphore_mem>>) src(%dma_wait3A_361 : memref<1015808x64xf32, #tpu.memory_space<hbm>>) dst(%dma_wait3A_355 : memref<128x64xf32, #tpu.memory_space<vmem>>)
      %ge3A_364 = arith.constant 5 : i32
      %ge3A_365 = arith.cmpi sge, %add3A_349, %ge3A_364 : i32
      %convert_element_type3A_366 = arith.extui %ge3A_365 : i1 to i32
      %cond3A_367 = arith.constant 0 : i32
      %cond3A_368 = arith.cmpi ne, %convert_element_type3A_366, %cond3A_367 : i32
      scf.if %cond3A_368 {
        %dma_wait3A_460 = arith.constant 3 : i32
        %dma_wait3A_461 = arith.constant 3 : i32
        %dma_wait3A_462 = arith.constant 0 : i32
        %dma_wait3A_463 = arith.constant 0 : i32
        %dma_wait3A_464 = tpu.memref_slice %arg10[%dma_wait3A_460, %dma_wait3A_462, %dma_wait3A_463] : memref<5x128x64xf32, #tpu.memory_space<vmem>> -> memref<1x128x64xf32, #tpu.memory_space<vmem>>
        %dma_wait3A_465 = tpu.memref_squeeze %dma_wait3A_464 : memref<1x128x64xf32, #tpu.memory_space<vmem>> -> memref<128x64xf32, #tpu.memory_space<vmem>>
        %dma_wait3A_466 = arith.constant 0 : i32
        %dma_wait3A_467 = arith.constant 0 : i32
        %dma_wait3A_468 = tpu.memref_slice %arg5[%dma_wait3A_466, %dma_wait3A_467] : memref<204800x64xf32, #tpu.memory_space<hbm>> -> memref<128x64xf32, #tpu.memory_space<hbm>>
        %dma_wait3A_469 = tpu.memref_slice %arg12[%dma_wait3A_461] : memref<5x!tpu.dma_semaphore, #tpu.memory_space<semaphore_mem>> -> memref<1x!tpu.dma_semaphore, #tpu.memory_space<semaphore_mem>>
        %dma_wait3A_470 = tpu.memref_squeeze %dma_wait3A_469 : memref<1x!tpu.dma_semaphore, #tpu.memory_space<semaphore_mem>> -> memref<!tpu.dma_semaphore, #tpu.memory_space<semaphore_mem>>
        %dma_wait3A_471 = arith.constant 0 : i32
        %dma_wait3A_472 = arith.constant 0 : i32
        %dma_wait3A_473 = tpu.memref_slice %arg5[%dma_wait3A_471, %dma_wait3A_472] : memref<204800x64xf32, #tpu.memory_space<hbm>> -> memref<128x64xf32, #tpu.memory_space<hbm>>
        %dma_wait3A_474 = arith.constant 0 : i32
        %dma_wait3A_475 = arith.constant 0 : i32
        %dma_wait3A_476 = tpu.memref_slice %arg10[%dma_wait3A_460, %dma_wait3A_474, %dma_wait3A_475] : memref<5x128x64xf32, #tpu.memory_space<vmem>> -> memref<1x128x64xf32, #tpu.memory_space<vmem>>
        %dma_wait3A_477 = tpu.memref_squeeze %dma_wait3A_476 : memref<1x128x64xf32, #tpu.memory_space<vmem>> -> memref<128x64xf32, #tpu.memory_space<vmem>>
        tpu.wait_dma2 semaphore(%dma_wait3A_470 : memref<!tpu.dma_semaphore, #tpu.memory_space<semaphore_mem>>) src(%dma_wait3A_477 : memref<128x64xf32, #tpu.memory_space<vmem>>) dst(%dma_wait3A_473 : memref<128x64xf32, #tpu.memory_space<hbm>>)
      } else {
      }
      %mul3A_369 = arith.constant 128 : i32
      %mul3A_370 = arith.muli %add3A_349, %mul3A_369 : i32
      %rem3A_371 = arith.constant 200 : i32
      %rem3A_372 = arith.remsi %mul3A_370, %rem3A_371 : i32
      %scan3A_373 = arith.constant 0 : i32
      %scan3A_374 = arith.constant 0 : i32
      %scan3A_375 = arith.constant 128 : i32
      %scan3A_376 = arith.addi %scan3A_374, %scan3A_375 : i32
      %scan3A_377 = arith.constant 1 : i32
      scf.for %scan3A_460 = %scan3A_374 to %scan3A_376 step %scan3A_377  : i32 {
        %get3A = arith.constant 3 : i32
        %get3A_461 = arith.index_cast %get3A : i32 to index
        %get3A_462 = arith.index_cast %scan3A_460 : i32 to index
        %get3A_463 = arith.constant 0 : index
        %get3A_464 = tpu.vector_load %arg9[%get3A_461, %get3A_462, %get3A_463] {strides = array<i32>} : memref<5x128x64xf32, #tpu.memory_space<vmem>>, vector<1x1x16xf32>,
        %get3A_465 = vector.shape_cast %get3A_464 : vector<1x1x16xf32> to vector<16xf32>
        %mul3A_466 = arith.constant 8.000000e+00 : f32
        %mul3A_467 = vector.broadcast %mul3A_466 : f32 to vector<16xf32>
        %mul3A_468 = arith.mulf %get3A_465, %mul3A_467 : vector<16xf32>
        %add3A_469 = arith.addi %rem3A_372, %scan3A_460 : i32
        %get3A_470 = arith.index_cast %add3A_469 : i32 to index
        %get3A_471 = arith.constant 0 : index
        %get3A_472 = tpu.vector_load %arg8[%get3A_470, %get3A_471] {strides = array<i32>} : memref<328x64xf32, #tpu.memory_space<vmem>>, vector<1x16xf32>,
        %get3A_473 = vector.shape_cast %get3A_472 : vector<1x16xf32> to vector<16xf32>
        %add3A_474 = arith.addf %mul3A_468, %get3A_473 : vector<16xf32>
        %swap3A = arith.constant 3 : i32
        %swap3A_475 = arith.index_cast %swap3A : i32 to index
        %swap3A_476 = arith.index_cast %scan3A_460 : i32 to index
        %swap3A_477 = arith.constant 0 : index
        %swap3A_478 = tpu.vector_load %arg10[%swap3A_475, %swap3A_476, %swap3A_477] {strides = array<i32>} : memref<5x128x64xf32, #tpu.memory_space<vmem>>, vector<1x1x16xf32>,
        %swap3A_479 = vector.shape_cast %swap3A_478 : vector<1x1x16xf32> to vector<16xf32>
        %swap3A_480 = vector.shape_cast %add3A_474 : vector<16xf32> to vector<1x1x16xf32>
        tpu.vector_store %arg10[%swap3A_475, %swap3A_476, %swap3A_477], %swap3A_480 {strides = array<i32>} : memref<5x128x64xf32, #tpu.memory_space<vmem>>, vector<1x1x16xf32>,
        %get3A_481 = arith.constant 3 : i32
        %get3A_482 = arith.index_cast %get3A_481 : i32 to index
        %get3A_483 = arith.index_cast %scan3A_460 : i32 to index
        %get3A_484 = arith.constant 16 : index
        %get3A_485 = tpu.vector_load %arg9[%get3A_482, %get3A_483, %get3A_484] {strides = array<i32>} : memref<5x128x64xf32, #tpu.memory_space<vmem>>, vector<1x1x16xf32>,
        %get3A_486 = vector.shape_cast %get3A_485 : vector<1x1x16xf32> to vector<16xf32>
        %mul3A_487 = arith.constant 8.000000e+00 : f32
        %mul3A_488 = vector.broadcast %mul3A_487 : f32 to vector<16xf32>
        %mul3A_489 = arith.mulf %get3A_486, %mul3A_488 : vector<16xf32>
        %add3A_490 = arith.addi %rem3A_372, %scan3A_460 : i32
        %get3A_491 = arith.index_cast %add3A_490 : i32 to index
        %get3A_492 = arith.constant 16 : index
        %get3A_493 = tpu.vector_load %arg8[%get3A_491, %get3A_492] {strides = array<i32>} : memref<328x64xf32, #tpu.memory_space<vmem>>, vector<1x16xf32>,
        %get3A_494 = vector.shape_cast %get3A_493 : vector<1x16xf32> to vector<16xf32>
        %add3A_495 = arith.addf %mul3A_489, %get3A_494 : vector<16xf32>
        %swap3A_496 = arith.constant 3 : i32
        %swap3A_497 = arith.index_cast %swap3A_496 : i32 to index
        %swap3A_498 = arith.index_cast %scan3A_460 : i32 to index
        %swap3A_499 = arith.constant 16 : index
        %swap3A_500 = tpu.vector_load %arg10[%swap3A_497, %swap3A_498, %swap3A_499] {strides = array<i32>} : memref<5x128x64xf32, #tpu.memory_space<vmem>>, vector<1x1x16xf32>,
        %swap3A_501 = vector.shape_cast %swap3A_500 : vector<1x1x16xf32> to vector<16xf32>
        %swap3A_502 = vector.shape_cast %add3A_495 : vector<16xf32> to vector<1x1x16xf32>
        tpu.vector_store %arg10[%swap3A_497, %swap3A_498, %swap3A_499], %swap3A_502 {strides = array<i32>} : memref<5x128x64xf32, #tpu.memory_space<vmem>>, vector<1x1x16xf32>,
        %get3A_503 = arith.constant 3 : i32
        %get3A_504 = arith.index_cast %get3A_503 : i32 to index
        %get3A_505 = arith.index_cast %scan3A_460 : i32 to index
        %get3A_506 = arith.constant 32 : index
        %get3A_507 = tpu.vector_load %arg9[%get3A_504, %get3A_505, %get3A_506] {strides = array<i32>} : memref<5x128x64xf32, #tpu.memory_space<vmem>>, vector<1x1x16xf32>,
        %get3A_508 = vector.shape_cast %get3A_507 : vector<1x1x16xf32> to vector<16xf32>
        %mul3A_509 = arith.constant 8.000000e+00 : f32
        %mul3A_510 = vector.broadcast %mul3A_509 : f32 to vector<16xf32>
        %mul3A_511 = arith.mulf %get3A_508, %mul3A_510 : vector<16xf32>
        %add3A_512 = arith.addi %rem3A_372, %scan3A_460 : i32
        %get3A_513 = arith.index_cast %add3A_512 : i32 to index
        %get3A_514 = arith.constant 32 : index
        %get3A_515 = tpu.vector_load %arg8[%get3A_513, %get3A_514] {strides = array<i32>} : memref<328x64xf32, #tpu.memory_space<vmem>>, vector<1x16xf32>,
        %get3A_516 = vector.shape_cast %get3A_515 : vector<1x16xf32> to vector<16xf32>
        %add3A_517 = arith.addf %mul3A_511, %get3A_516 : vector<16xf32>
        %swap3A_518 = arith.constant 3 : i32
        %swap3A_519 = arith.index_cast %swap3A_518 : i32 to index
        %swap3A_520 = arith.index_cast %scan3A_460 : i32 to index
        %swap3A_521 = arith.constant 32 : index
        %swap3A_522 = tpu.vector_load %arg10[%swap3A_519, %swap3A_520, %swap3A_521] {strides = array<i32>} : memref<5x128x64xf32, #tpu.memory_space<vmem>>, vector<1x1x16xf32>,
        %swap3A_523 = vector.shape_cast %swap3A_522 : vector<1x1x16xf32> to vector<16xf32>
        %swap3A_524 = vector.shape_cast %add3A_517 : vector<16xf32> to vector<1x1x16xf32>
        tpu.vector_store %arg10[%swap3A_519, %swap3A_520, %swap3A_521], %swap3A_524 {strides = array<i32>} : memref<5x128x64xf32, #tpu.memory_space<vmem>>, vector<1x1x16xf32>,
        %get3A_525 = arith.constant 3 : i32
        %get3A_526 = arith.index_cast %get3A_525 : i32 to index
        %get3A_527 = arith.index_cast %scan3A_460 : i32 to index
        %get3A_528 = arith.constant 48 : index
        %get3A_529 = tpu.vector_load %arg9[%get3A_526, %get3A_527, %get3A_528] {strides = array<i32>} : memref<5x128x64xf32, #tpu.memory_space<vmem>>, vector<1x1x16xf32>,
        %get3A_530 = vector.shape_cast %get3A_529 : vector<1x1x16xf32> to vector<16xf32>
        %mul3A_531 = arith.constant 8.000000e+00 : f32
        %mul3A_532 = vector.broadcast %mul3A_531 : f32 to vector<16xf32>
        %mul3A_533 = arith.mulf %get3A_530, %mul3A_532 : vector<16xf32>
        %add3A_534 = arith.addi %rem3A_372, %scan3A_460 : i32
        %get3A_535 = arith.index_cast %add3A_534 : i32 to index
        %get3A_536 = arith.constant 48 : index
        %get3A_537 = tpu.vector_load %arg8[%get3A_535, %get3A_536] {strides = array<i32>} : memref<328x64xf32, #tpu.memory_space<vmem>>, vector<1x16xf32>,
        %get3A_538 = vector.shape_cast %get3A_537 : vector<1x16xf32> to vector<16xf32>
        %add3A_539 = arith.addf %mul3A_533, %get3A_538 : vector<16xf32>
        %swap3A_540 = arith.constant 3 : i32
        %swap3A_541 = arith.index_cast %swap3A_540 : i32 to index
        %swap3A_542 = arith.index_cast %scan3A_460 : i32 to index
        %swap3A_543 = arith.constant 48 : index
        %swap3A_544 = tpu.vector_load %arg10[%swap3A_541, %swap3A_542, %swap3A_543] {strides = array<i32>} : memref<5x128x64xf32, #tpu.memory_space<vmem>>, vector<1x1x16xf32>,
        %swap3A_545 = vector.shape_cast %swap3A_544 : vector<1x1x16xf32> to vector<16xf32>
        %swap3A_546 = vector.shape_cast %add3A_539 : vector<16xf32> to vector<1x1x16xf32>
        tpu.vector_store %arg10[%swap3A_541, %swap3A_542, %swap3A_543], %swap3A_546 {strides = array<i32>} : memref<5x128x64xf32, #tpu.memory_space<vmem>>, vector<1x1x16xf32>,
      }
      %scan3A_378 = arith.constant 128 : i32
      %mul3A_379 = arith.constant 128 : i32
      %mul3A_380 = arith.muli %add3A_349, %mul3A_379 : i32
      %add3A_381 = arith.addi %mul3A_2, %mul3A_380 : i32
      %dma_start3A_382 = arith.constant 3 : i32
      %dma_start3A_383 = arith.constant 3 : i32
      %dma_start3A_384 = arith.constant 0 : i32
      %dma_start3A_385 = arith.constant 0 : i32
      %dma_start3A_386 = tpu.memref_slice %arg10[%dma_start3A_382, %dma_start3A_384, %dma_start3A_385] : memref<5x128x64xf32, #tpu.memory_space<vmem>> -> memref<1x128x64xf32, #tpu.memory_space<vmem>>
      %dma_start3A_387 = tpu.memref_squeeze %dma_start3A_386 : memref<1x128x64xf32, #tpu.memory_space<vmem>> -> memref<128x64xf32, #tpu.memory_space<vmem>>
      %dma_start3A_388 = arith.constant 0 : i32
      %dma_start3A_389 = tpu.memref_slice %arg5[%add3A_381, %dma_start3A_388] : memref<204800x64xf32, #tpu.memory_space<hbm>> -> memref<128x64xf32, #tpu.memory_space<hbm>>
      %dma_start3A_390 = tpu.memref_slice %arg12[%dma_start3A_383] : memref<5x!tpu.dma_semaphore, #tpu.memory_space<semaphore_mem>> -> memref<1x!tpu.dma_semaphore, #tpu.memory_space<semaphore_mem>>
      %dma_start3A_391 = tpu.memref_squeeze %dma_start3A_390 : memref<1x!tpu.dma_semaphore, #tpu.memory_space<semaphore_mem>> -> memref<!tpu.dma_semaphore, #tpu.memory_space<semaphore_mem>>
      %dma_start3A_392 = arith.constant 0 : i32
      %dma_start3A_393 = tpu.memref_slice %arg5[%add3A_381, %dma_start3A_392] : memref<204800x64xf32, #tpu.memory_space<hbm>> -> memref<128x64xf32, #tpu.memory_space<hbm>>
      %dma_start3A_394 = arith.constant 0 : i32
      %dma_start3A_395 = arith.constant 0 : i32
      %dma_start3A_396 = tpu.memref_slice %arg10[%dma_start3A_382, %dma_start3A_394, %dma_start3A_395] : memref<5x128x64xf32, #tpu.memory_space<vmem>> -> memref<1x128x64xf32, #tpu.memory_space<vmem>>
      %dma_start3A_397 = tpu.memref_squeeze %dma_start3A_396 : memref<1x128x64xf32, #tpu.memory_space<vmem>> -> memref<128x64xf32, #tpu.memory_space<vmem>>
      tpu.enqueue_dma source(%dma_start3A_397 : memref<128x64xf32, #tpu.memory_space<vmem>>) target(%dma_start3A_393 : memref<128x64xf32, #tpu.memory_space<hbm>>) target_semaphore(%dma_start3A_391 : memref<!tpu.dma_semaphore, #tpu.memory_space<semaphore_mem>>)
      %lt3A_398 = arith.constant 9 : i32
      %lt3A_399 = arith.cmpi slt, %scan3A_179, %lt3A_398 : i32
      %convert_element_type3A_400 = arith.extui %lt3A_399 : i1 to i32
      %cond3A_401 = arith.constant 0 : i32
      %cond3A_402 = arith.cmpi ne, %convert_element_type3A_400, %cond3A_401 : i32
      scf.if %cond3A_402 {
        %add3A_460 = arith.constant 5 : i32
        %add3A_461 = arith.addi %add3A_349, %add3A_460 : i32
        %dma_start3A_462 = arith.constant 3 : i32
        %dma_start3A_463 = arith.constant 3 : i32
        %dma_start3A_464 = arith.constant 0 : i32
        %dma_start3A_465 = arith.constant 0 : i32
        %dma_start3A_466 = tpu.memref_slice %arg9[%dma_start3A_462, %dma_start3A_464, %dma_start3A_465] : memref<5x128x64xf32, #tpu.memory_space<vmem>> -> memref<1x128x64xf32, #tpu.memory_space<vmem>>
        %dma_start3A_467 = tpu.memref_squeeze %dma_start3A_466 : memref<1x128x64xf32, #tpu.memory_space<vmem>> -> memref<128x64xf32, #tpu.memory_space<vmem>>
        %dma_start3A_468 = arith.constant 0 : i32
        %dma_start3A_469 = tpu.memref_slice %arg7[%add3A_461, %dma_start3A_468] : memref<50x128xi32, #tpu.memory_space<vmem>> -> memref<1x128xi32, #tpu.memory_space<vmem>>
        %dma_start3A_470 = tpu.memref_squeeze %dma_start3A_469 : memref<1x128xi32, #tpu.memory_space<vmem>> -> memref<128xi32, #tpu.memory_space<vmem>>
        %dma_start3A_471 = arith.constant 0 : i32
        %dma_start3A_472 = arith.constant 0 : i32
        %dma_start3A_473 = tpu.memref_slice %arg4[%dma_start3A_471, %dma_start3A_472] : memref<1015808x64xf32, #tpu.memory_space<hbm>> -> memref<1015808x64xf32, #tpu.memory_space<hbm>>
        %dma_start3A_474 = tpu.memref_slice %arg11[%dma_start3A_463] : memref<5x!tpu.dma_semaphore, #tpu.memory_space<semaphore_mem>> -> memref<1x!tpu.dma_semaphore, #tpu.memory_space<semaphore_mem>>
        %dma_start3A_475 = tpu.memref_squeeze %dma_start3A_474 : memref<1x!tpu.dma_semaphore, #tpu.memory_space<semaphore_mem>> -> memref<!tpu.dma_semaphore, #tpu.memory_space<semaphore_mem>>
        tpu.enqueue_indirect_dma source(%dma_start3A_473 : memref<1015808x64xf32, #tpu.memory_space<hbm>>) target(%dma_start3A_467 : memref<128x64xf32, #tpu.memory_space<vmem>>) offsets(%dma_start3A_470 : memref<128xi32, #tpu.memory_space<vmem>>) semaphore(%dma_start3A_475 : memref<!tpu.dma_semaphore, #tpu.memory_space<semaphore_mem>>)
      } else {
      }
      %mul3A_403 = arith.constant 5 : i32
      %mul3A_404 = arith.muli %scan3A_179, %mul3A_403 : i32
      %add3A_405 = arith.constant 4 : i32
      %add3A_406 = arith.addi %mul3A_404, %add3A_405 : i32
      %dma_wait3A_407 = arith.constant 4 : i32
      %dma_wait3A_408 = arith.constant 4 : i32
      %dma_wait3A_409 = arith.constant 0 : i32
      %dma_wait3A_410 = arith.constant 0 : i32
      %dma_wait3A_411 = tpu.memref_slice %arg9[%dma_wait3A_407, %dma_wait3A_409, %dma_wait3A_410] : memref<5x128x64xf32, #tpu.memory_space<vmem>> -> memref<1x128x64xf32, #tpu.memory_space<vmem>>
      %dma_wait3A_412 = tpu.memref_squeeze %dma_wait3A_411 : memref<1x128x64xf32, #tpu.memory_space<vmem>> -> memref<128x64xf32, #tpu.memory_space<vmem>>
      %dma_wait3A_413 = arith.constant 0 : i32
      %dma_wait3A_414 = tpu.memref_slice %arg7[%add3A_406, %dma_wait3A_413] : memref<50x128xi32, #tpu.memory_space<vmem>> -> memref<1x128xi32, #tpu.memory_space<vmem>>
      %dma_wait3A_415 = tpu.memref_squeeze %dma_wait3A_414 : memref<1x128xi32, #tpu.memory_space<vmem>> -> memref<128xi32, #tpu.memory_space<vmem>>
      %dma_wait3A_416 = arith.constant 0 : i32
      %dma_wait3A_417 = arith.constant 0 : i32
      %dma_wait3A_418 = tpu.memref_slice %arg4[%dma_wait3A_416, %dma_wait3A_417] : memref<1015808x64xf32, #tpu.memory_space<hbm>> -> memref<1015808x64xf32, #tpu.memory_space<hbm>>
      %dma_wait3A_419 = tpu.memref_slice %arg11[%dma_wait3A_408] : memref<5x!tpu.dma_semaphore, #tpu.memory_space<semaphore_mem>> -> memref<1x!tpu.dma_semaphore, #tpu.memory_space<semaphore_mem>>
      %dma_wait3A_420 = tpu.memref_squeeze %dma_wait3A_419 : memref<1x!tpu.dma_semaphore, #tpu.memory_space<semaphore_mem>> -> memref<!tpu.dma_semaphore, #tpu.memory_space<semaphore_mem>>
      tpu.wait_indirect_dma semaphore(%dma_wait3A_420 : memref<!tpu.dma_semaphore, #tpu.memory_space<semaphore_mem>>) src(%dma_wait3A_418 : memref<1015808x64xf32, #tpu.memory_space<hbm>>) dst(%dma_wait3A_412 : memref<128x64xf32, #tpu.memory_space<vmem>>)
      %ge3A_421 = arith.constant 5 : i32
      %ge3A_422 = arith.cmpi sge, %add3A_406, %ge3A_421 : i32
      %convert_element_type3A_423 = arith.extui %ge3A_422 : i1 to i32
      %cond3A_424 = arith.constant 0 : i32
      %cond3A_425 = arith.cmpi ne, %convert_element_type3A_423, %cond3A_424 : i32
      scf.if %cond3A_425 {
        %dma_wait3A_460 = arith.constant 4 : i32
        %dma_wait3A_461 = arith.constant 4 : i32
        %dma_wait3A_462 = arith.constant 0 : i32
        %dma_wait3A_463 = arith.constant 0 : i32
        %dma_wait3A_464 = tpu.memref_slice %arg10[%dma_wait3A_460, %dma_wait3A_462, %dma_wait3A_463] : memref<5x128x64xf32, #tpu.memory_space<vmem>> -> memref<1x128x64xf32, #tpu.memory_space<vmem>>
        %dma_wait3A_465 = tpu.memref_squeeze %dma_wait3A_464 : memref<1x128x64xf32, #tpu.memory_space<vmem>> -> memref<128x64xf32, #tpu.memory_space<vmem>>
        %dma_wait3A_466 = arith.constant 0 : i32
        %dma_wait3A_467 = arith.constant 0 : i32
        %dma_wait3A_468 = tpu.memref_slice %arg5[%dma_wait3A_466, %dma_wait3A_467] : memref<204800x64xf32, #tpu.memory_space<hbm>> -> memref<128x64xf32, #tpu.memory_space<hbm>>
        %dma_wait3A_469 = tpu.memref_slice %arg12[%dma_wait3A_461] : memref<5x!tpu.dma_semaphore, #tpu.memory_space<semaphore_mem>> -> memref<1x!tpu.dma_semaphore, #tpu.memory_space<semaphore_mem>>
        %dma_wait3A_470 = tpu.memref_squeeze %dma_wait3A_469 : memref<1x!tpu.dma_semaphore, #tpu.memory_space<semaphore_mem>> -> memref<!tpu.dma_semaphore, #tpu.memory_space<semaphore_mem>>
        %dma_wait3A_471 = arith.constant 0 : i32
        %dma_wait3A_472 = arith.constant 0 : i32
        %dma_wait3A_473 = tpu.memref_slice %arg5[%dma_wait3A_471, %dma_wait3A_472] : memref<204800x64xf32, #tpu.memory_space<hbm>> -> memref<128x64xf32, #tpu.memory_space<hbm>>
        %dma_wait3A_474 = arith.constant 0 : i32
        %dma_wait3A_475 = arith.constant 0 : i32
        %dma_wait3A_476 = tpu.memref_slice %arg10[%dma_wait3A_460, %dma_wait3A_474, %dma_wait3A_475] : memref<5x128x64xf32, #tpu.memory_space<vmem>> -> memref<1x128x64xf32, #tpu.memory_space<vmem>>
        %dma_wait3A_477 = tpu.memref_squeeze %dma_wait3A_476 : memref<1x128x64xf32, #tpu.memory_space<vmem>> -> memref<128x64xf32, #tpu.memory_space<vmem>>
        tpu.wait_dma2 semaphore(%dma_wait3A_470 : memref<!tpu.dma_semaphore, #tpu.memory_space<semaphore_mem>>) src(%dma_wait3A_477 : memref<128x64xf32, #tpu.memory_space<vmem>>) dst(%dma_wait3A_473 : memref<128x64xf32, #tpu.memory_space<hbm>>)
      } else {
      }
      %mul3A_426 = arith.constant 128 : i32
      %mul3A_427 = arith.muli %add3A_406, %mul3A_426 : i32
      %rem3A_428 = arith.constant 200 : i32
      %rem3A_429 = arith.remsi %mul3A_427, %rem3A_428 : i32
      %scan3A_430 = arith.constant 0 : i32
      %scan3A_431 = arith.constant 0 : i32
      %scan3A_432 = arith.constant 128 : i32
      %scan3A_433 = arith.addi %scan3A_431, %scan3A_432 : i32
      %scan3A_434 = arith.constant 1 : i32
      scf.for %scan3A_460 = %scan3A_431 to %scan3A_433 step %scan3A_434  : i32 {
        %get3A = arith.constant 4 : i32
        %get3A_461 = arith.index_cast %get3A : i32 to index
        %get3A_462 = arith.index_cast %scan3A_460 : i32 to index
        %get3A_463 = arith.constant 0 : index
        %get3A_464 = tpu.vector_load %arg9[%get3A_461, %get3A_462, %get3A_463] {strides = array<i32>} : memref<5x128x64xf32, #tpu.memory_space<vmem>>, vector<1x1x16xf32>,
        %get3A_465 = vector.shape_cast %get3A_464 : vector<1x1x16xf32> to vector<16xf32>
        %mul3A_466 = arith.constant 8.000000e+00 : f32
        %mul3A_467 = vector.broadcast %mul3A_466 : f32 to vector<16xf32>
        %mul3A_468 = arith.mulf %get3A_465, %mul3A_467 : vector<16xf32>
        %add3A_469 = arith.addi %rem3A_429, %scan3A_460 : i32
        %get3A_470 = arith.index_cast %add3A_469 : i32 to index
        %get3A_471 = arith.constant 0 : index
        %get3A_472 = tpu.vector_load %arg8[%get3A_470, %get3A_471] {strides = array<i32>} : memref<328x64xf32, #tpu.memory_space<vmem>>, vector<1x16xf32>,
        %get3A_473 = vector.shape_cast %get3A_472 : vector<1x16xf32> to vector<16xf32>
        %add3A_474 = arith.addf %mul3A_468, %get3A_473 : vector<16xf32>
        %swap3A = arith.constant 4 : i32
        %swap3A_475 = arith.index_cast %swap3A : i32 to index
        %swap3A_476 = arith.index_cast %scan3A_460 : i32 to index
        %swap3A_477 = arith.constant 0 : index
        %swap3A_478 = tpu.vector_load %arg10[%swap3A_475, %swap3A_476, %swap3A_477] {strides = array<i32>} : memref<5x128x64xf32, #tpu.memory_space<vmem>>, vector<1x1x16xf32>,
        %swap3A_479 = vector.shape_cast %swap3A_478 : vector<1x1x16xf32> to vector<16xf32>
        %swap3A_480 = vector.shape_cast %add3A_474 : vector<16xf32> to vector<1x1x16xf32>
        tpu.vector_store %arg10[%swap3A_475, %swap3A_476, %swap3A_477], %swap3A_480 {strides = array<i32>} : memref<5x128x64xf32, #tpu.memory_space<vmem>>, vector<1x1x16xf32>,
        %get3A_481 = arith.constant 4 : i32
        %get3A_482 = arith.index_cast %get3A_481 : i32 to index
        %get3A_483 = arith.index_cast %scan3A_460 : i32 to index
        %get3A_484 = arith.constant 16 : index
        %get3A_485 = tpu.vector_load %arg9[%get3A_482, %get3A_483, %get3A_484] {strides = array<i32>} : memref<5x128x64xf32, #tpu.memory_space<vmem>>, vector<1x1x16xf32>,
        %get3A_486 = vector.shape_cast %get3A_485 : vector<1x1x16xf32> to vector<16xf32>
        %mul3A_487 = arith.constant 8.000000e+00 : f32
        %mul3A_488 = vector.broadcast %mul3A_487 : f32 to vector<16xf32>
        %mul3A_489 = arith.mulf %get3A_486, %mul3A_488 : vector<16xf32>
        %add3A_490 = arith.addi %rem3A_429, %scan3A_460 : i32
        %get3A_491 = arith.index_cast %add3A_490 : i32 to index
        %get3A_492 = arith.constant 16 : index
        %get3A_493 = tpu.vector_load %arg8[%get3A_491, %get3A_492] {strides = array<i32>} : memref<328x64xf32, #tpu.memory_space<vmem>>, vector<1x16xf32>,
        %get3A_494 = vector.shape_cast %get3A_493 : vector<1x16xf32> to vector<16xf32>
        %add3A_495 = arith.addf %mul3A_489, %get3A_494 : vector<16xf32>
        %swap3A_496 = arith.constant 4 : i32
        %swap3A_497 = arith.index_cast %swap3A_496 : i32 to index
        %swap3A_498 = arith.index_cast %scan3A_460 : i32 to index
        %swap3A_499 = arith.constant 16 : index
        %swap3A_500 = tpu.vector_load %arg10[%swap3A_497, %swap3A_498, %swap3A_499] {strides = array<i32>} : memref<5x128x64xf32, #tpu.memory_space<vmem>>, vector<1x1x16xf32>,
        %swap3A_501 = vector.shape_cast %swap3A_500 : vector<1x1x16xf32> to vector<16xf32>
        %swap3A_502 = vector.shape_cast %add3A_495 : vector<16xf32> to vector<1x1x16xf32>
        tpu.vector_store %arg10[%swap3A_497, %swap3A_498, %swap3A_499], %swap3A_502 {strides = array<i32>} : memref<5x128x64xf32, #tpu.memory_space<vmem>>, vector<1x1x16xf32>,
        %get3A_503 = arith.constant 4 : i32
        %get3A_504 = arith.index_cast %get3A_503 : i32 to index
        %get3A_505 = arith.index_cast %scan3A_460 : i32 to index
        %get3A_506 = arith.constant 32 : index
        %get3A_507 = tpu.vector_load %arg9[%get3A_504, %get3A_505, %get3A_506] {strides = array<i32>} : memref<5x128x64xf32, #tpu.memory_space<vmem>>, vector<1x1x16xf32>,
        %get3A_508 = vector.shape_cast %get3A_507 : vector<1x1x16xf32> to vector<16xf32>
        %mul3A_509 = arith.constant 8.000000e+00 : f32
        %mul3A_510 = vector.broadcast %mul3A_509 : f32 to vector<16xf32>
        %mul3A_511 = arith.mulf %get3A_508, %mul3A_510 : vector<16xf32>
        %add3A_512 = arith.addi %rem3A_429, %scan3A_460 : i32
        %get3A_513 = arith.index_cast %add3A_512 : i32 to index
        %get3A_514 = arith.constant 32 : index
        %get3A_515 = tpu.vector_load %arg8[%get3A_513, %get3A_514] {strides = array<i32>} : memref<328x64xf32, #tpu.memory_space<vmem>>, vector<1x16xf32>,
        %get3A_516 = vector.shape_cast %get3A_515 : vector<1x16xf32> to vector<16xf32>
        %add3A_517 = arith.addf %mul3A_511, %get3A_516 : vector<16xf32>
        %swap3A_518 = arith.constant 4 : i32
        %swap3A_519 = arith.index_cast %swap3A_518 : i32 to index
        %swap3A_520 = arith.index_cast %scan3A_460 : i32 to index
        %swap3A_521 = arith.constant 32 : index
        %swap3A_522 = tpu.vector_load %arg10[%swap3A_519, %swap3A_520, %swap3A_521] {strides = array<i32>} : memref<5x128x64xf32, #tpu.memory_space<vmem>>, vector<1x1x16xf32>,
        %swap3A_523 = vector.shape_cast %swap3A_522 : vector<1x1x16xf32> to vector<16xf32>
        %swap3A_524 = vector.shape_cast %add3A_517 : vector<16xf32> to vector<1x1x16xf32>
        tpu.vector_store %arg10[%swap3A_519, %swap3A_520, %swap3A_521], %swap3A_524 {strides = array<i32>} : memref<5x128x64xf32, #tpu.memory_space<vmem>>, vector<1x1x16xf32>,
        %get3A_525 = arith.constant 4 : i32
        %get3A_526 = arith.index_cast %get3A_525 : i32 to index
        %get3A_527 = arith.index_cast %scan3A_460 : i32 to index
        %get3A_528 = arith.constant 48 : index
        %get3A_529 = tpu.vector_load %arg9[%get3A_526, %get3A_527, %get3A_528] {strides = array<i32>} : memref<5x128x64xf32, #tpu.memory_space<vmem>>, vector<1x1x16xf32>,
        %get3A_530 = vector.shape_cast %get3A_529 : vector<1x1x16xf32> to vector<16xf32>
        %mul3A_531 = arith.constant 8.000000e+00 : f32
        %mul3A_532 = vector.broadcast %mul3A_531 : f32 to vector<16xf32>
        %mul3A_533 = arith.mulf %get3A_530, %mul3A_532 : vector<16xf32>
        %add3A_534 = arith.addi %rem3A_429, %scan3A_460 : i32
        %get3A_535 = arith.index_cast %add3A_534 : i32 to index
        %get3A_536 = arith.constant 48 : index
        %get3A_537 = tpu.vector_load %arg8[%get3A_535, %get3A_536] {strides = array<i32>} : memref<328x64xf32, #tpu.memory_space<vmem>>, vector<1x16xf32>,
        %get3A_538 = vector.shape_cast %get3A_537 : vector<1x16xf32> to vector<16xf32>
        %add3A_539 = arith.addf %mul3A_533, %get3A_538 : vector<16xf32>
        %swap3A_540 = arith.constant 4 : i32
        %swap3A_541 = arith.index_cast %swap3A_540 : i32 to index
        %swap3A_542 = arith.index_cast %scan3A_460 : i32 to index
        %swap3A_543 = arith.constant 48 : index
        %swap3A_544 = tpu.vector_load %arg10[%swap3A_541, %swap3A_542, %swap3A_543] {strides = array<i32>} : memref<5x128x64xf32, #tpu.memory_space<vmem>>, vector<1x1x16xf32>,
        %swap3A_545 = vector.shape_cast %swap3A_544 : vector<1x1x16xf32> to vector<16xf32>
        %swap3A_546 = vector.shape_cast %add3A_539 : vector<16xf32> to vector<1x1x16xf32>
        tpu.vector_store %arg10[%swap3A_541, %swap3A_542, %swap3A_543], %swap3A_546 {strides = array<i32>} : memref<5x128x64xf32, #tpu.memory_space<vmem>>, vector<1x1x16xf32>,
      }
      %scan3A_435 = arith.constant 128 : i32
      %mul3A_436 = arith.constant 128 : i32
      %mul3A_437 = arith.muli %add3A_406, %mul3A_436 : i32
      %add3A_438 = arith.addi %mul3A_2, %mul3A_437 : i32
      %dma_start3A_439 = arith.constant 4 : i32
      %dma_start3A_440 = arith.constant 4 : i32
      %dma_start3A_441 = arith.constant 0 : i32
      %dma_start3A_442 = arith.constant 0 : i32
      %dma_start3A_443 = tpu.memref_slice %arg10[%dma_start3A_439, %dma_start3A_441, %dma_start3A_442] : memref<5x128x64xf32, #tpu.memory_space<vmem>> -> memref<1x128x64xf32, #tpu.memory_space<vmem>>
      %dma_start3A_444 = tpu.memref_squeeze %dma_start3A_443 : memref<1x128x64xf32, #tpu.memory_space<vmem>> -> memref<128x64xf32, #tpu.memory_space<vmem>>
      %dma_start3A_445 = arith.constant 0 : i32
      %dma_start3A_446 = tpu.memref_slice %arg5[%add3A_438, %dma_start3A_445] : memref<204800x64xf32, #tpu.memory_space<hbm>> -> memref<128x64xf32, #tpu.memory_space<hbm>>
      %dma_start3A_447 = tpu.memref_slice %arg12[%dma_start3A_440] : memref<5x!tpu.dma_semaphore, #tpu.memory_space<semaphore_mem>> -> memref<1x!tpu.dma_semaphore, #tpu.memory_space<semaphore_mem>>
      %dma_start3A_448 = tpu.memref_squeeze %dma_start3A_447 : memref<1x!tpu.dma_semaphore, #tpu.memory_space<semaphore_mem>> -> memref<!tpu.dma_semaphore, #tpu.memory_space<semaphore_mem>>
      %dma_start3A_449 = arith.constant 0 : i32
      %dma_start3A_450 = tpu.memref_slice %arg5[%add3A_438, %dma_start3A_449] : memref<204800x64xf32, #tpu.memory_space<hbm>> -> memref<128x64xf32, #tpu.memory_space<hbm>>
      %dma_start3A_451 = arith.constant 0 : i32
      %dma_start3A_452 = arith.constant 0 : i32
      %dma_start3A_453 = tpu.memref_slice %arg10[%dma_start3A_439, %dma_start3A_451, %dma_start3A_452] : memref<5x128x64xf32, #tpu.memory_space<vmem>> -> memref<1x128x64xf32, #tpu.memory_space<vmem>>
      %dma_start3A_454 = tpu.memref_squeeze %dma_start3A_453 : memref<1x128x64xf32, #tpu.memory_space<vmem>> -> memref<128x64xf32, #tpu.memory_space<vmem>>
      tpu.enqueue_dma source(%dma_start3A_454 : memref<128x64xf32, #tpu.memory_space<vmem>>) target(%dma_start3A_450 : memref<128x64xf32, #tpu.memory_space<hbm>>) target_semaphore(%dma_start3A_448 : memref<!tpu.dma_semaphore, #tpu.memory_space<semaphore_mem>>)
      %lt3A_455 = arith.constant 9 : i32
      %lt3A_456 = arith.cmpi slt, %scan3A_179, %lt3A_455 : i32
      %convert_element_type3A_457 = arith.extui %lt3A_456 : i1 to i32
      %cond3A_458 = arith.constant 0 : i32
      %cond3A_459 = arith.cmpi ne, %convert_element_type3A_457, %cond3A_458 : i32
      scf.if %cond3A_459 {
        %add3A_460 = arith.constant 5 : i32
        %add3A_461 = arith.addi %add3A_406, %add3A_460 : i32
        %dma_start3A_462 = arith.constant 4 : i32
        %dma_start3A_463 = arith.constant 4 : i32
        %dma_start3A_464 = arith.constant 0 : i32
        %dma_start3A_465 = arith.constant 0 : i32
        %dma_start3A_466 = tpu.memref_slice %arg9[%dma_start3A_462, %dma_start3A_464, %dma_start3A_465] : memref<5x128x64xf32, #tpu.memory_space<vmem>> -> memref<1x128x64xf32, #tpu.memory_space<vmem>>
        %dma_start3A_467 = tpu.memref_squeeze %dma_start3A_466 : memref<1x128x64xf32, #tpu.memory_space<vmem>> -> memref<128x64xf32, #tpu.memory_space<vmem>>
        %dma_start3A_468 = arith.constant 0 : i32
        %dma_start3A_469 = tpu.memref_slice %arg7[%add3A_461, %dma_start3A_468] : memref<50x128xi32, #tpu.memory_space<vmem>> -> memref<1x128xi32, #tpu.memory_space<vmem>>
        %dma_start3A_470 = tpu.memref_squeeze %dma_start3A_469 : memref<1x128xi32, #tpu.memory_space<vmem>> -> memref<128xi32, #tpu.memory_space<vmem>>
        %dma_start3A_471 = arith.constant 0 : i32
        %dma_start3A_472 = arith.constant 0 : i32
        %dma_start3A_473 = tpu.memref_slice %arg4[%dma_start3A_471, %dma_start3A_472] : memref<1015808x64xf32, #tpu.memory_space<hbm>> -> memref<1015808x64xf32, #tpu.memory_space<hbm>>
        %dma_start3A_474 = tpu.memref_slice %arg11[%dma_start3A_463] : memref<5x!tpu.dma_semaphore, #tpu.memory_space<semaphore_mem>> -> memref<1x!tpu.dma_semaphore, #tpu.memory_space<semaphore_mem>>
        %dma_start3A_475 = tpu.memref_squeeze %dma_start3A_474 : memref<1x!tpu.dma_semaphore, #tpu.memory_space<semaphore_mem>> -> memref<!tpu.dma_semaphore, #tpu.memory_space<semaphore_mem>>
        tpu.enqueue_indirect_dma source(%dma_start3A_473 : memref<1015808x64xf32, #tpu.memory_space<hbm>>) target(%dma_start3A_467 : memref<128x64xf32, #tpu.memory_space<vmem>>) offsets(%dma_start3A_470 : memref<128xi32, #tpu.memory_space<vmem>>) semaphore(%dma_start3A_475 : memref<!tpu.dma_semaphore, #tpu.memory_space<semaphore_mem>>)
      } else {
      }
    }
    %scan3A_89 = arith.constant 10 : i32
    %dma_wait3A = arith.constant 0 : i32
    %dma_wait3A_90 = arith.constant 0 : i32
    %dma_wait3A_91 = arith.constant 0 : i32
    %dma_wait3A_92 = arith.constant 0 : i32
    %dma_wait3A_93 = tpu.memref_slice %arg10[%dma_wait3A, %dma_wait3A_91, %dma_wait3A_92] : memref<5x128x64xf32, #tpu.memory_space<vmem>> -> memref<1x128x64xf32, #tpu.memory_space<vmem>>
    %dma_wait3A_94 = tpu.memref_squeeze %dma_wait3A_93 : memref<1x128x64xf32, #tpu.memory_space<vmem>> -> memref<128x64xf32, #tpu.memory_space<vmem>>
    %dma_wait3A_95 = arith.constant 0 : i32
    %dma_wait3A_96 = arith.constant 0 : i32
    %dma_wait3A_97 = tpu.memref_slice %arg5[%dma_wait3A_95, %dma_wait3A_96] : memref<204800x64xf32, #tpu.memory_space<hbm>> -> memref<128x64xf32, #tpu.memory_space<hbm>>
    %dma_wait3A_98 = tpu.memref_slice %arg12[%dma_wait3A_90] : memref<5x!tpu.dma_semaphore, #tpu.memory_space<semaphore_mem>> -> memref<1x!tpu.dma_semaphore, #tpu.memory_space<semaphore_mem>>
    %dma_wait3A_99 = tpu.memref_squeeze %dma_wait3A_98 : memref<1x!tpu.dma_semaphore, #tpu.memory_space<semaphore_mem>> -> memref<!tpu.dma_semaphore, #tpu.memory_space<semaphore_mem>>
    %dma_wait3A_100 = arith.constant 0 : i32
    %dma_wait3A_101 = arith.constant 0 : i32
    %dma_wait3A_102 = tpu.memref_slice %arg5[%dma_wait3A_100, %dma_wait3A_101] : memref<204800x64xf32, #tpu.memory_space<hbm>> -> memref<128x64xf32, #tpu.memory_space<hbm>>
    %dma_wait3A_103 = arith.constant 0 : i32
    %dma_wait3A_104 = arith.constant 0 : i32
    %dma_wait3A_105 = tpu.memref_slice %arg10[%dma_wait3A, %dma_wait3A_103, %dma_wait3A_104] : memref<5x128x64xf32, #tpu.memory_space<vmem>> -> memref<1x128x64xf32, #tpu.memory_space<vmem>>
    %dma_wait3A_106 = tpu.memref_squeeze %dma_wait3A_105 : memref<1x128x64xf32, #tpu.memory_space<vmem>> -> memref<128x64xf32, #tpu.memory_space<vmem>>
    tpu.wait_dma2 semaphore(%dma_wait3A_99 : memref<!tpu.dma_semaphore, #tpu.memory_space<semaphore_mem>>) src(%dma_wait3A_106 : memref<128x64xf32, #tpu.memory_space<vmem>>) dst(%dma_wait3A_102 : memref<128x64xf32, #tpu.memory_space<hbm>>)
    %dma_wait3A_107 = arith.constant 1 : i32
    %dma_wait3A_108 = arith.constant 1 : i32
    %dma_wait3A_109 = arith.constant 0 : i32
    %dma_wait3A_110 = arith.constant 0 : i32
    %dma_wait3A_111 = tpu.memref_slice %arg10[%dma_wait3A_107, %dma_wait3A_109, %dma_wait3A_110] : memref<5x128x64xf32, #tpu.memory_space<vmem>> -> memref<1x128x64xf32, #tpu.memory_space<vmem>>
    %dma_wait3A_112 = tpu.memref_squeeze %dma_wait3A_111 : memref<1x128x64xf32, #tpu.memory_space<vmem>> -> memref<128x64xf32, #tpu.memory_space<vmem>>
    %dma_wait3A_113 = arith.constant 0 : i32
    %dma_wait3A_114 = arith.constant 0 : i32
    %dma_wait3A_115 = tpu.memref_slice %arg5[%dma_wait3A_113, %dma_wait3A_114] : memref<204800x64xf32, #tpu.memory_space<hbm>> -> memref<128x64xf32, #tpu.memory_space<hbm>>
    %dma_wait3A_116 = tpu.memref_slice %arg12[%dma_wait3A_108] : memref<5x!tpu.dma_semaphore, #tpu.memory_space<semaphore_mem>> -> memref<1x!tpu.dma_semaphore, #tpu.memory_space<semaphore_mem>>
    %dma_wait3A_117 = tpu.memref_squeeze %dma_wait3A_116 : memref<1x!tpu.dma_semaphore, #tpu.memory_space<semaphore_mem>> -> memref<!tpu.dma_semaphore, #tpu.memory_space<semaphore_mem>>
    %dma_wait3A_118 = arith.constant 0 : i32
    %dma_wait3A_119 = arith.constant 0 : i32
    %dma_wait3A_120 = tpu.memref_slice %arg5[%dma_wait3A_118, %dma_wait3A_119] : memref<204800x64xf32, #tpu.memory_space<hbm>> -> memref<128x64xf32, #tpu.memory_space<hbm>>
    %dma_wait3A_121 = arith.constant 0 : i32
    %dma_wait3A_122 = arith.constant 0 : i32
    %dma_wait3A_123 = tpu.memref_slice %arg10[%dma_wait3A_107, %dma_wait3A_121, %dma_wait3A_122] : memref<5x128x64xf32, #tpu.memory_space<vmem>> -> memref<1x128x64xf32, #tpu.memory_space<vmem>>
    %dma_wait3A_124 = tpu.memref_squeeze %dma_wait3A_123 : memref<1x128x64xf32, #tpu.memory_space<vmem>> -> memref<128x64xf32, #tpu.memory_space<vmem>>
    tpu.wait_dma2 semaphore(%dma_wait3A_117 : memref<!tpu.dma_semaphore, #tpu.memory_space<semaphore_mem>>) src(%dma_wait3A_124 : memref<128x64xf32, #tpu.memory_space<vmem>>) dst(%dma_wait3A_120 : memref<128x64xf32, #tpu.memory_space<hbm>>)
    %dma_wait3A_125 = arith.constant 2 : i32
    %dma_wait3A_126 = arith.constant 2 : i32
    %dma_wait3A_127 = arith.constant 0 : i32
    %dma_wait3A_128 = arith.constant 0 : i32
    %dma_wait3A_129 = tpu.memref_slice %arg10[%dma_wait3A_125, %dma_wait3A_127, %dma_wait3A_128] : memref<5x128x64xf32, #tpu.memory_space<vmem>> -> memref<1x128x64xf32, #tpu.memory_space<vmem>>
    %dma_wait3A_130 = tpu.memref_squeeze %dma_wait3A_129 : memref<1x128x64xf32, #tpu.memory_space<vmem>> -> memref<128x64xf32, #tpu.memory_space<vmem>>
    %dma_wait3A_131 = arith.constant 0 : i32
    %dma_wait3A_132 = arith.constant 0 : i32
    %dma_wait3A_133 = tpu.memref_slice %arg5[%dma_wait3A_131, %dma_wait3A_132] : memref<204800x64xf32, #tpu.memory_space<hbm>> -> memref<128x64xf32, #tpu.memory_space<hbm>>
    %dma_wait3A_134 = tpu.memref_slice %arg12[%dma_wait3A_126] : memref<5x!tpu.dma_semaphore, #tpu.memory_space<semaphore_mem>> -> memref<1x!tpu.dma_semaphore, #tpu.memory_space<semaphore_mem>>
    %dma_wait3A_135 = tpu.memref_squeeze %dma_wait3A_134 : memref<1x!tpu.dma_semaphore, #tpu.memory_space<semaphore_mem>> -> memref<!tpu.dma_semaphore, #tpu.memory_space<semaphore_mem>>
    %dma_wait3A_136 = arith.constant 0 : i32
    %dma_wait3A_137 = arith.constant 0 : i32
    %dma_wait3A_138 = tpu.memref_slice %arg5[%dma_wait3A_136, %dma_wait3A_137] : memref<204800x64xf32, #tpu.memory_space<hbm>> -> memref<128x64xf32, #tpu.memory_space<hbm>>
    %dma_wait3A_139 = arith.constant 0 : i32
    %dma_wait3A_140 = arith.constant 0 : i32
    %dma_wait3A_141 = tpu.memref_slice %arg10[%dma_wait3A_125, %dma_wait3A_139, %dma_wait3A_140] : memref<5x128x64xf32, #tpu.memory_space<vmem>> -> memref<1x128x64xf32, #tpu.memory_space<vmem>>
    %dma_wait3A_142 = tpu.memref_squeeze %dma_wait3A_141 : memref<1x128x64xf32, #tpu.memory_space<vmem>> -> memref<128x64xf32, #tpu.memory_space<vmem>>
    tpu.wait_dma2 semaphore(%dma_wait3A_135 : memref<!tpu.dma_semaphore, #tpu.memory_space<semaphore_mem>>) src(%dma_wait3A_142 : memref<128x64xf32, #tpu.memory_space<vmem>>) dst(%dma_wait3A_138 : memref<128x64xf32, #tpu.memory_space<hbm>>)
    %dma_wait3A_143 = arith.constant 3 : i32
    %dma_wait3A_144 = arith.constant 3 : i32
    %dma_wait3A_145 = arith.constant 0 : i32
    %dma_wait3A_146 = arith.constant 0 : i32
    %dma_wait3A_147 = tpu.memref_slice %arg10[%dma_wait3A_143, %dma_wait3A_145, %dma_wait3A_146] : memref<5x128x64xf32, #tpu.memory_space<vmem>> -> memref<1x128x64xf32, #tpu.memory_space<vmem>>
    %dma_wait3A_148 = tpu.memref_squeeze %dma_wait3A_147 : memref<1x128x64xf32, #tpu.memory_space<vmem>> -> memref<128x64xf32, #tpu.memory_space<vmem>>
    %dma_wait3A_149 = arith.constant 0 : i32
    %dma_wait3A_150 = arith.constant 0 : i32
    %dma_wait3A_151 = tpu.memref_slice %arg5[%dma_wait3A_149, %dma_wait3A_150] : memref<204800x64xf32, #tpu.memory_space<hbm>> -> memref<128x64xf32, #tpu.memory_space<hbm>>
    %dma_wait3A_152 = tpu.memref_slice %arg12[%dma_wait3A_144] : memref<5x!tpu.dma_semaphore, #tpu.memory_space<semaphore_mem>> -> memref<1x!tpu.dma_semaphore, #tpu.memory_space<semaphore_mem>>
    %dma_wait3A_153 = tpu.memref_squeeze %dma_wait3A_152 : memref<1x!tpu.dma_semaphore, #tpu.memory_space<semaphore_mem>> -> memref<!tpu.dma_semaphore, #tpu.memory_space<semaphore_mem>>
    %dma_wait3A_154 = arith.constant 0 : i32
    %dma_wait3A_155 = arith.constant 0 : i32
    %dma_wait3A_156 = tpu.memref_slice %arg5[%dma_wait3A_154, %dma_wait3A_155] : memref<204800x64xf32, #tpu.memory_space<hbm>> -> memref<128x64xf32, #tpu.memory_space<hbm>>
    %dma_wait3A_157 = arith.constant 0 : i32
    %dma_wait3A_158 = arith.constant 0 : i32
    %dma_wait3A_159 = tpu.memref_slice %arg10[%dma_wait3A_143, %dma_wait3A_157, %dma_wait3A_158] : memref<5x128x64xf32, #tpu.memory_space<vmem>> -> memref<1x128x64xf32, #tpu.memory_space<vmem>>
    %dma_wait3A_160 = tpu.memref_squeeze %dma_wait3A_159 : memref<1x128x64xf32, #tpu.memory_space<vmem>> -> memref<128x64xf32, #tpu.memory_space<vmem>>
    tpu.wait_dma2 semaphore(%dma_wait3A_153 : memref<!tpu.dma_semaphore, #tpu.memory_space<semaphore_mem>>) src(%dma_wait3A_160 : memref<128x64xf32, #tpu.memory_space<vmem>>) dst(%dma_wait3A_156 : memref<128x64xf32, #tpu.memory_space<hbm>>)
    %dma_wait3A_161 = arith.constant 4 : i32
    %dma_wait3A_162 = arith.constant 4 : i32
    %dma_wait3A_163 = arith.constant 0 : i32
    %dma_wait3A_164 = arith.constant 0 : i32
    %dma_wait3A_165 = tpu.memref_slice %arg10[%dma_wait3A_161, %dma_wait3A_163, %dma_wait3A_164] : memref<5x128x64xf32, #tpu.memory_space<vmem>> -> memref<1x128x64xf32, #tpu.memory_space<vmem>>
    %dma_wait3A_166 = tpu.memref_squeeze %dma_wait3A_165 : memref<1x128x64xf32, #tpu.memory_space<vmem>> -> memref<128x64xf32, #tpu.memory_space<vmem>>
    %dma_wait3A_167 = arith.constant 0 : i32
    %dma_wait3A_168 = arith.constant 0 : i32
    %dma_wait3A_169 = tpu.memref_slice %arg5[%dma_wait3A_167, %dma_wait3A_168] : memref<204800x64xf32, #tpu.memory_space<hbm>> -> memref<128x64xf32, #tpu.memory_space<hbm>>
    %dma_wait3A_170 = tpu.memref_slice %arg12[%dma_wait3A_162] : memref<5x!tpu.dma_semaphore, #tpu.memory_space<semaphore_mem>> -> memref<1x!tpu.dma_semaphore, #tpu.memory_space<semaphore_mem>>
    %dma_wait3A_171 = tpu.memref_squeeze %dma_wait3A_170 : memref<1x!tpu.dma_semaphore, #tpu.memory_space<semaphore_mem>> -> memref<!tpu.dma_semaphore, #tpu.memory_space<semaphore_mem>>
    %dma_wait3A_172 = arith.constant 0 : i32
    %dma_wait3A_173 = arith.constant 0 : i32
    %dma_wait3A_174 = tpu.memref_slice %arg5[%dma_wait3A_172, %dma_wait3A_173] : memref<204800x64xf32, #tpu.memory_space<hbm>> -> memref<128x64xf32, #tpu.memory_space<hbm>>
    %dma_wait3A_175 = arith.constant 0 : i32
    %dma_wait3A_176 = arith.constant 0 : i32
    %dma_wait3A_177 = tpu.memref_slice %arg10[%dma_wait3A_161, %dma_wait3A_175, %dma_wait3A_176] : memref<5x128x64xf32, #tpu.memory_space<vmem>> -> memref<1x128x64xf32, #tpu.memory_space<vmem>>
    %dma_wait3A_178 = tpu.memref_squeeze %dma_wait3A_177 : memref<1x128x64xf32, #tpu.memory_space<vmem>> -> memref<128x64xf32, #tpu.memory_space<vmem>>
    tpu.wait_dma2 semaphore(%dma_wait3A_171 : memref<!tpu.dma_semaphore, #tpu.memory_space<semaphore_mem>>) src(%dma_wait3A_178 : memref<128x64xf32, #tpu.memory_space<vmem>>) dst(%dma_wait3A_174 : memref<128x64xf32, #tpu.memory_space<hbm>>)
    return
  }
}

module attributes {stable_mosaic.version = 14 : i64} {
  func.func @_fmt_body(%arg0: i32, %arg1: memref<64x16384xf32, #tpu.memory_space<vmem>>, %arg2: memref<8192x128xf32, #tpu.memory_space<vmem>>) attributes {dimension_semantics = [#tpu.dimension_semantics<arbitrary>], iteration_bounds = array<i64: 62>, scalar_prefetch = 0 : i64, scratch_operands = 0 : i64, tpu.core_type = #tpu.core_type<tc>, window_params = [{transform_indices = @transform_0, window_bounds = array<i64: 64, 16384>}, {transform_indices = @transform_1, window_bounds = array<i64: 8192, 128>}]} {
    %get3A = arith.constant 0 : index
    %get3A_0 = arith.constant 0 : index
    %get3A_1 = vector.load %arg1[%get3A, %get3A_0] : memref<64x16384xf32, #tpu.memory_space<vmem>>, vector<64x16384xf32>
    %iota3A = tpu.iota {dimensions = array<i32: 0>} : vector<64x64xi32>
    %iota3A_2 = tpu.iota {dimensions = array<i32: 1>} : vector<64x64xi32>
    %add3A = arith.constant 0 : i32
    %add3A_3 = vector.broadcast %add3A : i32 to vector<64x64xi32>
    %add3A_4 = arith.addi %iota3A, %add3A_3 : vector<64x64xi32>
    %eq3A = arith.cmpi eq, %add3A_4, %iota3A_2 : vector<64x64xi32>
    %convert_element_type3A = arith.extui %eq3A : vector<64x64xi1> to vector<64x64xi32>
    %convert_element_type3A_5 = arith.sitofp %convert_element_type3A : vector<64x64xi32> to vector<64x64xf32>
    %dot_general3A = arith.constant dense<0.000000e+00> : vector<16384x64xf32>
    %dot_general3A_6 = tpu.matmul %get3A_1, %convert_element_type3A_5, %dot_general3A {dimension_numbers = #tpu.dot_dimension_numbers<[0], [0], [1], [1], [0, 1, 1, 1], [], []>, transpose_lhs_hint = false} : vector<64x16384xf32>, vector<64x64xf32>, vector<16384x64xf32> -> vector<16384x64xf32>
    %slice3A = vector.extract_strided_slice %dot_general3A_6 {offsets = [0, 0], sizes = [128, 64], strides = [1, 1]} : vector<16384x64xf32> to vector<128x64xf32>
    %slice3A_7 = vector.extract_strided_slice %dot_general3A_6 {offsets = [256, 0], sizes = [128, 64], strides = [1, 1]} : vector<16384x64xf32> to vector<128x64xf32>
    %slice3A_8 = vector.extract_strided_slice %dot_general3A_6 {offsets = [512, 0], sizes = [128, 64], strides = [1, 1]} : vector<16384x64xf32> to vector<128x64xf32>
    %slice3A_9 = vector.extract_strided_slice %dot_general3A_6 {offsets = [768, 0], sizes = [128, 64], strides = [1, 1]} : vector<16384x64xf32> to vector<128x64xf32>
    %slice3A_10 = vector.extract_strided_slice %dot_general3A_6 {offsets = [1024, 0], sizes = [128, 64], strides = [1, 1]} : vector<16384x64xf32> to vector<128x64xf32>
    %slice3A_11 = vector.extract_strided_slice %dot_general3A_6 {offsets = [1280, 0], sizes = [128, 64], strides = [1, 1]} : vector<16384x64xf32> to vector<128x64xf32>
    %slice3A_12 = vector.extract_strided_slice %dot_general3A_6 {offsets = [1536, 0], sizes = [128, 64], strides = [1, 1]} : vector<16384x64xf32> to vector<128x64xf32>
    %slice3A_13 = vector.extract_strided_slice %dot_general3A_6 {offsets = [1792, 0], sizes = [128, 64], strides = [1, 1]} : vector<16384x64xf32> to vector<128x64xf32>
    %slice3A_14 = vector.extract_strided_slice %dot_general3A_6 {offsets = [2048, 0], sizes = [128, 64], strides = [1, 1]} : vector<16384x64xf32> to vector<128x64xf32>
    %slice3A_15 = vector.extract_strided_slice %dot_general3A_6 {offsets = [2304, 0], sizes = [128, 64], strides = [1, 1]} : vector<16384x64xf32> to vector<128x64xf32>
    %slice3A_16 = vector.extract_strided_slice %dot_general3A_6 {offsets = [2560, 0], sizes = [128, 64], strides = [1, 1]} : vector<16384x64xf32> to vector<128x64xf32>
    %slice3A_17 = vector.extract_strided_slice %dot_general3A_6 {offsets = [2816, 0], sizes = [128, 64], strides = [1, 1]} : vector<16384x64xf32> to vector<128x64xf32>
    %slice3A_18 = vector.extract_strided_slice %dot_general3A_6 {offsets = [3072, 0], sizes = [128, 64], strides = [1, 1]} : vector<16384x64xf32> to vector<128x64xf32>
    %slice3A_19 = vector.extract_strided_slice %dot_general3A_6 {offsets = [3328, 0], sizes = [128, 64], strides = [1, 1]} : vector<16384x64xf32> to vector<128x64xf32>
    %slice3A_20 = vector.extract_strided_slice %dot_general3A_6 {offsets = [3584, 0], sizes = [128, 64], strides = [1, 1]} : vector<16384x64xf32> to vector<128x64xf32>
    %slice3A_21 = vector.extract_strided_slice %dot_general3A_6 {offsets = [3840, 0], sizes = [128, 64], strides = [1, 1]} : vector<16384x64xf32> to vector<128x64xf32>
    %slice3A_22 = vector.extract_strided_slice %dot_general3A_6 {offsets = [4096, 0], sizes = [128, 64], strides = [1, 1]} : vector<16384x64xf32> to vector<128x64xf32>
    %slice3A_23 = vector.extract_strided_slice %dot_general3A_6 {offsets = [4352, 0], sizes = [128, 64], strides = [1, 1]} : vector<16384x64xf32> to vector<128x64xf32>
    %slice3A_24 = vector.extract_strided_slice %dot_general3A_6 {offsets = [4608, 0], sizes = [128, 64], strides = [1, 1]} : vector<16384x64xf32> to vector<128x64xf32>
    %slice3A_25 = vector.extract_strided_slice %dot_general3A_6 {offsets = [4864, 0], sizes = [128, 64], strides = [1, 1]} : vector<16384x64xf32> to vector<128x64xf32>
    %slice3A_26 = vector.extract_strided_slice %dot_general3A_6 {offsets = [5120, 0], sizes = [128, 64], strides = [1, 1]} : vector<16384x64xf32> to vector<128x64xf32>
    %slice3A_27 = vector.extract_strided_slice %dot_general3A_6 {offsets = [5376, 0], sizes = [128, 64], strides = [1, 1]} : vector<16384x64xf32> to vector<128x64xf32>
    %slice3A_28 = vector.extract_strided_slice %dot_general3A_6 {offsets = [5632, 0], sizes = [128, 64], strides = [1, 1]} : vector<16384x64xf32> to vector<128x64xf32>
    %slice3A_29 = vector.extract_strided_slice %dot_general3A_6 {offsets = [5888, 0], sizes = [128, 64], strides = [1, 1]} : vector<16384x64xf32> to vector<128x64xf32>
    %slice3A_30 = vector.extract_strided_slice %dot_general3A_6 {offsets = [6144, 0], sizes = [128, 64], strides = [1, 1]} : vector<16384x64xf32> to vector<128x64xf32>
    %slice3A_31 = vector.extract_strided_slice %dot_general3A_6 {offsets = [6400, 0], sizes = [128, 64], strides = [1, 1]} : vector<16384x64xf32> to vector<128x64xf32>
    %slice3A_32 = vector.extract_strided_slice %dot_general3A_6 {offsets = [6656, 0], sizes = [128, 64], strides = [1, 1]} : vector<16384x64xf32> to vector<128x64xf32>
    %slice3A_33 = vector.extract_strided_slice %dot_general3A_6 {offsets = [6912, 0], sizes = [128, 64], strides = [1, 1]} : vector<16384x64xf32> to vector<128x64xf32>
    %slice3A_34 = vector.extract_strided_slice %dot_general3A_6 {offsets = [7168, 0], sizes = [128, 64], strides = [1, 1]} : vector<16384x64xf32> to vector<128x64xf32>
    %slice3A_35 = vector.extract_strided_slice %dot_general3A_6 {offsets = [7424, 0], sizes = [128, 64], strides = [1, 1]} : vector<16384x64xf32> to vector<128x64xf32>
    %slice3A_36 = vector.extract_strided_slice %dot_general3A_6 {offsets = [7680, 0], sizes = [128, 64], strides = [1, 1]} : vector<16384x64xf32> to vector<128x64xf32>
    %slice3A_37 = vector.extract_strided_slice %dot_general3A_6 {offsets = [7936, 0], sizes = [128, 64], strides = [1, 1]} : vector<16384x64xf32> to vector<128x64xf32>
    %slice3A_38 = vector.extract_strided_slice %dot_general3A_6 {offsets = [8192, 0], sizes = [128, 64], strides = [1, 1]} : vector<16384x64xf32> to vector<128x64xf32>
    %slice3A_39 = vector.extract_strided_slice %dot_general3A_6 {offsets = [8448, 0], sizes = [128, 64], strides = [1, 1]} : vector<16384x64xf32> to vector<128x64xf32>
    %slice3A_40 = vector.extract_strided_slice %dot_general3A_6 {offsets = [8704, 0], sizes = [128, 64], strides = [1, 1]} : vector<16384x64xf32> to vector<128x64xf32>
    %slice3A_41 = vector.extract_strided_slice %dot_general3A_6 {offsets = [8960, 0], sizes = [128, 64], strides = [1, 1]} : vector<16384x64xf32> to vector<128x64xf32>
    %slice3A_42 = vector.extract_strided_slice %dot_general3A_6 {offsets = [9216, 0], sizes = [128, 64], strides = [1, 1]} : vector<16384x64xf32> to vector<128x64xf32>
    %slice3A_43 = vector.extract_strided_slice %dot_general3A_6 {offsets = [9472, 0], sizes = [128, 64], strides = [1, 1]} : vector<16384x64xf32> to vector<128x64xf32>
    %slice3A_44 = vector.extract_strided_slice %dot_general3A_6 {offsets = [9728, 0], sizes = [128, 64], strides = [1, 1]} : vector<16384x64xf32> to vector<128x64xf32>
    %slice3A_45 = vector.extract_strided_slice %dot_general3A_6 {offsets = [9984, 0], sizes = [128, 64], strides = [1, 1]} : vector<16384x64xf32> to vector<128x64xf32>
    %slice3A_46 = vector.extract_strided_slice %dot_general3A_6 {offsets = [10240, 0], sizes = [128, 64], strides = [1, 1]} : vector<16384x64xf32> to vector<128x64xf32>
    %slice3A_47 = vector.extract_strided_slice %dot_general3A_6 {offsets = [10496, 0], sizes = [128, 64], strides = [1, 1]} : vector<16384x64xf32> to vector<128x64xf32>
    %slice3A_48 = vector.extract_strided_slice %dot_general3A_6 {offsets = [10752, 0], sizes = [128, 64], strides = [1, 1]} : vector<16384x64xf32> to vector<128x64xf32>
    %slice3A_49 = vector.extract_strided_slice %dot_general3A_6 {offsets = [11008, 0], sizes = [128, 64], strides = [1, 1]} : vector<16384x64xf32> to vector<128x64xf32>
    %slice3A_50 = vector.extract_strided_slice %dot_general3A_6 {offsets = [11264, 0], sizes = [128, 64], strides = [1, 1]} : vector<16384x64xf32> to vector<128x64xf32>
    %slice3A_51 = vector.extract_strided_slice %dot_general3A_6 {offsets = [11520, 0], sizes = [128, 64], strides = [1, 1]} : vector<16384x64xf32> to vector<128x64xf32>
    %slice3A_52 = vector.extract_strided_slice %dot_general3A_6 {offsets = [11776, 0], sizes = [128, 64], strides = [1, 1]} : vector<16384x64xf32> to vector<128x64xf32>
    %slice3A_53 = vector.extract_strided_slice %dot_general3A_6 {offsets = [12032, 0], sizes = [128, 64], strides = [1, 1]} : vector<16384x64xf32> to vector<128x64xf32>
    %slice3A_54 = vector.extract_strided_slice %dot_general3A_6 {offsets = [12288, 0], sizes = [128, 64], strides = [1, 1]} : vector<16384x64xf32> to vector<128x64xf32>
    %slice3A_55 = vector.extract_strided_slice %dot_general3A_6 {offsets = [12544, 0], sizes = [128, 64], strides = [1, 1]} : vector<16384x64xf32> to vector<128x64xf32>
    %slice3A_56 = vector.extract_strided_slice %dot_general3A_6 {offsets = [12800, 0], sizes = [128, 64], strides = [1, 1]} : vector<16384x64xf32> to vector<128x64xf32>
    %slice3A_57 = vector.extract_strided_slice %dot_general3A_6 {offsets = [13056, 0], sizes = [128, 64], strides = [1, 1]} : vector<16384x64xf32> to vector<128x64xf32>
    %slice3A_58 = vector.extract_strided_slice %dot_general3A_6 {offsets = [13312, 0], sizes = [128, 64], strides = [1, 1]} : vector<16384x64xf32> to vector<128x64xf32>
    %slice3A_59 = vector.extract_strided_slice %dot_general3A_6 {offsets = [13568, 0], sizes = [128, 64], strides = [1, 1]} : vector<16384x64xf32> to vector<128x64xf32>
    %slice3A_60 = vector.extract_strided_slice %dot_general3A_6 {offsets = [13824, 0], sizes = [128, 64], strides = [1, 1]} : vector<16384x64xf32> to vector<128x64xf32>
    %slice3A_61 = vector.extract_strided_slice %dot_general3A_6 {offsets = [14080, 0], sizes = [128, 64], strides = [1, 1]} : vector<16384x64xf32> to vector<128x64xf32>
    %slice3A_62 = vector.extract_strided_slice %dot_general3A_6 {offsets = [14336, 0], sizes = [128, 64], strides = [1, 1]} : vector<16384x64xf32> to vector<128x64xf32>
    %slice3A_63 = vector.extract_strided_slice %dot_general3A_6 {offsets = [14592, 0], sizes = [128, 64], strides = [1, 1]} : vector<16384x64xf32> to vector<128x64xf32>
    %slice3A_64 = vector.extract_strided_slice %dot_general3A_6 {offsets = [14848, 0], sizes = [128, 64], strides = [1, 1]} : vector<16384x64xf32> to vector<128x64xf32>
    %slice3A_65 = vector.extract_strided_slice %dot_general3A_6 {offsets = [15104, 0], sizes = [128, 64], strides = [1, 1]} : vector<16384x64xf32> to vector<128x64xf32>
    %slice3A_66 = vector.extract_strided_slice %dot_general3A_6 {offsets = [15360, 0], sizes = [128, 64], strides = [1, 1]} : vector<16384x64xf32> to vector<128x64xf32>
    %slice3A_67 = vector.extract_strided_slice %dot_general3A_6 {offsets = [15616, 0], sizes = [128, 64], strides = [1, 1]} : vector<16384x64xf32> to vector<128x64xf32>
    %slice3A_68 = vector.extract_strided_slice %dot_general3A_6 {offsets = [15872, 0], sizes = [128, 64], strides = [1, 1]} : vector<16384x64xf32> to vector<128x64xf32>
    %slice3A_69 = vector.extract_strided_slice %dot_general3A_6 {offsets = [16128, 0], sizes = [128, 64], strides = [1, 1]} : vector<16384x64xf32> to vector<128x64xf32>
    %concatenate3A = tpu.concatenate %slice3A, %slice3A_7, %slice3A_8, %slice3A_9, %slice3A_10, %slice3A_11, %slice3A_12, %slice3A_13, %slice3A_14, %slice3A_15, %slice3A_16, %slice3A_17, %slice3A_18, %slice3A_19, %slice3A_20, %slice3A_21, %slice3A_22, %slice3A_23, %slice3A_24, %slice3A_25, %slice3A_26, %slice3A_27, %slice3A_28, %slice3A_29, %slice3A_30, %slice3A_31, %slice3A_32, %slice3A_33, %slice3A_34, %slice3A_35, %slice3A_36, %slice3A_37, %slice3A_38, %slice3A_39, %slice3A_40, %slice3A_41, %slice3A_42, %slice3A_43, %slice3A_44, %slice3A_45, %slice3A_46, %slice3A_47, %slice3A_48, %slice3A_49, %slice3A_50, %slice3A_51, %slice3A_52, %slice3A_53, %slice3A_54, %slice3A_55, %slice3A_56, %slice3A_57, %slice3A_58, %slice3A_59, %slice3A_60, %slice3A_61, %slice3A_62, %slice3A_63, %slice3A_64, %slice3A_65, %slice3A_66, %slice3A_67, %slice3A_68, %slice3A_69 in 0 : vector<128x64xf32>, vector<128x64xf32>, vector<128x64xf32>, vector<128x64xf32>, vector<128x64xf32>, vector<128x64xf32>, vector<128x64xf32>, vector<128x64xf32>, vector<128x64xf32>, vector<128x64xf32>, vector<128x64xf32>, vector<128x64xf32>, vector<128x64xf32>, vector<128x64xf32>, vector<128x64xf32>, vector<128x64xf32>, vector<128x64xf32>, vector<128x64xf32>, vector<128x64xf32>, vector<128x64xf32>, vector<128x64xf32>, vector<128x64xf32>, vector<128x64xf32>, vector<128x64xf32>, vector<128x64xf32>, vector<128x64xf32>, vector<128x64xf32>, vector<128x64xf32>, vector<128x64xf32>, vector<128x64xf32>, vector<128x64xf32>, vector<128x64xf32>, vector<128x64xf32>, vector<128x64xf32>, vector<128x64xf32>, vector<128x64xf32>, vector<128x64xf32>, vector<128x64xf32>, vector<128x64xf32>, vector<128x64xf32>, vector<128x64xf32>, vector<128x64xf32>, vector<128x64xf32>, vector<128x64xf32>, vector<128x64xf32>, vector<128x64xf32>, vector<128x64xf32>, vector<128x64xf32>, vector<128x64xf32>, vector<128x64xf32>, vector<128x64xf32>, vector<128x64xf32>, vector<128x64xf32>, vector<128x64xf32>, vector<128x64xf32>, vector<128x64xf32>, vector<128x64xf32>, vector<128x64xf32>, vector<128x64xf32>, vector<128x64xf32>, vector<128x64xf32>, vector<128x64xf32>, vector<128x64xf32>, vector<128x64xf32> -> vector<8192x64xf32>
    %slice3A_70 = vector.extract_strided_slice %dot_general3A_6 {offsets = [128, 0], sizes = [128, 64], strides = [1, 1]} : vector<16384x64xf32> to vector<128x64xf32>
    %slice3A_71 = vector.extract_strided_slice %dot_general3A_6 {offsets = [384, 0], sizes = [128, 64], strides = [1, 1]} : vector<16384x64xf32> to vector<128x64xf32>
    %slice3A_72 = vector.extract_strided_slice %dot_general3A_6 {offsets = [640, 0], sizes = [128, 64], strides = [1, 1]} : vector<16384x64xf32> to vector<128x64xf32>
    %slice3A_73 = vector.extract_strided_slice %dot_general3A_6 {offsets = [896, 0], sizes = [128, 64], strides = [1, 1]} : vector<16384x64xf32> to vector<128x64xf32>
    %slice3A_74 = vector.extract_strided_slice %dot_general3A_6 {offsets = [1152, 0], sizes = [128, 64], strides = [1, 1]} : vector<16384x64xf32> to vector<128x64xf32>
    %slice3A_75 = vector.extract_strided_slice %dot_general3A_6 {offsets = [1408, 0], sizes = [128, 64], strides = [1, 1]} : vector<16384x64xf32> to vector<128x64xf32>
    %slice3A_76 = vector.extract_strided_slice %dot_general3A_6 {offsets = [1664, 0], sizes = [128, 64], strides = [1, 1]} : vector<16384x64xf32> to vector<128x64xf32>
    %slice3A_77 = vector.extract_strided_slice %dot_general3A_6 {offsets = [1920, 0], sizes = [128, 64], strides = [1, 1]} : vector<16384x64xf32> to vector<128x64xf32>
    %slice3A_78 = vector.extract_strided_slice %dot_general3A_6 {offsets = [2176, 0], sizes = [128, 64], strides = [1, 1]} : vector<16384x64xf32> to vector<128x64xf32>
    %slice3A_79 = vector.extract_strided_slice %dot_general3A_6 {offsets = [2432, 0], sizes = [128, 64], strides = [1, 1]} : vector<16384x64xf32> to vector<128x64xf32>
    %slice3A_80 = vector.extract_strided_slice %dot_general3A_6 {offsets = [2688, 0], sizes = [128, 64], strides = [1, 1]} : vector<16384x64xf32> to vector<128x64xf32>
    %slice3A_81 = vector.extract_strided_slice %dot_general3A_6 {offsets = [2944, 0], sizes = [128, 64], strides = [1, 1]} : vector<16384x64xf32> to vector<128x64xf32>
    %slice3A_82 = vector.extract_strided_slice %dot_general3A_6 {offsets = [3200, 0], sizes = [128, 64], strides = [1, 1]} : vector<16384x64xf32> to vector<128x64xf32>
    %slice3A_83 = vector.extract_strided_slice %dot_general3A_6 {offsets = [3456, 0], sizes = [128, 64], strides = [1, 1]} : vector<16384x64xf32> to vector<128x64xf32>
    %slice3A_84 = vector.extract_strided_slice %dot_general3A_6 {offsets = [3712, 0], sizes = [128, 64], strides = [1, 1]} : vector<16384x64xf32> to vector<128x64xf32>
    %slice3A_85 = vector.extract_strided_slice %dot_general3A_6 {offsets = [3968, 0], sizes = [128, 64], strides = [1, 1]} : vector<16384x64xf32> to vector<128x64xf32>
    %slice3A_86 = vector.extract_strided_slice %dot_general3A_6 {offsets = [4224, 0], sizes = [128, 64], strides = [1, 1]} : vector<16384x64xf32> to vector<128x64xf32>
    %slice3A_87 = vector.extract_strided_slice %dot_general3A_6 {offsets = [4480, 0], sizes = [128, 64], strides = [1, 1]} : vector<16384x64xf32> to vector<128x64xf32>
    %slice3A_88 = vector.extract_strided_slice %dot_general3A_6 {offsets = [4736, 0], sizes = [128, 64], strides = [1, 1]} : vector<16384x64xf32> to vector<128x64xf32>
    %slice3A_89 = vector.extract_strided_slice %dot_general3A_6 {offsets = [4992, 0], sizes = [128, 64], strides = [1, 1]} : vector<16384x64xf32> to vector<128x64xf32>
    %slice3A_90 = vector.extract_strided_slice %dot_general3A_6 {offsets = [5248, 0], sizes = [128, 64], strides = [1, 1]} : vector<16384x64xf32> to vector<128x64xf32>
    %slice3A_91 = vector.extract_strided_slice %dot_general3A_6 {offsets = [5504, 0], sizes = [128, 64], strides = [1, 1]} : vector<16384x64xf32> to vector<128x64xf32>
    %slice3A_92 = vector.extract_strided_slice %dot_general3A_6 {offsets = [5760, 0], sizes = [128, 64], strides = [1, 1]} : vector<16384x64xf32> to vector<128x64xf32>
    %slice3A_93 = vector.extract_strided_slice %dot_general3A_6 {offsets = [6016, 0], sizes = [128, 64], strides = [1, 1]} : vector<16384x64xf32> to vector<128x64xf32>
    %slice3A_94 = vector.extract_strided_slice %dot_general3A_6 {offsets = [6272, 0], sizes = [128, 64], strides = [1, 1]} : vector<16384x64xf32> to vector<128x64xf32>
    %slice3A_95 = vector.extract_strided_slice %dot_general3A_6 {offsets = [6528, 0], sizes = [128, 64], strides = [1, 1]} : vector<16384x64xf32> to vector<128x64xf32>
    %slice3A_96 = vector.extract_strided_slice %dot_general3A_6 {offsets = [6784, 0], sizes = [128, 64], strides = [1, 1]} : vector<16384x64xf32> to vector<128x64xf32>
    %slice3A_97 = vector.extract_strided_slice %dot_general3A_6 {offsets = [7040, 0], sizes = [128, 64], strides = [1, 1]} : vector<16384x64xf32> to vector<128x64xf32>
    %slice3A_98 = vector.extract_strided_slice %dot_general3A_6 {offsets = [7296, 0], sizes = [128, 64], strides = [1, 1]} : vector<16384x64xf32> to vector<128x64xf32>
    %slice3A_99 = vector.extract_strided_slice %dot_general3A_6 {offsets = [7552, 0], sizes = [128, 64], strides = [1, 1]} : vector<16384x64xf32> to vector<128x64xf32>
    %slice3A_100 = vector.extract_strided_slice %dot_general3A_6 {offsets = [7808, 0], sizes = [128, 64], strides = [1, 1]} : vector<16384x64xf32> to vector<128x64xf32>
    %slice3A_101 = vector.extract_strided_slice %dot_general3A_6 {offsets = [8064, 0], sizes = [128, 64], strides = [1, 1]} : vector<16384x64xf32> to vector<128x64xf32>
    %slice3A_102 = vector.extract_strided_slice %dot_general3A_6 {offsets = [8320, 0], sizes = [128, 64], strides = [1, 1]} : vector<16384x64xf32> to vector<128x64xf32>
    %slice3A_103 = vector.extract_strided_slice %dot_general3A_6 {offsets = [8576, 0], sizes = [128, 64], strides = [1, 1]} : vector<16384x64xf32> to vector<128x64xf32>
    %slice3A_104 = vector.extract_strided_slice %dot_general3A_6 {offsets = [8832, 0], sizes = [128, 64], strides = [1, 1]} : vector<16384x64xf32> to vector<128x64xf32>
    %slice3A_105 = vector.extract_strided_slice %dot_general3A_6 {offsets = [9088, 0], sizes = [128, 64], strides = [1, 1]} : vector<16384x64xf32> to vector<128x64xf32>
    %slice3A_106 = vector.extract_strided_slice %dot_general3A_6 {offsets = [9344, 0], sizes = [128, 64], strides = [1, 1]} : vector<16384x64xf32> to vector<128x64xf32>
    %slice3A_107 = vector.extract_strided_slice %dot_general3A_6 {offsets = [9600, 0], sizes = [128, 64], strides = [1, 1]} : vector<16384x64xf32> to vector<128x64xf32>
    %slice3A_108 = vector.extract_strided_slice %dot_general3A_6 {offsets = [9856, 0], sizes = [128, 64], strides = [1, 1]} : vector<16384x64xf32> to vector<128x64xf32>
    %slice3A_109 = vector.extract_strided_slice %dot_general3A_6 {offsets = [10112, 0], sizes = [128, 64], strides = [1, 1]} : vector<16384x64xf32> to vector<128x64xf32>
    %slice3A_110 = vector.extract_strided_slice %dot_general3A_6 {offsets = [10368, 0], sizes = [128, 64], strides = [1, 1]} : vector<16384x64xf32> to vector<128x64xf32>
    %slice3A_111 = vector.extract_strided_slice %dot_general3A_6 {offsets = [10624, 0], sizes = [128, 64], strides = [1, 1]} : vector<16384x64xf32> to vector<128x64xf32>
    %slice3A_112 = vector.extract_strided_slice %dot_general3A_6 {offsets = [10880, 0], sizes = [128, 64], strides = [1, 1]} : vector<16384x64xf32> to vector<128x64xf32>
    %slice3A_113 = vector.extract_strided_slice %dot_general3A_6 {offsets = [11136, 0], sizes = [128, 64], strides = [1, 1]} : vector<16384x64xf32> to vector<128x64xf32>
    %slice3A_114 = vector.extract_strided_slice %dot_general3A_6 {offsets = [11392, 0], sizes = [128, 64], strides = [1, 1]} : vector<16384x64xf32> to vector<128x64xf32>
    %slice3A_115 = vector.extract_strided_slice %dot_general3A_6 {offsets = [11648, 0], sizes = [128, 64], strides = [1, 1]} : vector<16384x64xf32> to vector<128x64xf32>
    %slice3A_116 = vector.extract_strided_slice %dot_general3A_6 {offsets = [11904, 0], sizes = [128, 64], strides = [1, 1]} : vector<16384x64xf32> to vector<128x64xf32>
    %slice3A_117 = vector.extract_strided_slice %dot_general3A_6 {offsets = [12160, 0], sizes = [128, 64], strides = [1, 1]} : vector<16384x64xf32> to vector<128x64xf32>
    %slice3A_118 = vector.extract_strided_slice %dot_general3A_6 {offsets = [12416, 0], sizes = [128, 64], strides = [1, 1]} : vector<16384x64xf32> to vector<128x64xf32>
    %slice3A_119 = vector.extract_strided_slice %dot_general3A_6 {offsets = [12672, 0], sizes = [128, 64], strides = [1, 1]} : vector<16384x64xf32> to vector<128x64xf32>
    %slice3A_120 = vector.extract_strided_slice %dot_general3A_6 {offsets = [12928, 0], sizes = [128, 64], strides = [1, 1]} : vector<16384x64xf32> to vector<128x64xf32>
    %slice3A_121 = vector.extract_strided_slice %dot_general3A_6 {offsets = [13184, 0], sizes = [128, 64], strides = [1, 1]} : vector<16384x64xf32> to vector<128x64xf32>
    %slice3A_122 = vector.extract_strided_slice %dot_general3A_6 {offsets = [13440, 0], sizes = [128, 64], strides = [1, 1]} : vector<16384x64xf32> to vector<128x64xf32>
    %slice3A_123 = vector.extract_strided_slice %dot_general3A_6 {offsets = [13696, 0], sizes = [128, 64], strides = [1, 1]} : vector<16384x64xf32> to vector<128x64xf32>
    %slice3A_124 = vector.extract_strided_slice %dot_general3A_6 {offsets = [13952, 0], sizes = [128, 64], strides = [1, 1]} : vector<16384x64xf32> to vector<128x64xf32>
    %slice3A_125 = vector.extract_strided_slice %dot_general3A_6 {offsets = [14208, 0], sizes = [128, 64], strides = [1, 1]} : vector<16384x64xf32> to vector<128x64xf32>
    %slice3A_126 = vector.extract_strided_slice %dot_general3A_6 {offsets = [14464, 0], sizes = [128, 64], strides = [1, 1]} : vector<16384x64xf32> to vector<128x64xf32>
    %slice3A_127 = vector.extract_strided_slice %dot_general3A_6 {offsets = [14720, 0], sizes = [128, 64], strides = [1, 1]} : vector<16384x64xf32> to vector<128x64xf32>
    %slice3A_128 = vector.extract_strided_slice %dot_general3A_6 {offsets = [14976, 0], sizes = [128, 64], strides = [1, 1]} : vector<16384x64xf32> to vector<128x64xf32>
    %slice3A_129 = vector.extract_strided_slice %dot_general3A_6 {offsets = [15232, 0], sizes = [128, 64], strides = [1, 1]} : vector<16384x64xf32> to vector<128x64xf32>
    %slice3A_130 = vector.extract_strided_slice %dot_general3A_6 {offsets = [15488, 0], sizes = [128, 64], strides = [1, 1]} : vector<16384x64xf32> to vector<128x64xf32>
    %slice3A_131 = vector.extract_strided_slice %dot_general3A_6 {offsets = [15744, 0], sizes = [128, 64], strides = [1, 1]} : vector<16384x64xf32> to vector<128x64xf32>
    %slice3A_132 = vector.extract_strided_slice %dot_general3A_6 {offsets = [16000, 0], sizes = [128, 64], strides = [1, 1]} : vector<16384x64xf32> to vector<128x64xf32>
    %slice3A_133 = vector.extract_strided_slice %dot_general3A_6 {offsets = [16256, 0], sizes = [128, 64], strides = [1, 1]} : vector<16384x64xf32> to vector<128x64xf32>
    %concatenate3A_134 = tpu.concatenate %slice3A_70, %slice3A_71, %slice3A_72, %slice3A_73, %slice3A_74, %slice3A_75, %slice3A_76, %slice3A_77, %slice3A_78, %slice3A_79, %slice3A_80, %slice3A_81, %slice3A_82, %slice3A_83, %slice3A_84, %slice3A_85, %slice3A_86, %slice3A_87, %slice3A_88, %slice3A_89, %slice3A_90, %slice3A_91, %slice3A_92, %slice3A_93, %slice3A_94, %slice3A_95, %slice3A_96, %slice3A_97, %slice3A_98, %slice3A_99, %slice3A_100, %slice3A_101, %slice3A_102, %slice3A_103, %slice3A_104, %slice3A_105, %slice3A_106, %slice3A_107, %slice3A_108, %slice3A_109, %slice3A_110, %slice3A_111, %slice3A_112, %slice3A_113, %slice3A_114, %slice3A_115, %slice3A_116, %slice3A_117, %slice3A_118, %slice3A_119, %slice3A_120, %slice3A_121, %slice3A_122, %slice3A_123, %slice3A_124, %slice3A_125, %slice3A_126, %slice3A_127, %slice3A_128, %slice3A_129, %slice3A_130, %slice3A_131, %slice3A_132, %slice3A_133 in 0 : vector<128x64xf32>, vector<128x64xf32>, vector<128x64xf32>, vector<128x64xf32>, vector<128x64xf32>, vector<128x64xf32>, vector<128x64xf32>, vector<128x64xf32>, vector<128x64xf32>, vector<128x64xf32>, vector<128x64xf32>, vector<128x64xf32>, vector<128x64xf32>, vector<128x64xf32>, vector<128x64xf32>, vector<128x64xf32>, vector<128x64xf32>, vector<128x64xf32>, vector<128x64xf32>, vector<128x64xf32>, vector<128x64xf32>, vector<128x64xf32>, vector<128x64xf32>, vector<128x64xf32>, vector<128x64xf32>, vector<128x64xf32>, vector<128x64xf32>, vector<128x64xf32>, vector<128x64xf32>, vector<128x64xf32>, vector<128x64xf32>, vector<128x64xf32>, vector<128x64xf32>, vector<128x64xf32>, vector<128x64xf32>, vector<128x64xf32>, vector<128x64xf32>, vector<128x64xf32>, vector<128x64xf32>, vector<128x64xf32>, vector<128x64xf32>, vector<128x64xf32>, vector<128x64xf32>, vector<128x64xf32>, vector<128x64xf32>, vector<128x64xf32>, vector<128x64xf32>, vector<128x64xf32>, vector<128x64xf32>, vector<128x64xf32>, vector<128x64xf32>, vector<128x64xf32>, vector<128x64xf32>, vector<128x64xf32>, vector<128x64xf32>, vector<128x64xf32>, vector<128x64xf32>, vector<128x64xf32>, vector<128x64xf32>, vector<128x64xf32>, vector<128x64xf32>, vector<128x64xf32>, vector<128x64xf32>, vector<128x64xf32> -> vector<8192x64xf32>
    %swap3A = arith.constant 0 : index
    %swap3A_135 = arith.constant 0 : index
    %swap3A_136 = vector.load %arg2[%swap3A, %swap3A_135] : memref<8192x128xf32, #tpu.memory_space<vmem>>, vector<8192x64xf32>
    tpu.vector_store %arg2[%swap3A, %swap3A_135], %concatenate3A {strides = array<i32>} : memref<8192x128xf32, #tpu.memory_space<vmem>>, vector<8192x64xf32>,
    %swap3A_137 = arith.constant 0 : index
    %swap3A_138 = arith.constant 64 : index
    %swap3A_139 = vector.load %arg2[%swap3A_137, %swap3A_138] : memref<8192x128xf32, #tpu.memory_space<vmem>>, vector<8192x64xf32>
    tpu.vector_store %arg2[%swap3A_137, %swap3A_138], %concatenate3A_134 {strides = array<i32>} : memref<8192x128xf32, #tpu.memory_space<vmem>>, vector<8192x64xf32>,
    return
  }
  func.func @transform_0(%arg0: i32) -> (i32, i32) {
    %c0_i32 = arith.constant 0 : i32
    %c0_i32_0 = arith.constant 0 : i32
    return %c0_i32, %arg0 : i32, i32
  }
  func.func @transform_1(%arg0: i32) -> (i32, i32) {
    %c0_i32 = arith.constant 0 : i32
    %c0_i32_0 = arith.constant 0 : i32
    return %arg0, %c0_i32 : i32, i32
  }
}

</mosaic_0001>

<sc_bundles>
// kernel: kernel.4.cloned.1.call-start
scs
__scs_entry_jumppad:
0x0: {  	(pc) =	sbr.rel $0x88, $3  }
0x1: {  	(tag) =	ssettag $0x0;
	lr =	simm.s32 $0x1  }
0x2: {  	[smem:$0x3F9F] =	sst lr;
	_ =	strace $0xD0000000  }
0x3: {  	_ = 	snop  }
0x4: {  	_ = 	snop  }
0x5: {  	_ = 	snop  }
0x6: {  	_ = 	snop  }
0x7: {  	_ = 	snop  }
__scs_overlays_trampoline_lowered:
0x8: {  	[smem:$0x3FAE] =	sst s0  }
0x9: {  	[smem:$0x3FAF] =	sst s1  }
0xa: {  	[smem:$0x3FB0] =	sst s2  }
0xb: {  	[smem:$0x3FB1] =	sst s3  }
0xc: {  	[smem:$0x3FB2] =	sst s4  }
0xd: {  	[smem:$0x3FB3] =	sst s5  }
0xe: {  	[smem:$0x3FB4] =	sst s6  }
0xf: {  	[smem:$0x3FB5] =	sst s7  }
0x10: {  	[smem:$0x3FB6] =	sst s8  }
0x11: {  	[smem:$0x3FB7] =	sst s9;
	s0 =	simm.s32 @!p0 $0x0  }
0x12: {  	s1 =	sld [smem:$0x3F9D];
	s0 =	simm.s32 @p0 $0x1  }
0x13: {  	[smem:$0x3FB8] =	sst s0;
	s0 =	simm.s32 @!p1 $0x0  }
0x14: {  	s2 =	sld [smem:$0x3F9C];
	s0 =	simm.s32 @p1 $0x1  }
0x15: {  	[smem:$0x3FB9] =	sst s0;
	s0 =	simm.s32 @!p2 $0x0  }
0x16: {  	s3 =	sld [smem:$0x3FDB];
	s0 =	simm.s32 @p2 $0x1  }
0x17: {  	s4 =	simm.s32 $0x1BF5;
	[smem:$0x3FBB] =	sst s0  }
0x18: {  	s0 =	sld [smem:$0x3F9E];
	_ =	swait.ge [sflag:s4], $0x0  }
0x19: {  	s7 =	sld [smem:$0x3F9F]  }
0x1a: {  	s8 =	sadd.s32 $0xFFFFE003, lr  }
0x1b: {  	s9 =	sadd.s32 $0xFFFFFEF7, lr;
	s5 =	simm.s32 $0xFFFFFFFF;
	p2 =	slt.u32 s8, $0xFFFFF086  }
0x1c: {  	p1 =	slt.u32 s9, $0xF7A;
	s5 =	simm.s32 @!p2 $0x0  }
0x1d: {  	s5 =	simm.s32 @p1 $0x1;
	p0 =	seq.s32 s7, s2  }
0x1e: {  	s7 =	smul.u32 @!p0 $0xF7A, s2;
	p2 =	seq.s32 @!p0 s5, $0x0  }
0x1f: {  	s9 =	smul.u32 $0xF7A, s1;
	s8 =	simm.s32 @!p0 $0x1BF5;
	p2 =	por !p2, p0  }
0x20: {  	[sflag:s8] =	ssyncset.s32 @!p0 $0xFFFFF086;
	s6 =	sadd.s32 @!p0 s3, s7;
	s7 =	simm.s32 @!p0 $0x108  }
0x21: {  	s3 =	sadd.s32 s3, s9;
	s6 =	sadd.s32 @!p0 $0x88, s6;
	s7 =	simm.s32 @p2 $0x1082  }
0x22: {  	[simem:s7], [sflag:s8] =	dma.local @!p0 [hbm:s6], $0xF7A  }
0x23: {  	s9 =	sor.u32 $0xD0000000, s2;
	s6 =	simm.s32 $0x108;
	_ =	swait.ge @!p0 [sflag:s8], $0x0  }
0x24: {  	s3 =	sadd.s32 $0x88, s3;
	s6 =	simm.s32 @!p1 $0x1082;
	[sflag:s4] =	ssyncset.s32 $0xFFFFF086  }
0x25: {  	[simem:s6], [sflag:s4] =	dma.local [hbm:s3], $0xF7A  }
0x26: {  	[smem:$0x3F9F] =	sst s1;
	(tag) =	ssettag s2;
	_ =	strace s9  }
0x27: {  	s1 =	sld [smem:$0x3FAF]  }
0x28: {  	s2 =	sld [smem:$0x3FB0]  }
0x29: {  	s4 =	sld [smem:$0x3FB2]  }
0x2a: {  	p0 =	seq.s32 s5, $0x0;
	s5 =	sld [smem:$0x3FB3]  }
0x2b: {  	s6 =	sld [smem:$0x3FB4]  }
0x2c: {  	s7 =	sld [smem:$0x3FB5]  }
0x2d: {  	s3 =	simm.s32 $0x108;
	s8 =	sld [smem:$0x3FB6]  }
0x2e: {  	s3 =	simm.s32 @!p0 $0x1082;
	s9 =	sld [smem:$0x3FB7]  }
0x2f: {  	lr =	sadd.s32 s0, s3;
	s0 =	sld [smem:$0x3FAE]  }
0x30: {  	s3 =	sld [smem:$0x3FB1]  }
0x31: {  	[smem:$0x3FBA] =	sst s10  }
0x32: {  	s10 =	sld [smem:$0x3FB8];
	_ =	sdelay $0x3  }
0x33: {  	p0 =	seq.s32 s10, $0x1;
	s10 =	sld [smem:$0x3FBA];
	_ =	sdelay $0x3  }
0x34: {  	[smem:$0x3FBA] =	sst s10  }
0x35: {  	s10 =	sld [smem:$0x3FB9];
	_ =	sdelay $0x3  }
0x36: {  	p1 =	seq.s32 s10, $0x1;
	s10 =	sld [smem:$0x3FBA];
	_ =	sdelay $0x3  }
0x37: {  	[smem:$0x3FBA] =	sst s10  }
0x38: {  	s10 =	sld [smem:$0x3FBB]  }
0x39: {  	_ = 	snop;
	(pc) =	sbr.ind lr, $3  }
0x3a: {  	_ = 	snop  }
0x3b: {  	_ = 	snop  }
0x3c: {  	p2 =	seq.s32 s10, $0x1;
	s10 =	sld [smem:$0x3FBA]  }
0x3d: {  	_ =	shalt  }
0x3e: {  	_ =	shalt  }
0x3f: {  	_ =	shalt  }
0x40: {  	_ =	shalt  }
0x41: {  	_ =	shalt  }
0x42: {  	_ =	shalt  }
0x43: {  	_ =	shalt  }
0x44: {  	_ =	shalt  }
0x45: {  	_ =	shalt  }
0x46: {  	_ =	shalt  }
0x47: {  	_ =	shalt  }
0x48: {  	_ =	shalt  }
0x49: {  	_ =	shalt  }
0x4a: {  	_ =	shalt  }
0x4b: {  	_ =	shalt  }
0x4c: {  	_ =	shalt  }
0x4d: {  	_ =	shalt  }
0x4e: {  	_ =	shalt  }
0x4f: {  	_ =	shalt  }
0x50: {  	_ =	shalt  }
0x51: {  	_ =	shalt  }
0x52: {  	_ =	shalt  }
0x53: {  	_ =	shalt  }
0x54: {  	_ =	shalt  }
0x55: {  	_ =	shalt  }
0x56: {  	_ =	shalt  }
0x57: {  	_ =	shalt  }
0x58: {  	_ =	shalt  }
0x59: {  	_ =	shalt  }
0x5a: {  	_ =	shalt  }
0x5b: {  	_ =	shalt  }
0x5c: {  	_ =	shalt  }
0x5d: {  	_ =	shalt  }
0x5e: {  	_ =	shalt  }
0x5f: {  	_ =	shalt  }
0x60: {  	_ =	shalt  }
0x61: {  	_ =	shalt  }
0x62: {  	_ =	shalt  }
0x63: {  	_ =	shalt  }
0x64: {  	_ =	shalt  }
0x65: {  	_ =	shalt  }
0x66: {  	_ =	shalt  }
0x67: {  	_ =	shalt  }
0x68: {  	_ =	shalt  }
0x69: {  	_ =	shalt  }
0x6a: {  	_ =	shalt  }
0x6b: {  	_ =	shalt  }
0x6c: {  	_ =	shalt  }
0x6d: {  	_ =	shalt  }
0x6e: {  	_ =	shalt  }
0x6f: {  	_ =	shalt  }
0x70: {  	_ =	shalt  }
0x71: {  	_ =	shalt  }
0x72: {  	_ =	shalt  }
0x73: {  	_ =	shalt  }
0x74: {  	_ =	shalt  }
0x75: {  	_ =	shalt  }
0x76: {  	_ =	shalt  }
0x77: {  	_ =	shalt  }
0x78: {  	_ =	shalt  }
0x79: {  	_ =	shalt  }
0x7a: {  	_ =	shalt  }
0x7b: {  	_ =	shalt  }
0x7c: {  	_ =	shalt  }
0x7d: {  	_ =	shalt  }
0x7e: {  	_ =	shalt  }
0x7f: {  	_ =	shalt  }
0x80: {  	_ =	shalt  }
0x81: {  	_ =	shalt  }
0x82: {  	_ =	shalt  }
0x83: {  	_ =	shalt  }
0x84: {  	_ =	shalt  }
0x85: {  	_ =	shalt  }
0x86: {  	_ =	shalt  }
0x87: {  	_ =	shalt  }
.Lfunc_end0:
.L_simem_size_0:
called_computation.1_lowered:
.L_overlay_start_0:
0x88: {  	s2 =	sld [smem:$0x3FD9]  }
0x89: {  	s3 =	sld [smem:$0x3FFE];
	_ =	sdelay $0x1  }
0x8a: {  	s1 =	srdreg.scid  }
0x8b: {  	s0 =	sand.u32 $0x1, s1  }
0x8c: {  	s17 =	sshll.u32 s0, $0xA;
	s2 =	sadd.s32 s3, s2  }
0x8d: {  	s2 =	sadd.s32 s2, s17  }
0x8e: {  	[smem:$0x3FC6] =	sst s2  }
0x8f: {  	_ = 	snop  }
0x90: {  	s2 =	sld [smem:$0x3FD0];
	(tm) =	ssettm $0x1  }
0x91: {  	s18 =	sld [smem:$0x3FFB];
	_ =	sdelay $0x3  }
0x92: {  	_ =	strace s18  }
0x93: {  	s3 =	sld [smem:$0x3FFC];
	_ =	sdelay $0x3  }
0x94: {  	_ =	strace s3  }
0x95: {  	s3 =	sld [smem:$0x3FFD];
	_ =	sdelay $0x3  }
0x96: {  	_ =	strace s3  }
0x97: {  	_ =	strace $0x8FFFFFFF  }
0x98: {  	s19 =	sld [smem:$0x3FDB];
	_ =	sdelay $0x1  }
0x99: {  	s4 =	simm.s32 $_scs_section_size  }
0x9a: {  	s5 =	simm.s32 $_size__tile_overlayer_lowered;
	s6 =	simm.s32 $_tile_overlayer_lowered  }
0x9b: {  	s22 =	simm.s32 $0x1BFF;
	s21 =	sshll.u32 s6, $0x1;
	s3 =	sadd.s32 s4, s19  }
0x9c: {  	s7 =	simm.s32 $0x0;
	s20 =	sshll.u32 s5, $0x1;
	s5 =	sadd.s32 s21, s3  }
0x9d: {  	[timem:s7], [sflag:s22] =	dma.local [hbm:s5], s20  }
0x9e: {  	_ =	swait.ge [sflag:s22], s20  }
0x9f: {  	s4 =	ssub.s32 $0x0, s20;
	[sflag:s22] =	ssyncset.done $0x0  }
0xa0: {  	[sflag:s22] =	ssyncadd.s32 s4;
	_ =	sdelay $0x1  }
0xa1: {  	s23 =	simm.s32 $0x1B8B  }
0xa2: {  	_ =	swait.ge [sflag:s23], $0x1  }
0xa3: {  	[sflag:s23] =	ssyncset.done $0x0  }
0xa4: {  	s25 =	simm.s32 $0x1B8E;
	s24 =	sld [smem:$0x3FFE];
	[sflag:s23] =	ssyncadd.s32 $0xFFFFFFFF  }
0xa5: {  	s26 =	simm.s32 $execute0_lowered;
	[smem:$0x3FD2] =	sst s25  }
0xa6: {  	s5 =	sshll.u32 s26, $0x1;
	_ =	strace $0x80000046;
	[dreg:$0x1] =	wrdreg $0xFFFFFFFF  }
0xa7: {  	s28 =	simm.s32 $_size_execute0_lowered;
	s3 =	sadd.s32 s3, s5;
	[dreg:$0x0] =	wrdreg $0x0  }
0xa8: {  	s5 =	sshll.u32 s28, $0x1;
	[dreg:$0x2] =	wrdreg s3  }
0xa9: {  	[dreg:$0x3] =	wrdreg s5  }
0xaa: {  	[dreg:$0x4] =	wrdreg $0xC0  }
0xab: {  	_ =	task [dreg:s7], $0x5FFFF  }
0xac: {  	[dreg:$0x1] =	wrdreg $0xFFFFFFFF  }
0xad: {  	[dreg:$0x0] =	wrdreg $0x60  }
0xae: {  	[dreg:$0x2] =	wrdreg s24  }
0xaf: {  	[dreg:$0x3] =	wrdreg s2  }
0xb0: {  	[dreg:$0x4] =	wrdreg $0x9  }
0xb1: {  	_ =	task.clear_ibuf [dreg:s7], $0x5FFFF;
	_ =	strace $0x90000046  }
0xb2: {  	s29 =	simm.s32 $0x9;
	_ =	strace $0x80000048  }
0xb3: {  	_ =	swait.ge [sflag:s29], $0x1  }
0xb4: {  	[sflag:s29] =	ssyncadd.s32 $0xFFFFFFFF  }
0xb5: {  	_ =	strace $0x90000048  }
0xb6: {  	_ =	sfence  }
0xb7: {  	s30 =	sld [smem:$0x0];
	_ =	sdelay $0x2  }
0xb8: {  	s31 =	sshll.u32 s1, $0xD;
	s1 =	sshrl.u32 s1, $0x2  }
0xb9: {  	s3 =	sand.u32 $0x4000, s31;
	s1 =	sadd.s32 s1, s30  }
0xba: {  	s0 =	sor.u32 s3, s0;
	s1 =	sshll.u32 s1, $0x11  }
0xbb: {  	s0 =	sor.u32 s1, s0  }
0xbc: {  	s0 =	sadd.s32 $0x8F2B, s0  }
0xbd: {  	[sflag:s0] =	ssyncadd.remote.s32 $0x1  }
0xbe: {  	_ =	sfence.sel $0xFFFF  }
0xbf: {  	[dreg:$0x0] =	wrdreg $0xFFFFFFFF;
	(pc) =	sbr.abs _section_cstart, $3  }
0xc0: {  	[dreg:$0x1] =	wrdreg $0xFFFFFFFF  }
0xc1: {  	_ =	task.clear_ibuf [dreg:s7], $0x2FFFF;
	_ =	strace $0x9FFFFFFF  }
0xc2: {  	(tm) =	ssettm $0x7FFFFFFF  }
0xc3: {  	_ =	shalt  }
tec
execute0_lowered:
.L_overlay_start_1:
0x0: {  	(tag) =	ssettag $0x1  }
0x1: {  	s0 =	srdreg.scid  }
0x2: {  	s2 =	stileid.u32;
	s1 =	rddreg [dreg:$0x0];
	s21 =	simm.s32 $0x1  }
0x3: {  	s23 =	simm.s32 $0x2;
	s24 =	simm.s32 $0x7;
	s28 =	simm.s32 $0x8  }
0x4: {  	s30 =	simm.s32 $0x4;
	s31 =	simm.s32 $0x9;
	s10 =	simm.s32 $0xA  }
0x5: {  	s11 =	simm.s32 $0x1A400;
	s0 =	sand.u32 $0x1, s0;
	s3 =	sshll.u32 s2, $0x1  }
0x6: {  	s15 =	simm.s32 $0x80;
	s2 =	rddreg [dreg:$0x1];
	s4 =	sor.u32 s0, s3  }
0x7: {  	s25 =	sadd.s32 $0x200, s1;
	s3 =	simm.s32 $0x0;
	s5 =	smul.u32 $0x320, s4  }
0x8: {  	s0 =	ssub.s32 $0x2, s0;
	[smem:$0x7FF] =	sst s3;
	s6 =	smul.u32 $0x1900, s4  }
.Ltmp0:
0x9: {  	s26 =	sshrl.u32 s0, $0x1;
	_ =	strace $0x80000047;
	(pc) =	sbr.rel .LBB2_1-.Ltmp0, $4  }
0xa: {  	[dreg:$0x3] =	wrdreg s25;
	s0 =	ssub.s32 s0, s26;
	s26 =	simm.s32 $0x3  }
0xb: {  	s7 =	sadd.s32 s5, s1;
	s5 =	sadd.s32 $0x7200, s1;
	s0 =	smax.u32 s0, $0x1  }
0xc: {  	s1 =	simm.s32 $0x18400;
	s29 =	sadd.s32 $0xE00, s7;
	[dreg:$0x5] =	wrdreg s0  }
0xd: {  	s0 =	simm.s32 $0x5;
	s7 =	simm.s32 $0x0;
	[dreg:$0x4] =	wrdreg s29  }
.LBB2_32:
0xe: {  	s4 =	simm.s32 $0x6  }
0xf: {  	_ =	swait.ge [sflag:s4], $0x2000  }
0x10: {  	[sflag:s4] =	ssyncset.done $0x0  }
0x11: {  	[sflag:s4] =	ssyncadd.s32 $0xFFFFE000  }
0x12: {  	_ =	swait.ge [sflag:s24], $0x2000  }
0x13: {  	[sflag:s24] =	ssyncset.done $0x0  }
0x14: {  	[sflag:s24] =	ssyncadd.s32 $0xFFFFE000  }
0x15: {  	_ =	swait.ge [sflag:s28], $0x2000  }
0x16: {  	[sflag:s28] =	ssyncset.done $0x0  }
0x17: {  	[sflag:s28] =	ssyncadd.s32 $0xFFFFE000  }
0x18: {  	_ =	swait.ge [sflag:s31], $0x2000  }
0x19: {  	[sflag:s31] =	ssyncset.done $0x0  }
0x1a: {  	[sflag:s31] =	ssyncadd.s32 $0xFFFFE000  }
0x1b: {  	_ =	swait.ge [sflag:s10], $0x2000  }
0x1c: {  	s7 =	rddreg [dreg:$0x6]  }
0x1d: {  	s29 =	rddreg [dreg:$0x5];
	s7 =	sadd.s32 $0x1, s7  }
0x1e: {  	p0 =	sne.s32 s7, s29  }
.Ltmp1:
0x1f: {  	_ = 	snop;
	(pc) =	sbr.rel @!p0 .LBB2_33-.Ltmp1, $3  }
0x20: {  	_ =	sdelay $0x1  }
0x21: {  	[sflag:s10] =	ssyncset.done $0x0  }
0x22: {  	[sflag:s10] =	ssyncadd.s32 $0xFFFFE000  }
.LBB2_1:
0x23: {  	[dreg:$0x6] =	wrdreg s7  }
0x24: {  	s4 =	rddreg [dreg:$0x4];
	s25 =	simm.s32 $0xB  }
0x25: {  	[tilespmem:s3], [sflag:$0xB] =	stream.linear.gather [hbm4b:s4+s3], $0x1900, $0x38;
	[tilespmem:$0x1C400] =	vst v63  }
0x26: {  	_ =	swait.ge [sflag:s25], $0x1900  }
0x27: {  	[sflag:s25] =	ssyncset.done $0x0  }
0x28: {  	s8 =	simm.s32 $0x3200;
	s29 =	rddreg [dreg:$0x3];
	[sflag:s25] =	ssyncadd.s32 $0xFFFFE700  }
0x29: {  	[tilespmem:s8], [sflag:$0xB] =	stream.linear.gather [hbm4b:s29+s3], $0x5200, $0x38;
	[tilespmem:$0x1C400] =	vst v63  }
0x2a: {  	_ =	swait.ge [sflag:s25], $0x5200  }
0x2b: {  	[sflag:s25] =	ssyncset.done $0x0  }
0x2c: {  	s4 =	simm.s32 $0x0;
	[sflag:s25] =	ssyncadd.s32 $0xFFFFAE00  }
0x2d: {  	v0 =	vld [tilespmem:s4+$0x70]  }
0x2e: {  	v1 =	vld [tilespmem:s4+$0x0]  }
0x2f: {  	v2 =	vld [tilespmem:s4+$0x10]  }
0x30: {  	v3 =	vld [tilespmem:s4+$0x20]  }
0x31: {  	v5 =	vld [tilespmem:s4+$0x30]  }
0x32: {  	v6 =	vld [tilespmem:s4+$0x40]  }
0x33: {  	v7 =	vld [tilespmem:s4+$0x50]  }
0x34: {  	v10 =	vld [tilespmem:s4+$0x60]  }
0x35: {  	v4 =	vshll.u32 v0, $0x1  }
0x36: {  	v8 =	vand.u32 $0xFFFFFF00, v0;
	v0 =	vshrl.u32 v0, $0x7;
	v9 =	vshll.u32 v1, $0x1  }
0x37: {  	v11 =	vshll.u32 v3, $0x1;
	v12 =	vand.u32 $0xFFFFFF00, v2;
	v19 =	vand.u32 $0xFFFFFF00, v3  }
0x38: {  	v3 =	vshrl.u32 v3, $0x7;
	v20 =	vand.u32 $0xFFFFFF00, v5;
	v21 =	vand.u32 $0xFFFFFF00, v6  }
0x39: {  	v14 =	vand.u32 $0xFFFFFF00, v7;
	v15 =	vand.u32 $0xFFFFFF00, v10;
	v4 =	vand.u32 $0xFE, v4  }
0x3a: {  	v0 =	vand.u32 $0x1, v0;
	v9 =	vand.u32 $0xFE, v9;
	v16 =	vand.u32 $0xFE, v11  }
0x3b: {  	v11 =	vand.u32 $0xFFFFFF00, v1;
	v4 =	vor.u32 v8, v4;
	v8 =	vshll.u32 v2, $0x1  }
0x3c: {  	v2 =	vshrl.u32 v2, $0x7;
	v11 =	vor.u32 v11, v9;
	v13 =	vor.u32 v0, v4  }
0x3d: {  	v8 =	vand.u32 $0xFE, v8;
	v0 =	vshll.u32 v5, $0x1;
	v4 =	vshll.u32 v7, $0x1  }
0x3e: {  	v5 =	vshrl.u32 v5, $0x7;
	v7 =	vshrl.u32 v7, $0x7;
	v17 =	vand.u32 $0xFE, v0  }
0x3f: {  	v0 =	vshll.u32 v6, $0x1;
	v6 =	vshrl.u32 v6, $0x7;
	v8 =	vor.u32 v12, v8  }
0x40: {  	v12 =	vshrl.u32 v10, $0x7;
	[tilespmem:s4+$0x1970] =	vst v13;
	v13 =	vor.u32 v19, v16;
	v18 =	vand.u32 $0xFE, v0  }
0x41: {  	v0 =	vshrl.u32 v1, $0x7;
	v1 =	vand.u32 $0xFE, v4;
	v4 =	vshll.u32 v10, $0x1  }
0x42: {  	s7 =	simm.s32 $0x80;
	s8 =	simm.s32 $0x400;
	v9 =	vor.u32 v20, v17;
	v4 =	vand.u32 $0xFE, v4;
	v10 =	vor.u32 v21, v18  }
.LBB2_2:
0x43: {  	p0 =	sne.s32 s8, $0x6200;
	v16 =	vld [tilespmem:s7+$0x70];
	v0 =	vand.u32 $0x1, v0;
	v1 =	vor.u32 v14, v1;
	v4 =	vor.u32 v15, v4  }
0x44: {  	v2 =	vand.u32 $0x1, v2;
	v3 =	vand.u32 $0x1, v3;
	v5 =	vand.u32 $0x1, v5;
	v14 =	vld [tilespmem:s7+$0x0]  }
0x45: {  	v6 =	vand.u32 $0x1, v6;
	v7 =	vand.u32 $0x1, v7;
	v12 =	vand.u32 $0x1, v12;
	v15 =	vld [tilespmem:s7+$0x10]  }
0x46: {  	v0 =	vor.u32 v0, v11;
	v2 =	vor.u32 v2, v8;
	v3 =	vor.u32 v3, v13;
	v17 =	vld [tilespmem:s7+$0x20]  }
0x47: {  	v1 =	vor.u32 v7, v1;
	v8 =	vld [tilespmem:s7+$0x30];
	[tilespmem:s4+$0x1900] =	vst v0;
	v0 =	vor.u32 v5, v9;
	v5 =	vor.u32 v6, v10  }
0x48: {  	v6 =	vld [tilespmem:s7+$0x40];
	v7 =	vshll.u32 v16, $0x1;
	[tilespmem:s4+$0x1910] =	vst v2;
	v2 =	vor.u32 v12, v4  }
0x49: {  	v4 =	vand.u32 $0xFFFFFF00, v16;
	v10 =	vshrl.u32 v16, $0x7;
	v9 =	vld [tilespmem:s7+$0x50];
	v7 =	vand.u32 $0xFE, v7;
	[tilespmem:s4+$0x1920] =	vst v3  }
0x4a: {  	v3 =	vshll.u32 v14, $0x1;
	v12 =	vld [tilespmem:s7+$0x60];
	v4 =	vor.u32 v4, v7;
	v7 =	vand.u32 $0x1, v10;
	[tilespmem:s4+$0x1930] =	vst v0  }
0x4b: {  	v0 =	vshll.u32 v15, $0x1;
	v10 =	vshll.u32 v17, $0x1;
	v4 =	vor.u32 v7, v4;
	[tilespmem:s4+$0x1940] =	vst v5  }
0x4c: {  	v11 =	vand.u32 $0xFE, v3;
	v13 =	vand.u32 $0xFE, v0;
	v0 =	vshll.u32 v8, $0x1;
	[tilespmem:s7+$0x1970] =	vst v4  }
0x4d: {  	v10 =	vand.u32 $0xFE, v10;
	v16 =	vand.u32 $0xFE, v0;
	v0 =	vshll.u32 v6, $0x1;
	[tilespmem:s4+$0x1950] =	vst v1  }
0x4e: {  	v18 =	vand.u32 $0xFFFFFF00, v14;
	v19 =	vand.u32 $0xFE, v0;
	v1 =	vshll.u32 v9, $0x1;
	[tilespmem:s4+$0x1960] =	vst v2;
	s4 =	smov.u32 s7  }
0x4f: {  	v0 =	vshrl.u32 v14, $0x7;
	v1 =	vand.u32 $0xFE, v1;
	v3 =	vshll.u32 v12, $0x1  }
0x50: {  	v20 =	vand.u32 $0xFFFFFF00, v15;
	v2 =	vshrl.u32 v15, $0x7;
	v4 =	vand.u32 $0xFE, v3  }
.Ltmp2:
0x51: {  	v21 =	vand.u32 $0xFFFFFF00, v17;
	v3 =	vshrl.u32 v17, $0x7;
	v17 =	vand.u32 $0xFFFFFF00, v8;
	(pc) =	sbr.rel @p0 .LBB2_2-.Ltmp2, $4  }
0x52: {  	v5 =	vshrl.u32 v8, $0x7;
	v22 =	vand.u32 $0xFFFFFF00, v6;
	v6 =	vshrl.u32 v6, $0x7  }
0x53: {  	v14 =	vand.u32 $0xFFFFFF00, v9;
	v7 =	vshrl.u32 v9, $0x7;
	v15 =	vand.u32 $0xFFFFFF00, v12  }
0x54: {  	v11 =	vor.u32 v18, v11;
	v12 =	vshrl.u32 v12, $0x7;
	v8 =	vor.u32 v20, v13  }
0x55: {  	s7 =	sshra.s32 s8, $0x2;
	s8 =	sadd.s32 $0x200, s8;
	v13 =	vor.u32 v21, v10;
	v10 =	vor.u32 v22, v19;
	v9 =	vor.u32 v17, v16  }
0x56: {  	v16 =	vld [tilespmem:s7+$0x70]  }
0x57: {  	v17 =	vld [tilespmem:s7+$0x0]  }
0x58: {  	v18 =	vld [tilespmem:s7+$0x10];
	v0 =	vand.u32 $0x1, v0;
	v1 =	vor.u32 v14, v1  }
0x59: {  	v29 =	vld [tilespmem:s7+$0x20];
	v4 =	vor.u32 v15, v4;
	v2 =	vand.u32 $0x1, v2;
	v3 =	vand.u32 $0x1, v3  }
0x5a: {  	v30 =	vld [tilespmem:s7+$0x30];
	v5 =	vand.u32 $0x1, v5;
	v6 =	vand.u32 $0x1, v6;
	v31 =	vand.u32 $0x1, v7  }
0x5b: {  	v32 =	vand.u32 $0x1, v12;
	v0 =	vor.u32 v0, v11;
	v2 =	vor.u32 v2, v8  }
0x5c: {  	v3 =	vor.u32 v3, v13;
	v5 =	vor.u32 v5, v9;
	v6 =	vor.u32 v6, v10  }
0x5d: {  	v35 =	vor.u32 v32, v4;
	[tilespmem:s4+$0x1900] =	vst v0;
	v0 =	vor.u32 v31, v1;
	v34 =	vshll.u32 v16, $0x1  }
0x5e: {  	v37 =	vand.u32 $0xFFFFFF00, v16;
	v38 =	vshrl.u32 v16, $0x7;
	v39 =	vshll.u32 v17, $0x1  }
0x5f: {  	v42 =	vshll.u32 v18, $0x1;
	v43 =	vshll.u32 v29, $0x1;
	v45 =	vshll.u32 v30, $0x1  }
0x60: {  	v47 =	vand.u32 $0xFFFFFF00, v17;
	v17 =	vshrl.u32 v17, $0x7;
	v20 =	vand.u32 $0xFFFFFF00, v18  }
0x61: {  	v18 =	vshrl.u32 v18, $0x7;
	v49 =	vand.u32 $0xFFFFFF00, v29;
	v14 =	vshrl.u32 v29, $0x7  }
0x62: {  	v33 =	vld [tilespmem:s7+$0x40];
	[tilespmem:s4+$0x1910] =	vst v2;
	v21 =	vand.u32 $0xFFFFFF00, v30;
	v50 =	vshrl.u32 v30, $0x7;
	v1 =	vand.u32 $0xFE, v34  }
0x63: {  	v36 =	vld [tilespmem:s7+$0x50];
	[tilespmem:s4+$0x1920] =	vst v3;
	v41 =	vand.u32 $0x1, v38;
	v3 =	vand.u32 $0xFE, v39;
	v44 =	vand.u32 $0xFE, v42  }
0x64: {  	v12 =	vand.u32 $0xFE, v43;
	v9 =	vand.u32 $0xFE, v45;
	v55 =	vand.u32 $0x1, v17  }
0x65: {  	v40 =	vld [tilespmem:s7+$0x60];
	[tilespmem:s4+$0x1940] =	vst v6;
	v57 =	vand.u32 $0x1, v18;
	v58 =	vand.u32 $0x1, v14;
	v6 =	vand.u32 $0x1, v50  }
0x66: {  	v1 =	vor.u32 v37, v1;
	v52 =	vor.u32 v47, v3;
	v7 =	vor.u32 v20, v44  }
0x67: {  	[tilespmem:s4+$0x1930] =	vst v5;
	v5 =	vor.u32 v49, v12;
	v59 =	vor.u32 v21, v9;
	v1 =	vor.u32 v41, v1  }
0x68: {  	v46 =	vshll.u32 v33, $0x1;
	v51 =	vand.u32 $0xFFFFFF00, v33;
	v8 =	vshrl.u32 v33, $0x7;
	[tilespmem:s7+$0x1970] =	vst v1  }
0x69: {  	v7 =	vor.u32 v57, v7;
	v5 =	vor.u32 v58, v5;
	v13 =	vand.u32 $0xFE, v46;
	[tilespmem:s4+$0x1950] =	vst v0  }
0x6a: {  	v48 =	vshll.u32 v36, $0x1;
	v53 =	vand.u32 $0xFFFFFF00, v36;
	v1 =	vor.u32 v55, v52;
	[tilespmem:s4+$0x1960] =	vst v35  }
0x6b: {  	v4 =	vshrl.u32 v36, $0x7;
	v8 =	vand.u32 $0x1, v8;
	v16 =	vand.u32 $0xFE, v48;
	[tilespmem:s7+$0x1900] =	vst v1  }
0x6c: {  	v19 =	vshll.u32 v40, $0x1;
	v54 =	vand.u32 $0xFFFFFF00, v40;
	v56 =	vshrl.u32 v40, $0x7;
	[tilespmem:s7+$0x1910] =	vst v7  }
0x6d: {  	v60 =	vor.u32 v51, v13;
	v4 =	vand.u32 $0x1, v4;
	v1 =	vor.u32 v6, v59;
	[tilespmem:s7+$0x1920] =	vst v5  }
0x6e: {  	v19 =	vand.u32 $0xFE, v19;
	v3 =	vor.u32 v53, v16;
	v61 =	vor.u32 v8, v60;
	[tilespmem:s7+$0x1930] =	vst v1  }
0x6f: {  	v62 =	vand.u32 $0x1, v56;
	v0 =	vor.u32 v54, v19;
	v63 =	vor.u32 v4, v3;
	[tilespmem:s7+$0x1940] =	vst v61  }
0x70: {  	s19 =	simm.s32 $0x80;
	s12 =	simm.s32 $0x1900;
	v0 =	vor.u32 v62, v0;
	[tilespmem:s7+$0x1950] =	vst v63  }
0x71: {  	s13 =	simm.s32 $0x8400;
	s14 =	simm.s32 $0x1980;
	s16 =	simm.s32 $0xA400;
	[tilespmem:s7+$0x1960] =	vst v0  }
0x72: {  	[tilespmem:s13], [sflag:$0x1] =	stream.indirect.gather [hbm4b:s5+s19], $0x40, s12, s19, $0xb8;
	[tilespmem:$0x1C400] =	vst v63  }
0x73: {  	s17 =	simm.s32 $0x1A00;
	s18 =	simm.s32 $0xC400;
	s20 =	simm.s32 $0x1A80  }
0x74: {  	[tilespmem:s16], [sflag:$0x2] =	stream.indirect.gather [hbm4b:s5+s19], $0x40, s14, s19, $0xb8;
	[tilespmem:$0x1C400] =	vst v63  }
0x75: {  	s22 =	simm.s32 $0xE400;
	s25 =	simm.s32 $0x1B00;
	s29 =	simm.s32 $0x10400  }
0x76: {  	[tilespmem:s18], [sflag:$0x3] =	stream.indirect.gather [hbm4b:s5+s19], $0x40, s17, s19, $0xb8;
	[tilespmem:$0x1C400] =	vst v63  }
0x77: {  	s8 =	simm.s32 $0x100;
	s9 =	simm.s32 $0x200;
	s4 =	simm.s32 $0x3200  }
0x78: {  	[tilespmem:s22], [sflag:$0x4] =	stream.indirect.gather [hbm4b:s5+s19], $0x40, s20, s19, $0xb8;
	[tilespmem:$0x1C400] =	vst v63  }
0x79: {  	s7 =	simm.s32 $0x0;
	s13 =	simm.s32 $0x180;
	s17 =	simm.s32 $0x0  }
0x7a: {  	[tilespmem:s29], [sflag:$0x5] =	stream.indirect.gather [hbm4b:s5+s19], $0x40, s25, s19, $0xb8;
	[tilespmem:$0x1C400] =	vst v63  }
.LBB2_4:
0x7b: {  	s12 =	smulhi.u32 $0x51EB851F, s7;
	_ =	sdelay $0x1  }
0x7c: {  	s12 =	sshrl.u32 s12, $0x6  }
0x7d: {  	s12 =	smul.u32 $0xFFFF3800, s12  }
0x7e: {  	_ =	swait.ge [sflag:s21], $0x2000  }
0x7f: {  	p0 =	seq.s32 s17, $0x0;
	[sflag:s21] =	ssyncset.done $0x0;
	s12 =	sshra.s32 s12, $0x2  }
0x80: {  	s14 =	simm.s32 @!p0 $0x6;
	[sflag:s21] =	ssyncadd.s32 $0xFFFFE000;
	s12 =	sadd.s32 s12, s4  }
0x81: {  	_ =	swait.ge @!p0 [sflag:s14], $0x2000;
	v0 =	vmov s12  }
0x82: {  	[sflag:s14] =	ssyncset.done @!p0 $0x0  }
0x83: {  	s22 =	simm.s32 $0x0;
	[sflag:s14] =	ssyncadd.s32 @!p0 $0xFFFFE000  }
0x84: {  	v1 =	vld [tilespmem:s22+$0x8400];
	_ =	sdelay $0x1  }
0x85: {  	v2 =	vld.idx.msk [tilespmem:v0+s22+$0x0 ss:$0x1], $0xffff;
	_ =	sdelay $0x2  }
0x86: {  	v1 =	vmul.f32 $8.000000000e+00, v1;
	_ =	sdelay $0x1  }
0x87: {  	v1 =	vadd.f32 v2, v1;
	_ =	sdelay $0x1  }
0x88: {  	[tilespmem:s22+$0x12400] =	vst v1;
	v1 =	vld [tilespmem:s22+$0x8410];
	_ =	sdelay $0x1  }
0x89: {  	v2 =	vld.idx.msk [tilespmem:v0+s22+$0x10 ss:$0x1], $0xffff;
	_ =	sdelay $0x2  }
0x8a: {  	v1 =	vmul.f32 $8.000000000e+00, v1;
	_ =	sdelay $0x1  }
0x8b: {  	v1 =	vadd.f32 v2, v1;
	_ =	sdelay $0x1  }
0x8c: {  	[tilespmem:s22+$0x12410] =	vst v1;
	v1 =	vld [tilespmem:s22+$0x8420];
	_ =	sdelay $0x1  }
0x8d: {  	v2 =	vld.idx.msk [tilespmem:v0+s22+$0x20 ss:$0x1], $0xffff;
	_ =	sdelay $0x2  }
0x8e: {  	v1 =	vmul.f32 $8.000000000e+00, v1;
	_ =	sdelay $0x1  }
0x8f: {  	s20 =	smulhi.u32 $0x51EB851F, s9;
	v1 =	vadd.f32 v2, v1  }
0x90: {  	s16 =	smulhi.u32 $0x51EB851F, s8  }
0x91: {  	s25 =	smulhi.u32 $0x51EB851F, s13;
	[tilespmem:s22+$0x12420] =	vst v1;
	v1 =	vld [tilespmem:s22+$0x8430]  }
0x92: {  	s18 =	smulhi.u32 $0x51EB851F, s19;
	s16 =	sshrl.u32 s16, $0x6  }
0x93: {  	s16 =	smul.u32 $0xFFFF3800, s16;
	s12 =	sshrl.u32 s20, $0x6;
	v2 =	vld.idx.msk [tilespmem:v0+s22+$0x30 ss:$0x1], $0xffff  }
0x94: {  	s14 =	sshrl.u32 s25, $0x6;
	s12 =	smul.u32 $0xFFFF3800, s12  }
0x95: {  	s25 =	sshrl.u32 s18, $0x6;
	s20 =	smul.u32 $0xFFFF3800, s14  }
0x96: {  	s29 =	simm.s32 $0x40;
	s18 =	smul.u32 $0xFFFF3800, s25;
	s12 =	sshra.s32 s12, $0x2;
	v1 =	vmul.f32 $8.000000000e+00, v1  }
0x97: {  	s14 =	sadd.s32 s12, s4;
	s12 =	sshra.s32 s20, $0x2;
	s20 =	sshra.s32 s16, $0x2  }
0x98: {  	s25 =	sshra.s32 s18, $0x2;
	s16 =	sadd.s32 s12, s4;
	s18 =	sadd.s32 s20, s4;
	v1 =	vadd.f32 v2, v1  }
0x99: {  	s20 =	sadd.s32 s25, s4;
	s12 =	smul.u32 $0x280, s17;
	s25 =	simm.s32 $0x200  }
.LBB2_5:
0x9a: {  	p1 =	sne.s32 s25, $0x7F00;
	v2 =	vld [tilespmem:s29+$0x8400];
	[tilespmem:s22+$0x12430] =	vst v1;
	s22 =	smov.u32 s29  }
0x9b: {  	v1 =	vld.idx.msk [tilespmem:v0+s22+$0x0 ss:$0x1], $0xffff;
	_ =	sdelay $0x3  }
0x9c: {  	v2 =	vmul.f32 $8.000000000e+00, v2;
	_ =	sdelay $0x1  }
0x9d: {  	v1 =	vadd.f32 v1, v2;
	_ =	sdelay $0x1  }
0x9e: {  	[tilespmem:s22+$0x12400] =	vst v1;
	v1 =	vld [tilespmem:s22+$0x8410]  }
0x9f: {  	v2 =	vld.idx.msk [tilespmem:v0+s22+$0x10 ss:$0x1], $0xffff;
	_ =	sdelay $0x3  }
0xa0: {  	v1 =	vmul.f32 $8.000000000e+00, v1;
	_ =	sdelay $0x1  }
0xa1: {  	v1 =	vadd.f32 v2, v1;
	_ =	sdelay $0x1  }
0xa2: {  	[tilespmem:s22+$0x12410] =	vst v1;
	v1 =	vld [tilespmem:s22+$0x8420]  }
0xa3: {  	v2 =	vld.idx.msk [tilespmem:v0+s22+$0x20 ss:$0x1], $0xffff;
	_ =	sdelay $0x3  }
0xa4: {  	v1 =	vmul.f32 $8.000000000e+00, v1;
	_ =	sdelay $0x1  }
0xa5: {  	v1 =	vadd.f32 v2, v1;
	_ =	sdelay $0x1  }
0xa6: {  	[tilespmem:s22+$0x12420] =	vst v1;
	v1 =	vld [tilespmem:s22+$0x8430]  }
0xa7: {  	v2 =	vld.idx.msk [tilespmem:v0+s22+$0x30 ss:$0x1], $0xffff;
	_ =	sdelay $0x2  }
.Ltmp3:
0xa8: {  	(pc) =	sbr.rel @p1 .LBB2_5-.Ltmp3, $3  }
0xa9: {  	v1 =	vmul.f32 $8.000000000e+00, v1;
	_ =	sdelay $0x1  }
0xaa: {  	v1 =	vadd.f32 v2, v1  }
0xab: {  	s29 =	sshra.s32 s25, $0x2;
	s25 =	sadd.s32 $0x100, s25  }
0xac: {  	_ =	sdelay $0x1  }
0xad: {  	v2 =	vld [tilespmem:s29+$0x8400]  }
0xae: {  	[tilespmem:s22+$0x12430] =	vst v1  }
0xaf: {  	v1 =	vld.idx.msk [tilespmem:v0+s29+$0x0 ss:$0x1], $0xffff;
	_ =	sdelay $0x2  }
0xb0: {  	v2 =	vmul.f32 $8.000000000e+00, v2;
	_ =	sdelay $0x1  }
0xb1: {  	v1 =	vadd.f32 v1, v2  }
0xb2: {  	v58 =	vld [tilespmem:s29+$0x8410]  }
0xb3: {  	[tilespmem:s29+$0x12400] =	vst v1  }
0xb4: {  	v59 =	vld.idx.msk [tilespmem:v0+s29+$0x10 ss:$0x1], $0xffff;
	_ =	sdelay $0x2  }
0xb5: {  	v1 =	vmul.f32 $8.000000000e+00, v58;
	_ =	sdelay $0x1  }
0xb6: {  	v1 =	vadd.f32 v59, v1  }
0xb7: {  	v60 =	vld [tilespmem:s29+$0x8420]  }
0xb8: {  	[tilespmem:s29+$0x12410] =	vst v1  }
0xb9: {  	v61 =	vld.idx.msk [tilespmem:v0+s29+$0x20 ss:$0x1], $0xffff;
	_ =	sdelay $0x2  }
0xba: {  	v1 =	vmul.f32 $8.000000000e+00, v60;
	_ =	sdelay $0x1  }
0xbb: {  	v1 =	vadd.f32 v61, v1  }
0xbc: {  	v62 =	vld [tilespmem:s29+$0x8430]  }
0xbd: {  	[tilespmem:s29+$0x12420] =	vst v1  }
0xbe: {  	v63 =	vld.idx.msk [tilespmem:v0+s29+$0x30 ss:$0x1], $0xffff;
	_ =	sdelay $0x2  }
0xbf: {  	p1 =	sne.s32 s17, $0x9;
	v1 =	vmul.f32 $8.000000000e+00, v62  }
.Ltmp4:
0xc0: {  	_ = 	snop;
	(pc) =	sbr.rel @p1 .LBB2_8-.Ltmp4, $4  }
0xc1: {  	s25 =	sadd.s32 s6, s12;
	v0 =	vadd.f32 v63, v1  }
0xc2: {  	s22 =	sshll.u32 s25, $0x3  }
0xc3: {  	s25 =	simm.s32 $0x12400;
	s22 =	sadd.s32 s2, s22;
	[tilespmem:s29+$0x12430] =	vst v0  }
0xc4: {  	[hbm4b:s22+s3] =	stream.linear.scatter [tilespmem:s25], [sflag:$0x6], $0x2000, $0x38;
	[tilespmem:$0x1C400] =	vst v63  }
.Ltmp5:
0xc5: {  	(pc) =	sbr.rel .LBB2_9-.Ltmp5, $4  }
0xc6: {  	_ = 	snop  }
0xc7: {  	_ =	swait.ge [sflag:s23], $0x2000  }
0xc8: {  	[sflag:s23] =	ssyncset.done $0x0  }
0xc9: {  	[sflag:s23] =	ssyncadd.s32 $0xFFFFE000  }
.LBB2_8:
0xca: {  	s22 =	smul.u32 $0xA00, s17;
	_ =	sdelay $0x1  }
0xcb: {  	s22 =	sshra.s32 s22, $0x2  }
.Ltmp6:
0xcc: {  	s25 =	simm.s32 $0x8400;
	s22 =	sadd.s32 $0x1B80, s22;
	(pc) =	sbr.rel @p0 .LBB2_10-.Ltmp6, $4  }
0xcd: {  	[tilespmem:s25], [sflag:$0x1] =	stream.indirect.gather [hbm4b:s5+s15], $0x40, s22, s15, $0xb8;
	[tilespmem:$0x1C400] =	vst v63  }
0xce: {  	_ =	swait.ge [sflag:s23], $0x2000  }
0xcf: {  	[sflag:s23] =	ssyncset.done $0x0  }
0xd0: {  	[sflag:s23] =	ssyncadd.s32 $0xFFFFE000  }
.LBB2_9:
0xd1: {  	_ =	swait.ge [sflag:s24], $0x2000  }
0xd2: {  	[sflag:s24] =	ssyncset.done $0x0  }
0xd3: {  	[sflag:s24] =	ssyncadd.s32 $0xFFFFE000  }
.LBB2_10:
0xd4: {  	v0 =	vmov s20;
	_ =	sdelay $0x1  }
0xd5: {  	s20 =	simm.s32 $0x0  }
0xd6: {  	v1 =	vld [tilespmem:s20+$0xA400];
	_ =	sdelay $0x1  }
0xd7: {  	v2 =	vld.idx.msk [tilespmem:v0+s20+$0x2000 ss:$0x1], $0xffff;
	_ =	sdelay $0x2  }
0xd8: {  	v1 =	vmul.f32 $8.000000000e+00, v1;
	_ =	sdelay $0x1  }
0xd9: {  	v1 =	vadd.f32 v2, v1;
	_ =	sdelay $0x1  }
0xda: {  	[tilespmem:s20+$0x14400] =	vst v1;
	v1 =	vld [tilespmem:s20+$0xA410];
	_ =	sdelay $0x1  }
0xdb: {  	v2 =	vld.idx.msk [tilespmem:v0+s20+$0x2010 ss:$0x1], $0xffff;
	_ =	sdelay $0x2  }
0xdc: {  	v1 =	vmul.f32 $8.000000000e+00, v1;
	_ =	sdelay $0x1  }
0xdd: {  	v1 =	vadd.f32 v2, v1;
	_ =	sdelay $0x1  }
0xde: {  	[tilespmem:s20+$0x14410] =	vst v1;
	v1 =	vld [tilespmem:s20+$0xA420];
	_ =	sdelay $0x1  }
0xdf: {  	v2 =	vld.idx.msk [tilespmem:v0+s20+$0x2020 ss:$0x1], $0xffff;
	_ =	sdelay $0x2  }
0xe0: {  	v1 =	vmul.f32 $8.000000000e+00, v1;
	_ =	sdelay $0x1  }
0xe1: {  	v1 =	vadd.f32 v2, v1;
	_ =	sdelay $0x1  }
0xe2: {  	[tilespmem:s20+$0x14420] =	vst v1;
	v1 =	vld [tilespmem:s20+$0xA430];
	_ =	sdelay $0x1  }
0xe3: {  	v2 =	vld.idx.msk [tilespmem:v0+s20+$0x2030 ss:$0x1], $0xffff;
	_ =	sdelay $0x2  }
0xe4: {  	v1 =	vmul.f32 $8.000000000e+00, v1;
	_ =	sdelay $0x1  }
0xe5: {  	v1 =	vadd.f32 v2, v1  }
0xe6: {  	s22 =	sadd.s32 $0x80, s12;
	s29 =	simm.s32 $0x40;
	s25 =	simm.s32 $0x200  }
.LBB2_11:
0xe7: {  	p2 =	sne.s32 s25, $0x7F00;
	v2 =	vld [tilespmem:s29+$0xA400];
	[tilespmem:s20+$0x14430] =	vst v1;
	s20 =	smov.u32 s29  }
0xe8: {  	v1 =	vld.idx.msk [tilespmem:v0+s20+$0x2000 ss:$0x1], $0xffff;
	_ =	sdelay $0x3  }
0xe9: {  	v2 =	vmul.f32 $8.000000000e+00, v2;
	_ =	sdelay $0x1  }
0xea: {  	v1 =	vadd.f32 v1, v2;
	_ =	sdelay $0x1  }
0xeb: {  	[tilespmem:s20+$0x14400] =	vst v1;
	v1 =	vld [tilespmem:s20+$0xA410]  }
0xec: {  	v2 =	vld.idx.msk [tilespmem:v0+s20+$0x2010 ss:$0x1], $0xffff;
	_ =	sdelay $0x3  }
0xed: {  	v1 =	vmul.f32 $8.000000000e+00, v1;
	_ =	sdelay $0x1  }
0xee: {  	v1 =	vadd.f32 v2, v1;
	_ =	sdelay $0x1  }
0xef: {  	[tilespmem:s20+$0x14410] =	vst v1;
	v1 =	vld [tilespmem:s20+$0xA420]  }
0xf0: {  	v2 =	vld.idx.msk [tilespmem:v0+s20+$0x2020 ss:$0x1], $0xffff;
	_ =	sdelay $0x3  }
0xf1: {  	v1 =	vmul.f32 $8.000000000e+00, v1;
	_ =	sdelay $0x1  }
0xf2: {  	v1 =	vadd.f32 v2, v1;
	_ =	sdelay $0x1  }
0xf3: {  	[tilespmem:s20+$0x14420] =	vst v1;
	v1 =	vld [tilespmem:s20+$0xA430]  }
0xf4: {  	v2 =	vld.idx.msk [tilespmem:v0+s20+$0x2030 ss:$0x1], $0xffff;
	_ =	sdelay $0x2  }
.Ltmp7:
0xf5: {  	(pc) =	sbr.rel @p2 .LBB2_11-.Ltmp7, $3  }
0xf6: {  	v1 =	vmul.f32 $8.000000000e+00, v1;
	_ =	sdelay $0x1  }
0xf7: {  	v1 =	vadd.f32 v2, v1  }
0xf8: {  	s29 =	sshra.s32 s25, $0x2;
	s25 =	sadd.s32 $0x100, s25  }
0xf9: {  	_ =	sdelay $0x1  }
0xfa: {  	v2 =	vld [tilespmem:s29+$0xA400]  }
0xfb: {  	[tilespmem:s20+$0x14430] =	vst v1  }
0xfc: {  	v1 =	vld.idx.msk [tilespmem:v0+s29+$0x2000 ss:$0x1], $0xffff;
	_ =	sdelay $0x2  }
0xfd: {  	v2 =	vmul.f32 $8.000000000e+00, v2;
	_ =	sdelay $0x1  }
0xfe: {  	v1 =	vadd.f32 v1, v2  }
0xff: {  	v58 =	vld [tilespmem:s29+$0xA410]  }
0x100: {  	[tilespmem:s29+$0x14400] =	vst v1  }
0x101: {  	v59 =	vld.idx.msk [tilespmem:v0+s29+$0x2010 ss:$0x1], $0xffff;
	_ =	sdelay $0x2  }
0x102: {  	v1 =	vmul.f32 $8.000000000e+00, v58;
	_ =	sdelay $0x1  }
0x103: {  	v1 =	vadd.f32 v59, v1  }
0x104: {  	v60 =	vld [tilespmem:s29+$0xA420]  }
0x105: {  	[tilespmem:s29+$0x14410] =	vst v1  }
0x106: {  	v61 =	vld.idx.msk [tilespmem:v0+s29+$0x2020 ss:$0x1], $0xffff;
	_ =	sdelay $0x2  }
0x107: {  	v1 =	vmul.f32 $8.000000000e+00, v60;
	_ =	sdelay $0x1  }
0x108: {  	v1 =	vadd.f32 v61, v1  }
0x109: {  	v62 =	vld [tilespmem:s29+$0xA430]  }
0x10a: {  	[tilespmem:s29+$0x14420] =	vst v1  }
0x10b: {  	v63 =	vld.idx.msk [tilespmem:v0+s29+$0x2030 ss:$0x1], $0xffff;
	_ =	sdelay $0x2  }
0x10c: {  	v1 =	vmul.f32 $8.000000000e+00, v62  }
.Ltmp8:
0x10d: {  	s25 =	sadd.s32 s6, s22;
	(pc) =	sbr.rel @p1 .LBB2_14-.Ltmp8, $4  }
0x10e: {  	s20 =	sshll.u32 s25, $0x3;
	v0 =	vadd.f32 v63, v1  }
0x10f: {  	s20 =	sand.u32 $0x1FFFFC00, s20  }
0x110: {  	s20 =	sadd.s32 s2, s20;
	[tilespmem:s29+$0x14430] =	vst v0;
	s29 =	simm.s32 $0x14400  }
0x111: {  	[hbm4b:s20+s3] =	stream.linear.scatter [tilespmem:s29], [sflag:$0x7], $0x2000, $0x38;
	[tilespmem:$0x1C400] =	vst v63  }
.Ltmp9:
0x112: {  	(pc) =	sbr.rel .LBB2_15-.Ltmp9, $4  }
0x113: {  	_ = 	snop  }
0x114: {  	_ =	swait.ge [sflag:s26], $0x2000  }
0x115: {  	[sflag:s26] =	ssyncset.done $0x0  }
0x116: {  	[sflag:s26] =	ssyncadd.s32 $0xFFFFE000  }
.LBB2_14:
0x117: {  	s20 =	smul.u32 $0xA00, s17;
	_ =	sdelay $0x1  }
0x118: {  	s20 =	sshra.s32 s20, $0x2  }
.Ltmp10:
0x119: {  	s22 =	simm.s32 $0xA400;
	s20 =	sadd.s32 $0x1C00, s20;
	(pc) =	sbr.rel @p0 .LBB2_16-.Ltmp10, $4  }
0x11a: {  	[tilespmem:s22], [sflag:$0x2] =	stream.indirect.gather [hbm4b:s5+s15], $0x40, s20, s15, $0xb8;
	[tilespmem:$0x1C400] =	vst v63  }
0x11b: {  	_ =	swait.ge [sflag:s26], $0x2000  }
0x11c: {  	[sflag:s26] =	ssyncset.done $0x0  }
0x11d: {  	[sflag:s26] =	ssyncadd.s32 $0xFFFFE000  }
.LBB2_15:
0x11e: {  	_ =	swait.ge [sflag:s28], $0x2000  }
0x11f: {  	[sflag:s28] =	ssyncset.done $0x0  }
0x120: {  	[sflag:s28] =	ssyncadd.s32 $0xFFFFE000  }
.LBB2_16:
0x121: {  	v0 =	vmov s18;
	_ =	sdelay $0x1  }
0x122: {  	s18 =	simm.s32 $0x0  }
0x123: {  	v1 =	vld [tilespmem:s18+$0xC400];
	_ =	sdelay $0x1  }
0x124: {  	v2 =	vld.idx.msk [tilespmem:v0+s18+$0x4000 ss:$0x1], $0xffff;
	_ =	sdelay $0x2  }
0x125: {  	v1 =	vmul.f32 $8.000000000e+00, v1;
	_ =	sdelay $0x1  }
0x126: {  	v1 =	vadd.f32 v2, v1;
	_ =	sdelay $0x1  }
0x127: {  	[tilespmem:s18+$0x16400] =	vst v1;
	v1 =	vld [tilespmem:s18+$0xC410];
	_ =	sdelay $0x1  }
0x128: {  	v2 =	vld.idx.msk [tilespmem:v0+s18+$0x4010 ss:$0x1], $0xffff;
	_ =	sdelay $0x2  }
0x129: {  	v1 =	vmul.f32 $8.000000000e+00, v1;
	_ =	sdelay $0x1  }
0x12a: {  	v1 =	vadd.f32 v2, v1;
	_ =	sdelay $0x1  }
0x12b: {  	[tilespmem:s18+$0x16410] =	vst v1;
	v1 =	vld [tilespmem:s18+$0xC420];
	_ =	sdelay $0x1  }
0x12c: {  	v2 =	vld.idx.msk [tilespmem:v0+s18+$0x4020 ss:$0x1], $0xffff;
	_ =	sdelay $0x2  }
0x12d: {  	v1 =	vmul.f32 $8.000000000e+00, v1;
	_ =	sdelay $0x1  }
0x12e: {  	v1 =	vadd.f32 v2, v1;
	_ =	sdelay $0x1  }
0x12f: {  	[tilespmem:s18+$0x16420] =	vst v1;
	v1 =	vld [tilespmem:s18+$0xC430];
	_ =	sdelay $0x1  }
0x130: {  	v2 =	vld.idx.msk [tilespmem:v0+s18+$0x4030 ss:$0x1], $0xffff;
	_ =	sdelay $0x2  }
0x131: {  	v1 =	vmul.f32 $8.000000000e+00, v1;
	_ =	sdelay $0x1  }
0x132: {  	v1 =	vadd.f32 v2, v1  }
0x133: {  	s20 =	sadd.s32 $0x100, s12;
	s25 =	simm.s32 $0x40;
	s22 =	simm.s32 $0x200  }
.LBB2_17:
0x134: {  	p2 =	sne.s32 s22, $0x7F00;
	v2 =	vld [tilespmem:s25+$0xC400];
	[tilespmem:s18+$0x16430] =	vst v1;
	s18 =	smov.u32 s25  }
0x135: {  	v1 =	vld.idx.msk [tilespmem:v0+s18+$0x4000 ss:$0x1], $0xffff;
	_ =	sdelay $0x3  }
0x136: {  	v2 =	vmul.f32 $8.000000000e+00, v2;
	_ =	sdelay $0x1  }
0x137: {  	v1 =	vadd.f32 v1, v2;
	_ =	sdelay $0x1  }
0x138: {  	[tilespmem:s18+$0x16400] =	vst v1;
	v1 =	vld [tilespmem:s18+$0xC410]  }
0x139: {  	v2 =	vld.idx.msk [tilespmem:v0+s18+$0x4010 ss:$0x1], $0xffff;
	_ =	sdelay $0x3  }
0x13a: {  	v1 =	vmul.f32 $8.000000000e+00, v1;
	_ =	sdelay $0x1  }
0x13b: {  	v1 =	vadd.f32 v2, v1;
	_ =	sdelay $0x1  }
0x13c: {  	[tilespmem:s18+$0x16410] =	vst v1;
	v1 =	vld [tilespmem:s18+$0xC420]  }
0x13d: {  	v2 =	vld.idx.msk [tilespmem:v0+s18+$0x4020 ss:$0x1], $0xffff;
	_ =	sdelay $0x3  }
0x13e: {  	v1 =	vmul.f32 $8.000000000e+00, v1;
	_ =	sdelay $0x1  }
0x13f: {  	v1 =	vadd.f32 v2, v1;
	_ =	sdelay $0x1  }
0x140: {  	[tilespmem:s18+$0x16420] =	vst v1;
	v1 =	vld [tilespmem:s18+$0xC430]  }
0x141: {  	v2 =	vld.idx.msk [tilespmem:v0+s18+$0x4030 ss:$0x1], $0xffff;
	_ =	sdelay $0x2  }
.Ltmp11:
0x142: {  	(pc) =	sbr.rel @p2 .LBB2_17-.Ltmp11, $3  }
0x143: {  	v1 =	vmul.f32 $8.000000000e+00, v1;
	_ =	sdelay $0x1  }
0x144: {  	v1 =	vadd.f32 v2, v1  }
0x145: {  	s25 =	sshra.s32 s22, $0x2;
	s22 =	sadd.s32 $0x100, s22  }
0x146: {  	_ =	sdelay $0x1  }
0x147: {  	v2 =	vld [tilespmem:s25+$0xC400]  }
0x148: {  	[tilespmem:s18+$0x16430] =	vst v1  }
0x149: {  	v1 =	vld.idx.msk [tilespmem:v0+s25+$0x4000 ss:$0x1], $0xffff;
	_ =	sdelay $0x2  }
0x14a: {  	v2 =	vmul.f32 $8.000000000e+00, v2;
	_ =	sdelay $0x1  }
0x14b: {  	v1 =	vadd.f32 v1, v2  }
0x14c: {  	v58 =	vld [tilespmem:s25+$0xC410]  }
0x14d: {  	[tilespmem:s25+$0x16400] =	vst v1  }
0x14e: {  	v59 =	vld.idx.msk [tilespmem:v0+s25+$0x4010 ss:$0x1], $0xffff;
	_ =	sdelay $0x2  }
0x14f: {  	v1 =	vmul.f32 $8.000000000e+00, v58;
	_ =	sdelay $0x1  }
0x150: {  	v1 =	vadd.f32 v59, v1  }
0x151: {  	v60 =	vld [tilespmem:s25+$0xC420]  }
0x152: {  	[tilespmem:s25+$0x16410] =	vst v1  }
0x153: {  	v61 =	vld.idx.msk [tilespmem:v0+s25+$0x4020 ss:$0x1], $0xffff;
	_ =	sdelay $0x2  }
0x154: {  	v1 =	vmul.f32 $8.000000000e+00, v60;
	_ =	sdelay $0x1  }
0x155: {  	v1 =	vadd.f32 v61, v1  }
0x156: {  	v62 =	vld [tilespmem:s25+$0xC430]  }
0x157: {  	[tilespmem:s25+$0x16420] =	vst v1  }
0x158: {  	v63 =	vld.idx.msk [tilespmem:v0+s25+$0x4030 ss:$0x1], $0xffff;
	_ =	sdelay $0x2  }
0x159: {  	v1 =	vmul.f32 $8.000000000e+00, v62  }
.Ltmp12:
0x15a: {  	s22 =	sadd.s32 s6, s20;
	(pc) =	sbr.rel @p1 .LBB2_20-.Ltmp12, $4  }
0x15b: {  	s18 =	sshll.u32 s22, $0x3;
	v0 =	vadd.f32 v63, v1  }
0x15c: {  	s18 =	sand.u32 $0x1FFFFC00, s18  }
0x15d: {  	s29 =	simm.s32 $0x16400;
	s18 =	sadd.s32 s2, s18;
	[tilespmem:s25+$0x16430] =	vst v0  }
0x15e: {  	[hbm4b:s18+s3] =	stream.linear.scatter [tilespmem:s29], [sflag:$0x8], $0x2000, $0x38;
	[tilespmem:$0x1C400] =	vst v63  }
.Ltmp13:
0x15f: {  	(pc) =	sbr.rel .LBB2_21-.Ltmp13, $4  }
0x160: {  	_ = 	snop  }
0x161: {  	_ =	swait.ge [sflag:s30], $0x2000  }
0x162: {  	[sflag:s30] =	ssyncset.done $0x0  }
0x163: {  	[sflag:s30] =	ssyncadd.s32 $0xFFFFE000  }
.LBB2_20:
0x164: {  	s18 =	smul.u32 $0xA00, s17;
	_ =	sdelay $0x1  }
0x165: {  	s18 =	sshra.s32 s18, $0x2  }
.Ltmp14:
0x166: {  	s20 =	simm.s32 $0xC400;
	s18 =	sadd.s32 $0x1C80, s18;
	(pc) =	sbr.rel @p0 .LBB2_22-.Ltmp14, $4  }
0x167: {  	[tilespmem:s20], [sflag:$0x3] =	stream.indirect.gather [hbm4b:s5+s15], $0x40, s18, s15, $0xb8;
	[tilespmem:$0x1C400] =	vst v63  }
0x168: {  	_ =	swait.ge [sflag:s30], $0x2000  }
0x169: {  	[sflag:s30] =	ssyncset.done $0x0  }
0x16a: {  	[sflag:s30] =	ssyncadd.s32 $0xFFFFE000  }
.LBB2_21:
0x16b: {  	_ =	swait.ge [sflag:s31], $0x2000  }
0x16c: {  	[sflag:s31] =	ssyncset.done $0x0  }
0x16d: {  	[sflag:s31] =	ssyncadd.s32 $0xFFFFE000  }
.LBB2_22:
0x16e: {  	v0 =	vmov s16;
	_ =	sdelay $0x1  }
0x16f: {  	s16 =	simm.s32 $0x0  }
0x170: {  	v1 =	vld [tilespmem:s16+$0xE400];
	_ =	sdelay $0x1  }
0x171: {  	v2 =	vld.idx.msk [tilespmem:v0+s16+$0x6000 ss:$0x1], $0xffff;
	_ =	sdelay $0x2  }
0x172: {  	v1 =	vmul.f32 $8.000000000e+00, v1;
	_ =	sdelay $0x1  }
0x173: {  	v1 =	vadd.f32 v2, v1;
	_ =	sdelay $0x1  }
0x174: {  	[tilespmem:s16+$0x18400] =	vst v1;
	v1 =	vld [tilespmem:s16+$0xE410];
	_ =	sdelay $0x1  }
0x175: {  	v2 =	vld.idx.msk [tilespmem:v0+s16+$0x6010 ss:$0x1], $0xffff;
	_ =	sdelay $0x2  }
0x176: {  	v1 =	vmul.f32 $8.000000000e+00, v1;
	_ =	sdelay $0x1  }
0x177: {  	v1 =	vadd.f32 v2, v1;
	_ =	sdelay $0x1  }
0x178: {  	[tilespmem:s16+$0x18410] =	vst v1;
	v1 =	vld [tilespmem:s16+$0xE420];
	_ =	sdelay $0x1  }
0x179: {  	v2 =	vld.idx.msk [tilespmem:v0+s16+$0x6020 ss:$0x1], $0xffff;
	_ =	sdelay $0x2  }
0x17a: {  	v1 =	vmul.f32 $8.000000000e+00, v1;
	_ =	sdelay $0x1  }
0x17b: {  	v1 =	vadd.f32 v2, v1;
	_ =	sdelay $0x1  }
0x17c: {  	[tilespmem:s16+$0x18420] =	vst v1;
	v1 =	vld [tilespmem:s16+$0xE430];
	_ =	sdelay $0x1  }
0x17d: {  	v2 =	vld.idx.msk [tilespmem:v0+s16+$0x6030 ss:$0x1], $0xffff;
	_ =	sdelay $0x2  }
0x17e: {  	v1 =	vmul.f32 $8.000000000e+00, v1;
	_ =	sdelay $0x1  }
0x17f: {  	v1 =	vadd.f32 v2, v1  }
0x180: {  	s18 =	sadd.s32 $0x180, s12;
	s22 =	simm.s32 $0x40;
	s20 =	simm.s32 $0x200  }
.LBB2_23:
0x181: {  	p2 =	sne.s32 s20, $0x7F00;
	v2 =	vld [tilespmem:s22+$0xE400];
	[tilespmem:s16+$0x18430] =	vst v1;
	s16 =	smov.u32 s22  }
0x182: {  	v1 =	vld.idx.msk [tilespmem:v0+s16+$0x6000 ss:$0x1], $0xffff;
	_ =	sdelay $0x3  }
0x183: {  	v2 =	vmul.f32 $8.000000000e+00, v2;
	_ =	sdelay $0x1  }
0x184: {  	v1 =	vadd.f32 v1, v2;
	_ =	sdelay $0x1  }
0x185: {  	[tilespmem:s16+$0x18400] =	vst v1;
	v1 =	vld [tilespmem:s16+$0xE410]  }
0x186: {  	v2 =	vld.idx.msk [tilespmem:v0+s16+$0x6010 ss:$0x1], $0xffff;
	_ =	sdelay $0x3  }
0x187: {  	v1 =	vmul.f32 $8.000000000e+00, v1;
	_ =	sdelay $0x1  }
0x188: {  	v1 =	vadd.f32 v2, v1;
	_ =	sdelay $0x1  }
0x189: {  	[tilespmem:s16+$0x18410] =	vst v1;
	v1 =	vld [tilespmem:s16+$0xE420]  }
0x18a: {  	v2 =	vld.idx.msk [tilespmem:v0+s16+$0x6020 ss:$0x1], $0xffff;
	_ =	sdelay $0x3  }
0x18b: {  	v1 =	vmul.f32 $8.000000000e+00, v1;
	_ =	sdelay $0x1  }
0x18c: {  	v1 =	vadd.f32 v2, v1;
	_ =	sdelay $0x1  }
0x18d: {  	[tilespmem:s16+$0x18420] =	vst v1;
	v1 =	vld [tilespmem:s16+$0xE430]  }
0x18e: {  	v2 =	vld.idx.msk [tilespmem:v0+s16+$0x6030 ss:$0x1], $0xffff;
	_ =	sdelay $0x2  }
.Ltmp15:
0x18f: {  	(pc) =	sbr.rel @p2 .LBB2_23-.Ltmp15, $3  }
0x190: {  	v1 =	vmul.f32 $8.000000000e+00, v1;
	_ =	sdelay $0x1  }
0x191: {  	v1 =	vadd.f32 v2, v1  }
0x192: {  	s22 =	sshra.s32 s20, $0x2;
	s20 =	sadd.s32 $0x100, s20  }
0x193: {  	_ =	sdelay $0x1  }
0x194: {  	v2 =	vld [tilespmem:s22+$0xE400]  }
0x195: {  	[tilespmem:s16+$0x18430] =	vst v1  }
0x196: {  	v1 =	vld.idx.msk [tilespmem:v0+s22+$0x6000 ss:$0x1], $0xffff;
	_ =	sdelay $0x2  }
0x197: {  	v2 =	vmul.f32 $8.000000000e+00, v2;
	_ =	sdelay $0x1  }
0x198: {  	v1 =	vadd.f32 v1, v2  }
0x199: {  	v58 =	vld [tilespmem:s22+$0xE410]  }
0x19a: {  	[tilespmem:s22+$0x18400] =	vst v1  }
0x19b: {  	v59 =	vld.idx.msk [tilespmem:v0+s22+$0x6010 ss:$0x1], $0xffff;
	_ =	sdelay $0x2  }
0x19c: {  	v1 =	vmul.f32 $8.000000000e+00, v58;
	_ =	sdelay $0x1  }
0x19d: {  	v1 =	vadd.f32 v59, v1  }
0x19e: {  	v60 =	vld [tilespmem:s22+$0xE420]  }
0x19f: {  	[tilespmem:s22+$0x18410] =	vst v1  }
0x1a0: {  	v61 =	vld.idx.msk [tilespmem:v0+s22+$0x6020 ss:$0x1], $0xffff;
	_ =	sdelay $0x2  }
0x1a1: {  	v1 =	vmul.f32 $8.000000000e+00, v60;
	_ =	sdelay $0x1  }
0x1a2: {  	v1 =	vadd.f32 v61, v1  }
0x1a3: {  	v62 =	vld [tilespmem:s22+$0xE430]  }
0x1a4: {  	[tilespmem:s22+$0x18420] =	vst v1  }
0x1a5: {  	v63 =	vld.idx.msk [tilespmem:v0+s22+$0x6030 ss:$0x1], $0xffff;
	_ =	sdelay $0x2  }
0x1a6: {  	v1 =	vmul.f32 $8.000000000e+00, v62  }
.Ltmp16:
0x1a7: {  	s29 =	sadd.s32 s6, s18;
	(pc) =	sbr.rel @p1 .LBB2_26-.Ltmp16, $4  }
0x1a8: {  	s16 =	sshll.u32 s29, $0x3;
	v0 =	vadd.f32 v63, v1  }
0x1a9: {  	s16 =	sand.u32 $0x1FFFFC00, s16  }
0x1aa: {  	s16 =	sadd.s32 s2, s16;
	[tilespmem:s22+$0x18430] =	vst v0  }
0x1ab: {  	[hbm4b:s16+s3] =	stream.linear.scatter [tilespmem:s1], [sflag:$0x9], $0x2000, $0x38;
	[tilespmem:$0x1C400] =	vst v63  }
.Ltmp17:
0x1ac: {  	(pc) =	sbr.rel .LBB2_27-.Ltmp17, $4  }
0x1ad: {  	_ = 	snop  }
0x1ae: {  	_ =	swait.ge [sflag:s0], $0x2000  }
0x1af: {  	[sflag:s0] =	ssyncset.done $0x0  }
0x1b0: {  	[sflag:s0] =	ssyncadd.s32 $0xFFFFE000  }
.LBB2_26:
0x1b1: {  	s16 =	smul.u32 $0xA00, s17;
	_ =	sdelay $0x1  }
0x1b2: {  	s16 =	sshra.s32 s16, $0x2  }
.Ltmp18:
0x1b3: {  	s18 =	simm.s32 $0xE400;
	s16 =	sadd.s32 $0x1D00, s16;
	(pc) =	sbr.rel @p0 .LBB2_28-.Ltmp18, $4  }
0x1b4: {  	[tilespmem:s18], [sflag:$0x4] =	stream.indirect.gather [hbm4b:s5+s15], $0x40, s16, s15, $0xb8;
	[tilespmem:$0x1C400] =	vst v63  }
0x1b5: {  	_ =	swait.ge [sflag:s0], $0x2000  }
0x1b6: {  	[sflag:s0] =	ssyncset.done $0x0  }
0x1b7: {  	[sflag:s0] =	ssyncadd.s32 $0xFFFFE000  }
.LBB2_27:
0x1b8: {  	_ =	swait.ge [sflag:s10], $0x2000  }
0x1b9: {  	[sflag:s10] =	ssyncset.done $0x0  }
0x1ba: {  	[sflag:s10] =	ssyncadd.s32 $0xFFFFE000  }
.LBB2_28:
0x1bb: {  	v0 =	vmov s14;
	_ =	sdelay $0x1  }
0x1bc: {  	s14 =	simm.s32 $0x0  }
0x1bd: {  	v1 =	vld [tilespmem:s14+$0x10400];
	_ =	sdelay $0x1  }
0x1be: {  	v2 =	vld.idx.msk [tilespmem:v0+s14+$0x8000 ss:$0x1], $0xffff;
	_ =	sdelay $0x2  }
0x1bf: {  	v1 =	vmul.f32 $8.000000000e+00, v1;
	_ =	sdelay $0x1  }
0x1c0: {  	v1 =	vadd.f32 v2, v1;
	_ =	sdelay $0x1  }
0x1c1: {  	[tilespmem:s14+$0x1A400] =	vst v1;
	v1 =	vld [tilespmem:s14+$0x10410];
	_ =	sdelay $0x1  }
0x1c2: {  	v2 =	vld.idx.msk [tilespmem:v0+s14+$0x8010 ss:$0x1], $0xffff;
	_ =	sdelay $0x2  }
0x1c3: {  	v1 =	vmul.f32 $8.000000000e+00, v1;
	_ =	sdelay $0x1  }
0x1c4: {  	v1 =	vadd.f32 v2, v1;
	_ =	sdelay $0x1  }
0x1c5: {  	[tilespmem:s14+$0x1A410] =	vst v1;
	v1 =	vld [tilespmem:s14+$0x10420];
	_ =	sdelay $0x1  }
0x1c6: {  	v2 =	vld.idx.msk [tilespmem:v0+s14+$0x8020 ss:$0x1], $0xffff;
	_ =	sdelay $0x2  }
0x1c7: {  	v1 =	vmul.f32 $8.000000000e+00, v1;
	_ =	sdelay $0x1  }
0x1c8: {  	v1 =	vadd.f32 v2, v1;
	_ =	sdelay $0x1  }
0x1c9: {  	[tilespmem:s14+$0x1A420] =	vst v1;
	v1 =	vld [tilespmem:s14+$0x10430];
	_ =	sdelay $0x1  }
0x1ca: {  	v2 =	vld.idx.msk [tilespmem:v0+s14+$0x8030 ss:$0x1], $0xffff;
	_ =	sdelay $0x2  }
0x1cb: {  	v1 =	vmul.f32 $8.000000000e+00, v1;
	_ =	sdelay $0x1  }
0x1cc: {  	v1 =	vadd.f32 v2, v1  }
0x1cd: {  	s12 =	sadd.s32 $0x200, s12;
	s18 =	simm.s32 $0x40;
	s16 =	simm.s32 $0x200  }
.LBB2_29:
0x1ce: {  	p0 =	sne.s32 s16, $0x7F00;
	v2 =	vld [tilespmem:s18+$0x10400];
	[tilespmem:s14+$0x1A430] =	vst v1;
	s14 =	smov.u32 s18  }
0x1cf: {  	v1 =	vld.idx.msk [tilespmem:v0+s14+$0x8000 ss:$0x1], $0xffff;
	_ =	sdelay $0x3  }
0x1d0: {  	v2 =	vmul.f32 $8.000000000e+00, v2;
	_ =	sdelay $0x1  }
0x1d1: {  	v1 =	vadd.f32 v1, v2;
	_ =	sdelay $0x1  }
0x1d2: {  	[tilespmem:s14+$0x1A400] =	vst v1;
	v1 =	vld [tilespmem:s14+$0x10410]  }
0x1d3: {  	v2 =	vld.idx.msk [tilespmem:v0+s14+$0x8010 ss:$0x1], $0xffff;
	_ =	sdelay $0x3  }
0x1d4: {  	v1 =	vmul.f32 $8.000000000e+00, v1;
	_ =	sdelay $0x1  }
0x1d5: {  	v1 =	vadd.f32 v2, v1;
	_ =	sdelay $0x1  }
0x1d6: {  	[tilespmem:s14+$0x1A410] =	vst v1;
	v1 =	vld [tilespmem:s14+$0x10420]  }
0x1d7: {  	v2 =	vld.idx.msk [tilespmem:v0+s14+$0x8020 ss:$0x1], $0xffff;
	_ =	sdelay $0x3  }
0x1d8: {  	v1 =	vmul.f32 $8.000000000e+00, v1;
	_ =	sdelay $0x1  }
0x1d9: {  	v1 =	vadd.f32 v2, v1;
	_ =	sdelay $0x1  }
0x1da: {  	[tilespmem:s14+$0x1A420] =	vst v1;
	v1 =	vld [tilespmem:s14+$0x10430]  }
0x1db: {  	v2 =	vld.idx.msk [tilespmem:v0+s14+$0x8030 ss:$0x1], $0xffff;
	_ =	sdelay $0x2  }
.Ltmp19:
0x1dc: {  	(pc) =	sbr.rel @p0 .LBB2_29-.Ltmp19, $3  }
0x1dd: {  	v1 =	vmul.f32 $8.000000000e+00, v1;
	_ =	sdelay $0x1  }
0x1de: {  	v1 =	vadd.f32 v2, v1  }
0x1df: {  	s18 =	sshra.s32 s16, $0x2;
	s16 =	sadd.s32 $0x100, s16  }
0x1e0: {  	_ =	sdelay $0x1  }
0x1e1: {  	v2 =	vld [tilespmem:s18+$0x10400]  }
0x1e2: {  	[tilespmem:s14+$0x1A430] =	vst v1  }
0x1e3: {  	v1 =	vld.idx.msk [tilespmem:v0+s18+$0x8000 ss:$0x1], $0xffff;
	_ =	sdelay $0x2  }
0x1e4: {  	v2 =	vmul.f32 $8.000000000e+00, v2;
	_ =	sdelay $0x1  }
0x1e5: {  	v1 =	vadd.f32 v1, v2  }
0x1e6: {  	v58 =	vld [tilespmem:s18+$0x10410]  }
0x1e7: {  	[tilespmem:s18+$0x1A400] =	vst v1  }
0x1e8: {  	v59 =	vld.idx.msk [tilespmem:v0+s18+$0x8010 ss:$0x1], $0xffff;
	_ =	sdelay $0x2  }
0x1e9: {  	v1 =	vmul.f32 $8.000000000e+00, v58;
	_ =	sdelay $0x1  }
0x1ea: {  	v1 =	vadd.f32 v59, v1  }
0x1eb: {  	v60 =	vld [tilespmem:s18+$0x10420]  }
0x1ec: {  	[tilespmem:s18+$0x1A410] =	vst v1  }
0x1ed: {  	v61 =	vld.idx.msk [tilespmem:v0+s18+$0x8020 ss:$0x1], $0xffff;
	_ =	sdelay $0x2  }
0x1ee: {  	v1 =	vmul.f32 $8.000000000e+00, v60;
	_ =	sdelay $0x1  }
0x1ef: {  	v1 =	vadd.f32 v61, v1  }
0x1f0: {  	v62 =	vld [tilespmem:s18+$0x10430]  }
0x1f1: {  	[tilespmem:s18+$0x1A420] =	vst v1  }
0x1f2: {  	v63 =	vld.idx.msk [tilespmem:v0+s18+$0x8030 ss:$0x1], $0xffff;
	_ =	sdelay $0x2  }
0x1f3: {  	p0 =	seq.s32 s17, $0x9;
	v1 =	vmul.f32 $8.000000000e+00, v62  }
.Ltmp20:
0x1f4: {  	s12 =	sadd.s32 s6, s12;
	(pc) =	sbr.rel @p0 .LBB2_32-.Ltmp20, $4  }
0x1f5: {  	s12 =	sshll.u32 s12, $0x3;
	v0 =	vadd.f32 v63, v1  }
0x1f6: {  	s12 =	sand.u32 $0x1FFFFC00, s12  }
0x1f7: {  	s12 =	sadd.s32 s2, s12;
	[tilespmem:s18+$0x1A430] =	vst v0  }
0x1f8: {  	[hbm4b:s12+s3] =	stream.linear.scatter [tilespmem:s11], [sflag:$0xA], $0x2000, $0x38;
	[tilespmem:$0x1C400] =	vst v63  }
0x1f9: {  	s12 =	smul.u32 $0xA00, s17  }
.Ltmp21:
0x1fa: {  	s14 =	simm.s32 $0x10400;
	(pc) =	sbr.rel .LBB2_4-.Ltmp21, $4  }
0x1fb: {  	s17 =	sadd.s32 $0x1, s17;
	s4 =	sadd.s32 $0xA000, s4;
	s7 =	sadd.s32 $0x280, s7  }
0x1fc: {  	s19 =	sadd.s32 $0x280, s19;
	s8 =	sadd.s32 $0x280, s8;
	s12 =	sshra.s32 s12, $0x2  }
0x1fd: {  	s13 =	sadd.s32 $0x280, s13;
	s9 =	sadd.s32 $0x280, s9;
	s12 =	sadd.s32 $0x1D80, s12  }
0x1fe: {  	[tilespmem:s14], [sflag:$0x5] =	stream.indirect.gather [hbm4b:s5+s15], $0x40, s12, s15, $0xb8;
	[tilespmem:$0x1C400] =	vst v63  }
.LBB2_33:
0x1ff: {  	_ =	sfence.sel $0x180000  }
0x200: {  	[bflag:$0x0] =	sbarrier.arrive $0xFFFF  }
0x201: {  	_ =	strace $0x90000047  }
0x202: {  	s0 =	stileid.u32;
	[bflag:$0x2] =	sbarrier.arrive $0xFFFF  }
0x203: {  	p0 =	sne.s32 s0, $0x0;
	s0 =	rddreg [dreg:$0x2]  }
0x204: {  	s0 =	sadd.s32 @!p0 $0x100000, s0  }
0x205: {  	[sflag:s0] =	ssyncadd.tile.s32 @!p0 $0x1;
	_ =	shalt  }
.Lfunc_end2:
_tile_overlayer_lowered:
.L_overlay_start_2:
0x206: {  	(tag) =	ssettag $0x2  }
0x207: {  	s0 =	rddreg [dreg:$0x0];
	s2 =	stileid.u32  }
0x208: {  	s1 =	rddreg [dreg:$0x1];
	p0 =	sne.s32 s2, $0x0  }
0x209: {  	s3 =	rddreg [dreg:$0x2];
	[bflag:$0x3] =	sbarrier.arrive $0xFFFF;
	s2 =	simm.s32 @!p0 $0x1C0B  }
0x20a: {  	[timem:s3], [sflag:s2] =	dma.local @!p0 [hbm:s0], s1  }
0x20b: {  	s0 =	simm.s32 @!p0 $0xB  }
0x20c: {  	_ =	swait.ge @!p0 [sflag:s0], s1  }
0x20d: {  	s1 =	ssub.s32 @!p0 $0x0, s1;
	[sflag:s0] =	ssyncset.done @!p0 $0x0  }
0x20e: {  	[sflag:s0] =	ssyncadd.s32 @!p0 s1  }
0x20f: {  	[bflag:$0x3] =	sbarrier.arrive $0xFFFF  }
0x210: {  	_ =	shalt  }

// kernel: sparse-core-data-format-call.cloned.1.call-start
scs
called_computation_lowered:
.L_overlay_start_0:
0x0: {  	s2 =	sld [smem:$0x3FD9]  }
0x1: {  	s3 =	sld [smem:$0x3FFE];
	_ =	sdelay $0x1  }
0x2: {  	s1 =	srdreg.scid  }
0x3: {  	s0 =	sand.u32 $0x1, s1  }
0x4: {  	s18 =	sshll.u32 s0, $0xA;
	s2 =	sadd.s32 s3, s2  }
0x5: {  	s2 =	sadd.s32 s2, s18  }
0x6: {  	[smem:$0x3FC6] =	sst s2  }
0x7: {  	_ = 	snop  }
0x8: {  	s2 =	sld [smem:$0x3FD0];
	(tm) =	ssettm $0x1  }
0x9: {  	s19 =	sld [smem:$0x3FFB];
	_ =	sdelay $0x3  }
0xa: {  	_ =	strace s19  }
0xb: {  	s3 =	sld [smem:$0x3FFC];
	_ =	sdelay $0x3  }
0xc: {  	_ =	strace s3  }
0xd: {  	s3 =	sld [smem:$0x3FFD];
	_ =	sdelay $0x3  }
0xe: {  	_ =	strace s3  }
0xf: {  	_ =	strace $0x8FFFFFFF  }
0x10: {  	s20 =	sld [smem:$0x3FDB];
	_ =	sdelay $0x1  }
0x11: {  	s4 =	simm.s32 $_scs_section_size  }
0x12: {  	s5 =	simm.s32 $_size__tile_overlayer_lowered;
	s6 =	simm.s32 $_tile_overlayer_lowered  }
0x13: {  	s23 =	simm.s32 $0x1BFF;
	s22 =	sshll.u32 s6, $0x1;
	s3 =	sadd.s32 s4, s20  }
0x14: {  	s7 =	simm.s32 $0x0;
	s21 =	sshll.u32 s5, $0x1;
	s5 =	sadd.s32 s22, s3  }
0x15: {  	[timem:s7], [sflag:s23] =	dma.local [hbm:s5], s21  }
0x16: {  	_ =	swait.ge [sflag:s23], s21  }
0x17: {  	s4 =	ssub.s32 $0x0, s21;
	[sflag:s23] =	ssyncset.done $0x0  }
0x18: {  	[sflag:s23] =	ssyncadd.s32 s4;
	_ =	sdelay $0x1  }
0x19: {  	s24 =	simm.s32 $0x1B8B  }
0x1a: {  	_ =	swait.ge [sflag:s24], $0x1  }
0x1b: {  	[sflag:s24] =	ssyncset.done $0x0  }
0x1c: {  	s26 =	simm.s32 $0x1B8E;
	s25 =	sld [smem:$0x3FFE];
	[sflag:s24] =	ssyncadd.s32 $0xFFFFFFFF  }
0x1d: {  	s27 =	simm.s32 $execute0_lowered;
	[smem:$0x3FD2] =	sst s26  }
0x1e: {  	s5 =	sshll.u32 s27, $0x1;
	_ =	strace $0x80000049;
	[dreg:$0x1] =	wrdreg $0xFFFFFFFF  }
0x1f: {  	s28 =	simm.s32 $_size_execute0_lowered;
	s3 =	sadd.s32 s3, s5;
	[dreg:$0x0] =	wrdreg $0x0  }
0x20: {  	s5 =	sshll.u32 s28, $0x1;
	[dreg:$0x2] =	wrdreg s3  }
0x21: {  	[dreg:$0x3] =	wrdreg s5  }
0x22: {  	[dreg:$0x4] =	wrdreg $0xC0  }
0x23: {  	_ =	task [dreg:s7], $0x5FFFF  }
0x24: {  	[dreg:$0x1] =	wrdreg $0xFFFFFFFF  }
0x25: {  	[dreg:$0x0] =	wrdreg $0x60  }
0x26: {  	[dreg:$0x2] =	wrdreg s25  }
0x27: {  	[dreg:$0x3] =	wrdreg s2  }
0x28: {  	[dreg:$0x4] =	wrdreg $0x9  }
0x29: {  	_ =	task.clear_ibuf [dreg:s7], $0x5FFFF;
	_ =	strace $0x90000049  }
0x2a: {  	s29 =	simm.s32 $0x9;
	_ =	strace $0x8000004B  }
0x2b: {  	_ =	swait.ge [sflag:s29], $0x1  }
0x2c: {  	[sflag:s29] =	ssyncadd.s32 $0xFFFFFFFF  }
0x2d: {  	_ =	strace $0x9000004B  }
0x2e: {  	_ =	sfence  }
0x2f: {  	s30 =	sld [smem:$0x0];
	_ =	sdelay $0x2  }
0x30: {  	s31 =	sshll.u32 s1, $0xD;
	s1 =	sshrl.u32 s1, $0x2  }
0x31: {  	s3 =	sand.u32 $0x4000, s31;
	s1 =	sadd.s32 s1, s30  }
0x32: {  	s0 =	sor.u32 s3, s0;
	s1 =	sshll.u32 s1, $0x11  }
0x33: {  	s0 =	sor.u32 s1, s0  }
0x34: {  	s0 =	sadd.s32 $0x8F2B, s0  }
0x35: {  	[sflag:s0] =	ssyncadd.remote.s32 $0x1  }
0x36: {  	_ =	sfence.sel $0xFFFF  }
0x37: {  	[dreg:$0x0] =	wrdreg $0xFFFFFFFF;
	(pc) =	sbr.abs _section_cstart, $3  }
0x38: {  	[dreg:$0x1] =	wrdreg $0xFFFFFFFF  }
0x39: {  	_ =	task.clear_ibuf [dreg:s7], $0x2FFFF;
	_ =	strace $0x9FFFFFFF  }
0x3a: {  	(tm) =	ssettm $0x7FFFFFFF  }
0x3b: {  	_ =	shalt  }
tec
execute0_lowered:
.L_overlay_start_1:
0x0: {  	(tag) =	ssettag $0x1  }
0x1: {  	s0 =	stileid.u32;
	s6 =	rddreg [dreg:$0x0]  }
0x2: {  	s2 =	rddreg [dreg:$0x1];
	s5 =	srdreg.scid  }
0x3: {  	s31 =	simm.s32 $0x2;
	s13 =	simm.s32 $0x0;
	s1 =	sshll.u32 s0, $0x7  }
0x4: {  	s14 =	simm.s32 $0x0;
	s12 =	simm.s32 $0x0;
	s3 =	sand.u32 $0x380, s1  }
0x5: {  	s5 =	sshll.u32 s5, $0x4;
	s6 =	sadd.s32 $0x200, s6;
	s4 =	ssub.s32 $0x400, s3  }
0x6: {  	s1 =	rddreg [dreg:$0x2];
	_ =	strace $0x8000004A;
	s7 =	sand.u32 $0x380, s4  }
0x7: {  	s5 =	sand.u32 $0x10, s5;
	p0 =	sne.s32 s7, $0x0;
	s7 =	simm.s32 $0x1  }
.Ltmp0:
0x8: {  	s8 =	sshrl.u32 s4, $0xA;
	s7 =	simm.s32 @!p0 $0x0;
	(pc) =	sbr.rel .LBB1_1-.Ltmp0, $4  }
0x9: {  	s9 =	sor.u32 s0, s5;
	s4 =	simm.s32 $0x1;
	s30 =	sadd.s32 s7, s8  }
0xa: {  	s11 =	smov.u32 s3;
	[sflag:s4] =	ssyncpa.u1 $0x0;
	s5 =	smul.u32 $0x32, s30  }
0xb: {  	[sflag:s31] =	ssyncpa.u1 $0x0;
	p0 =	por $0x0, $0x0;
	s7 =	sshrl.u32 s9, $0x3  }
0xc: {  	s9 =	simm.s32 $0x2000;
	s10 =	smov.u32 s7;
	s8 =	sor.u32 $0x1, s5  }
.LBB1_4:
0xd: {  	s17 =	sand.u32 $0x1F80, s14;
	s13 =	sshll.u32 s13, $0xD  }
0xe: {  	[tilespmem:s16+$0x810 ss:$0x81] =	vst.msk $0xffff, v2;
	s18 =	sshrl.u32 s14, $0x3;
	s31 =	sand.u32 $0x7, s14;
	s17 =	sadd.s32 s2, s17  }
0xf: {  	[tilespmem:s16+$0x1020 ss:$0x81] =	vst.msk $0xffff, v0;
	s18 =	sand.u32 $0xF, s18;
	s14 =	sshll.u32 s31, $0x12;
	s13 =	sadd.s32 s13, s17  }
0x10: {  	[tilespmem:s16+$0x0 ss:$0x81] =	vst.msk $0xffff, v1;
	s14 =	sor.u32 $0x400, s14;
	s13 =	sadd.s32 s18, s13  }
0x11: {  	[hbm4b:s13+s14] =	stream.strided.scatter [tilespmem:s15], [sflag:$0x2], $0x2000, s9, s14, $0x20;
	[tilespmem:$0x8080] =	vst v63  }
.LBB1_5:
0x12: {  	s15 =	sadd.s32 $0x4, s10  }
0x13: {  	s13 =	sadd.s32 $0x400, s11;
	s17 =	smov.u32 s11;
	p2 =	sgt.s32 s15, $0xC7  }
0x14: {  	s17 =	smov.u32 @p2 s13  }
0x15: {  	s15 =	smov.u32 @p2 s7;
	p2 =	sgt.s32 s17, $0x3FF  }
0x16: {  	s17 =	smov.u32 @p2 s3;
	p2 =	sne.s32 s12, s8  }
.Ltmp1:
0x17: {  	p1 =	slt.u32 s12, $0x2;
	(pc) =	sbr.rel @!p2 .LBB1_6-.Ltmp1, $4  }
0x18: {  	s16 =	simm.s32 @!p1 $0x2  }
0x19: {  	s14 =	smov.u32 s11;
	p0 =	por !p0, !p0;
	_ =	swait.ge @!p1 [sflag:s16], $0x2000  }
0x1a: {  	s13 =	smov.u32 s10;
	[sflag:s16] =	ssyncset.done @!p1 $0x0;
	s10 =	smov.u32 s15  }
0x1b: {  	s12 =	sadd.s32 $0x1, s12;
	[sflag:s16] =	ssyncadd.s32 @!p1 $0xFFFFE000;
	s11 =	smov.u32 s17  }
.LBB1_1:
0x1c: {  	p1 =	sge.u32 s12, s5  }
0x1d: {  	s15 =	sand.u32 @!p1 $0x1FFFFFF, s10  }
0x1e: {  	s16 =	smulhi.u32 @!p1 $0x147AE15, s15;
	_ =	sdelay $0x1  }
0x1f: {  	s16 =	smul.u32 @!p1 $0xC8, s16  }
0x20: {  	s17 =	sxor.u32 @!p1 $0xFFFFFFFF, s12;
	s18 =	smul.u32 @!p1 $0xC80, s11  }
0x21: {  	s31 =	sadd.s32 $0xFFFFFFFF, s12;
	s17 =	sshll.u32 @!p1 s17, $0xD;
	s15 =	ssub.s32 @!p1 s15, s16  }
0x22: {  	s16 =	sand.u32 @!p1 $0x2000, s17;
	s17 =	sadd.s32 @!p1 s6, s18;
	s15 =	sshll.u32 @!p1 s15, $0x4  }
0x23: {  	s18 =	simm.s32 @!p1 $0x6400;
	s15 =	sadd.s32 @!p1 s15, s17;
	s17 =	simm.s32 @!p1 $0x40  }
0x24: {  	[tilespmem:s16], [sflag:$0x1] =	stream.strided.gather @!p1 [hbm4b:s15+s17], $0x2000, s18, s17, $0x38;
	[tilespmem:$0x8080] =	vst v63  }
0x25: {  	p1 =	sge.u32 s31, s5  }
.Ltmp2:
0x26: {  	_ = 	snop;
	(pc) =	sbr.rel @p1 .LBB1_5-.Ltmp2, $1  }
0x27: {  	_ =	sdelay $0x3  }
0x28: {  	s15 =	simm.s32 $0x1  }
0x29: {  	_ =	swait.ge [sflag:s4], $0x2000;
	s15 =	simm.s32 @!p0 $0x0  }
0x2a: {  	[sflag:s4] =	ssyncset.done $0x0;
	s16 =	sshll.u32 s15, $0xD  }
0x2b: {  	[sflag:s4] =	ssyncadd.s32 $0xFFFFE000;
	s19 =	sor.u32 $0x20, s16  }
0x2c: {  	s15 =	smul.u32 $0x8100, s15;
	v3 =	vld [tilespmem:s19+$0x10]  }
0x2d: {  	s30 =	sand.u32 $0x1, s12;
	v2 =	vld [tilespmem:s19+$0xFFFFFFF0]  }
0x2e: {  	s16 =	smul.u32 $0x8100, s30;
	s15 =	sshrl.u32 s15, $0x2;
	v0 =	vld [tilespmem:s19+$0x0]  }
0x2f: {  	v1 =	vld [tilespmem:s19+$0xFFFFFFE0];
	s17 =	sor.u32 $0x4000, s15  }
0x30: {  	s31 =	sshrl.u32 s16, $0x2;
	s16 =	sadd.s32 $0x0, s17  }
0x31: {  	s18 =	simm.s32 $0x4;
	s19 =	sadd.s32 $0x40, s19;
	s15 =	sor.u32 $0x4000, s31;
	[tilespmem:s16+$0x1830 ss:$0x81] =	vst.msk $0xffff, v3  }
.LBB1_3:
0x32: {  	v3 =	vld [tilespmem:s19+$0x10];
	p1 =	sne.s32 s18, $0x1FC;
	[tilespmem:s16+$0x810 ss:$0x81] =	vst.msk $0xffff, v2;
	s20 =	smov.u32 s18;
	s18 =	sadd.s32 $0x4, s18  }
.Ltmp3:
0x33: {  	v2 =	vld [tilespmem:s19+$0xFFFFFFF0];
	[tilespmem:s16+$0x1020 ss:$0x81] =	vst.msk $0xffff, v0;
	(pc) =	sbr.rel @p1 .LBB1_3-.Ltmp3, $4  }
0x34: {  	v0 =	vld [tilespmem:s19+$0x0];
	[tilespmem:s16+$0x0 ss:$0x81] =	vst.msk $0xffff, v1  }
0x35: {  	s16 =	sshra.s32 s20, $0x2;
	v1 =	vld [tilespmem:s19+$0xFFFFFFE0]  }
0x36: {  	s16 =	sadd.s32 s16, s17  }
0x37: {  	s19 =	sadd.s32 $0x40, s19;
	[tilespmem:s16+$0x1830 ss:$0x81] =	vst.msk $0xffff, v3  }
.Ltmp4:
0x38: {  	_ = 	snop;
	(pc) =	sbr.rel .LBB1_4-.Ltmp4, $1  }
0x39: {  	_ =	sdelay $0x3  }
.LBB1_6:
0x3a: {  	_ =	sfence.sel $0x180000  }
0x3b: {  	s2 =	simm.s32 $0x1;
	[bflag:$0x0] =	sbarrier.arrive $0xFFFF  }
0x3c: {  	s31 =	simm.s32 $0x2;
	[sflag:s2] =	ssyncpa.u1 $0x1  }
0x3d: {  	[sflag:s31] =	ssyncpa.u1 $0x1  }
0x3e: {  	p0 =	sne.s32 s0, $0x0;
	_ =	strace $0x9000004A  }
0x3f: {  	s0 =	sadd.s32 @!p0 $0x100000, s1;
	[bflag:$0x2] =	sbarrier.arrive $0xFFFF  }
0x40: {  	[sflag:s0] =	ssyncadd.tile.s32 @!p0 $0x1;
	_ =	shalt  }
.Lfunc_end1:
_tile_overlayer_lowered:
.L_overlay_start_2:
0x41: {  	(tag) =	ssettag $0x2  }
0x42: {  	s0 =	rddreg [dreg:$0x0];
	s2 =	stileid.u32  }
0x43: {  	s1 =	rddreg [dreg:$0x1];
	p0 =	sne.s32 s2, $0x0  }
0x44: {  	s3 =	rddreg [dreg:$0x2];
	[bflag:$0x3] =	sbarrier.arrive $0xFFFF;
	s2 =	simm.s32 @!p0 $0x1C01  }
0x45: {  	[timem:s3], [sflag:s2] =	dma.local @!p0 [hbm:s0], s1  }
0x46: {  	s0 =	simm.s32 @!p0 $0x1  }
0x47: {  	_ =	swait.ge @!p0 [sflag:s0], s1  }
0x48: {  	s1 =	ssub.s32 @!p0 $0x0, s1;
	[sflag:s0] =	ssyncset.done @!p0 $0x0  }
0x49: {  	[sflag:s0] =	ssyncadd.s32 @!p0 s1  }
0x4a: {  	[bflag:$0x3] =	sbarrier.arrive $0xFFFF  }
0x4b: {  	_ =	shalt  }

</sc_bundles>
